<compile_context>
chip_gen: v7x
topology: tpu7x:2x2x1
jax: 0.10.2.dev20260603
libtpu: 0.0.44.dev20260713+nightly
codegen_flags: <defaults>
</compile_context>

<pallas_src>
import functools

import jax
import jax.numpy as jnp
from jax import lax
from jax.experimental import pallas as pl
from jax.experimental.pallas import tpu as pltpu
from jax.experimental.pallas import tpu_sc as plsc

_ROW_BLK = 512
_NC = 2
_NS = 16
_NW = _NC * _NS
_LANES = 16


def _colstats_body(b_ref, g_out, m_scr, d_scr):
    i = pl.program_id(0)
    blk = b_ref[...]
    bm = jnp.max(blk, axis=0, keepdims=True)
    e = jnp.where(blk != 0.0, jnp.exp(blk - bm), 0.0)
    bs = jnp.sum(e, axis=0, keepdims=True)
    m_scr[pl.ds(i, 1), :] = bm
    d_scr[pl.ds(i, 1), :] = bs

    @pl.when(i == pl.num_programs(0) - 1)
    def _():
        ms = m_scr[...]
        ds = d_scr[...]
        m = jnp.max(ms, axis=0, keepdims=True)
        d = jnp.sum(ds * jnp.exp(ms - m), axis=0, keepdims=True)
        g_out[...] = m + jnp.log(d)


def _colstats(b):
    n = b.shape[0]
    nblk = n // _ROW_BLK
    g = pl.pallas_call(
        _colstats_body,
        grid=(nblk,),
        in_specs=[pl.BlockSpec((_ROW_BLK, n), lambda i: (i, 0))],
        out_specs=pl.BlockSpec((1, n), lambda i: (0, 0)),
        out_shape=jax.ShapeDtypeStruct((1, n), jnp.float32),
        scratch_shapes=[
            pltpu.VMEM((nblk, n), jnp.float32),
            pltpu.VMEM((nblk, n), jnp.float32),
        ],
        compiler_params=pltpu.CompilerParams(
            dimension_semantics=("parallel",)),
    )(b)
    return g.reshape(n)


def _make_sc_bgather(batch, n):
    per_w = batch // _NW
    chunk = 128
    n_chunks = per_w // chunk
    mesh = plsc.VectorSubcoreMesh(core_axis_name="c", subcore_axis_name="s")

    @functools.partial(
        pl.kernel,
        mesh=mesh,
        out_type=jax.ShapeDtypeStruct((batch,), jnp.float32),
        scratch_types=[
            pltpu.VMEM((per_w,), jnp.int32),
            pltpu.VMEM((per_w,), jnp.int32),
            pltpu.VMEM((n_chunks, chunk), jnp.int32),
            pltpu.VMEM((n_chunks, chunk), jnp.float32),
            pltpu.SemaphoreType.DMA,
        ],
    )
    def sc_bgather(x_hbm, y_hbm, bflat_hbm, out_hbm, xv, yv, idxv, bv, sem):
        wid = lax.axis_index("s") * _NC + lax.axis_index("c")
        base = wid * per_w
        loads = [
            pltpu.async_copy(x_hbm.at[pl.ds(base, per_w)], xv, sem),
            pltpu.async_copy(y_hbm.at[pl.ds(base, per_w)], yv, sem),
        ]
        for c in loads:
            c.wait()
        nct = n // 128
        for k in range(n_chunks):
            for j in range(chunk // _LANES):
                sl = pl.ds(k * chunk + j * _LANES, _LANES)
                sl2 = pl.ds(j * _LANES, _LANES)
                xs = xv[sl]
                ys = yv[sl]
                idxv[k, sl2] = (
                    (((xs >> 3) * nct + (ys >> 7)) << 10)
                    + ((xs & 7) << 7) + (ys & 127))
        copies = [
            pltpu.async_copy(bflat_hbm.at[idxv.at[k]], bv.at[k], sem)
            for k in range(n_chunks)
        ]
        for c in copies:
            c.wait()
        for k in range(n_chunks):
            pltpu.sync_copy(bv.at[k],
                            out_hbm.at[pl.ds(base + k * chunk, chunk)])

    return sc_bgather


def _make_sc_combine(batch, n):
    per_w = batch // _NW
    chunk = 128
    n_chunks = per_w // chunk
    mesh = plsc.VectorSubcoreMesh(core_axis_name="c", subcore_axis_name="s")

    @functools.partial(
        pl.kernel,
        mesh=mesh,
        out_type=jax.ShapeDtypeStruct((batch,), jnp.float32),
        scratch_types=[
            pltpu.VMEM((per_w,), jnp.float32),
            pltpu.VMEM((n_chunks, chunk), jnp.int32),
            pltpu.VMEM((n_chunks, chunk), jnp.float32),
            pltpu.VMEM((per_w,), jnp.float32),
            pltpu.SemaphoreType.DMA,
            [pltpu.SemaphoreType.DMA] * 4,
            pltpu.SemaphoreType.DMA,
        ],
    )
    def sc_combine(y_hbm, b_hbm, g_hbm, out_hbm,
                   bvals, yidx, gv, outv, sem, gsems, osem):
        wid = lax.axis_index("s") * _NC + lax.axis_index("c")
        base = wid * per_w
        loads = []
        for k in range(n_chunks):
            loads.append(pltpu.async_copy(
                y_hbm.at[pl.ds(base + k * chunk, chunk)], yidx.at[k], sem))
        loads.append(
            pltpu.async_copy(b_hbm.at[pl.ds(base, per_w)], bvals, sem))
        for c in loads:
            c.wait()
        copies = [
            pltpu.async_copy(g_hbm.at[yidx.at[k]], gv.at[k], gsems[k % 4])
            for k in range(n_chunks)
        ]
        stores = []
        for k in range(n_chunks):
            copies[k].wait()
            for j in range(chunk // _LANES):
                sl = pl.ds(k * chunk + j * _LANES, _LANES)
                sl2 = pl.ds(j * _LANES, _LANES)
                b = bvals[sl]
                val = jnp.exp(b - gv[k, sl2])
                outv[sl] = jnp.where(b != 0.0, val, 0.0)
            stores.append(pltpu.async_copy(
                outv.at[pl.ds(k * chunk, chunk)],
                out_hbm.at[pl.ds(base + k * chunk, chunk)], osem))
        for c in stores:
            c.wait()

    return sc_combine


def kernel(x, y, B):
    n = B.shape[0]
    batch = x.shape[0]
    xf = x.reshape(batch)
    yf = y.reshape(batch)
    bt = jnp.transpose(
        B.reshape(n // 8, 8, n // 128, 128), (0, 2, 1, 3)).reshape(n * n)
    bvals = _make_sc_bgather(batch, n)(xf, yf, bt)
    g = _colstats(B)
    out = _make_sc_combine(batch, n)(yf, bvals, g)
    return out.reshape(x.shape)

# --- scband reference (transcript-rebuilt; emitter-appended) ---
"""Pipeline reference for scband-graph-local-filter-basis-gat-24077586661963 (READ-ONLY COPY).

The authoritative reference and input builder live on the scoring server;
editing this copy changes nothing except your own understanding.
"""

import jax, jax.numpy as jnp
import numpy as np

N = 4096
BATCH = 16384

def setup_inputs(seed: int = 0) -> dict:
    key = jax.random.key(seed)
    k1, k2, k3 = jax.random.split(key, 3)
    B = jax.random.normal(k1, (N, N), dtype=jnp.float32)
    x = jax.random.randint(k2, (BATCH, 1), 0, N, dtype=jnp.int32)
    y = jax.random.randint(k3, (BATCH, 1), 0, N, dtype=jnp.int32)
    return {"x": x, "y": y, "B": B}

def reference(x, y, B):
    # get_filter(): column-wise softmax, mask nonzeros of original B, renormalize
    norm_f = jax.nn.softmax(B, axis=0)
    mask = (B != 0.0).astype(B.dtype)
    masked_f = norm_f * mask
    masked_f = masked_f / jnp.sum(masked_f, axis=0)
    # advanced-index gather: filter[x, y] with x, y of shape [batch, 1]
    return masked_f[x, y]

if __name__ == "__main__":
    import jax
    _d = setup_inputs()
    print(jax.jit(kernel)(*tuple(_d.values())))

</pallas_src>

<mosaic_0001>
#map = affine_map<(d0, d1) -> (0)>
module attributes {stable_mosaic.version = 14 : i64} {
  func.func @sc_combine(%arg0: i32, %arg1: i32, %arg2: memref<16384xi32, #tpu.memory_space<hbm>>, %arg3: memref<16384xf32, #tpu.memory_space<hbm>>, %arg4: memref<4096xf32, #tpu.memory_space<hbm>>, %arg5: memref<16384xf32, #tpu.memory_space<hbm>>, %arg6: memref<512xf32, #tpu.memory_space<vmem>>, %arg7: memref<4x128xi32, #tpu.memory_space<vmem>>, %arg8: memref<4x128xf32, #tpu.memory_space<vmem>>, %arg9: memref<512xf32, #tpu.memory_space<vmem>>, %arg10: memref<!tpu.dma_semaphore, #tpu.memory_space<semaphore_mem>>, %arg11: memref<!tpu.dma_semaphore, #tpu.memory_space<semaphore_mem>>, %arg12: memref<!tpu.dma_semaphore, #tpu.memory_space<semaphore_mem>>, %arg13: memref<!tpu.dma_semaphore, #tpu.memory_space<semaphore_mem>>, %arg14: memref<!tpu.dma_semaphore, #tpu.memory_space<semaphore_mem>>, %arg15: memref<!tpu.dma_semaphore, #tpu.memory_space<semaphore_mem>>) attributes {dimension_semantics = [#tpu.dimension_semantics<core_parallel>, #tpu.dimension_semantics<subcore_parallel>], iteration_bounds = array<i64: 2, 16>, scalar_prefetch = 0 : i64, scratch_operands = 10 : i64, tpu.core_type = #tpu.core_type<sc_vector_subcore>, window_params = [{transform_indices = #map}, {transform_indices = #map}, {transform_indices = #map}, {transform_indices = #map}]} {
    %mul3A = arith.constant 2 : i32
    %mul3A_0 = arith.muli %arg1, %mul3A : i32
    %add3A = arith.addi %mul3A_0, %arg0 : i32
    %mul3A_1 = arith.constant 512 : i32
    %mul3A_2 = arith.muli %add3A, %mul3A_1 : i32
    %add3A_3 = arith.constant 0 : i32
    %add3A_4 = arith.addi %mul3A_2, %add3A_3 : i32
    %dma_start3A = arith.constant 0 : i32
    %dma_start3A_5 = arith.constant 0 : i32
    %dma_start3A_6 = tpu.memref_slice %arg7[%dma_start3A, %dma_start3A_5] : memref<4x128xi32, #tpu.memory_space<vmem>> -> memref<1x128xi32, #tpu.memory_space<vmem>>
    %dma_start3A_7 = tpu.memref_squeeze %dma_start3A_6 : memref<1x128xi32, #tpu.memory_space<vmem>> -> memref<128xi32, #tpu.memory_space<vmem>>
    %dma_start3A_8 = tpu.memref_slice %arg2[%add3A_4] : memref<16384xi32, #tpu.memory_space<hbm>> -> memref<128xi32, #tpu.memory_space<hbm>>
    %dma_start3A_9 = arith.constant 0 : i32
    %dma_start3A_10 = tpu.memref_slice %arg7[%dma_start3A, %dma_start3A_9] : memref<4x128xi32, #tpu.memory_space<vmem>> -> memref<1x128xi32, #tpu.memory_space<vmem>>
    %dma_start3A_11 = tpu.memref_squeeze %dma_start3A_10 : memref<1x128xi32, #tpu.memory_space<vmem>> -> memref<128xi32, #tpu.memory_space<vmem>>
    %dma_start3A_12 = tpu.memref_slice %arg2[%add3A_4] : memref<16384xi32, #tpu.memory_space<hbm>> -> memref<128xi32, #tpu.memory_space<hbm>>
    tpu.enqueue_dma source(%dma_start3A_12 : memref<128xi32, #tpu.memory_space<hbm>>) target(%dma_start3A_11 : memref<128xi32, #tpu.memory_space<vmem>>) target_semaphore(%arg10 : memref<!tpu.dma_semaphore, #tpu.memory_space<semaphore_mem>>)
    %add3A_13 = arith.constant 128 : i32
    %add3A_14 = arith.addi %mul3A_2, %add3A_13 : i32
    %dma_start3A_15 = arith.constant 1 : i32
    %dma_start3A_16 = arith.constant 0 : i32
    %dma_start3A_17 = tpu.memref_slice %arg7[%dma_start3A_15, %dma_start3A_16] : memref<4x128xi32, #tpu.memory_space<vmem>> -> memref<1x128xi32, #tpu.memory_space<vmem>>
    %dma_start3A_18 = tpu.memref_squeeze %dma_start3A_17 : memref<1x128xi32, #tpu.memory_space<vmem>> -> memref<128xi32, #tpu.memory_space<vmem>>
    %dma_start3A_19 = tpu.memref_slice %arg2[%add3A_14] : memref<16384xi32, #tpu.memory_space<hbm>> -> memref<128xi32, #tpu.memory_space<hbm>>
    %dma_start3A_20 = arith.constant 0 : i32
    %dma_start3A_21 = tpu.memref_slice %arg7[%dma_start3A_15, %dma_start3A_20] : memref<4x128xi32, #tpu.memory_space<vmem>> -> memref<1x128xi32, #tpu.memory_space<vmem>>
    %dma_start3A_22 = tpu.memref_squeeze %dma_start3A_21 : memref<1x128xi32, #tpu.memory_space<vmem>> -> memref<128xi32, #tpu.memory_space<vmem>>
    %dma_start3A_23 = tpu.memref_slice %arg2[%add3A_14] : memref<16384xi32, #tpu.memory_space<hbm>> -> memref<128xi32, #tpu.memory_space<hbm>>
    tpu.enqueue_dma source(%dma_start3A_23 : memref<128xi32, #tpu.memory_space<hbm>>) target(%dma_start3A_22 : memref<128xi32, #tpu.memory_space<vmem>>) target_semaphore(%arg10 : memref<!tpu.dma_semaphore, #tpu.memory_space<semaphore_mem>>)
    %add3A_24 = arith.constant 256 : i32
    %add3A_25 = arith.addi %mul3A_2, %add3A_24 : i32
    %dma_start3A_26 = arith.constant 2 : i32
    %dma_start3A_27 = arith.constant 0 : i32
    %dma_start3A_28 = tpu.memref_slice %arg7[%dma_start3A_26, %dma_start3A_27] : memref<4x128xi32, #tpu.memory_space<vmem>> -> memref<1x128xi32, #tpu.memory_space<vmem>>
    %dma_start3A_29 = tpu.memref_squeeze %dma_start3A_28 : memref<1x128xi32, #tpu.memory_space<vmem>> -> memref<128xi32, #tpu.memory_space<vmem>>
    %dma_start3A_30 = tpu.memref_slice %arg2[%add3A_25] : memref<16384xi32, #tpu.memory_space<hbm>> -> memref<128xi32, #tpu.memory_space<hbm>>
    %dma_start3A_31 = arith.constant 0 : i32
    %dma_start3A_32 = tpu.memref_slice %arg7[%dma_start3A_26, %dma_start3A_31] : memref<4x128xi32, #tpu.memory_space<vmem>> -> memref<1x128xi32, #tpu.memory_space<vmem>>
    %dma_start3A_33 = tpu.memref_squeeze %dma_start3A_32 : memref<1x128xi32, #tpu.memory_space<vmem>> -> memref<128xi32, #tpu.memory_space<vmem>>
    %dma_start3A_34 = tpu.memref_slice %arg2[%add3A_25] : memref<16384xi32, #tpu.memory_space<hbm>> -> memref<128xi32, #tpu.memory_space<hbm>>
    tpu.enqueue_dma source(%dma_start3A_34 : memref<128xi32, #tpu.memory_space<hbm>>) target(%dma_start3A_33 : memref<128xi32, #tpu.memory_space<vmem>>) target_semaphore(%arg10 : memref<!tpu.dma_semaphore, #tpu.memory_space<semaphore_mem>>)
    %add3A_35 = arith.constant 384 : i32
    %add3A_36 = arith.addi %mul3A_2, %add3A_35 : i32
    %dma_start3A_37 = arith.constant 3 : i32
    %dma_start3A_38 = arith.constant 0 : i32
    %dma_start3A_39 = tpu.memref_slice %arg7[%dma_start3A_37, %dma_start3A_38] : memref<4x128xi32, #tpu.memory_space<vmem>> -> memref<1x128xi32, #tpu.memory_space<vmem>>
    %dma_start3A_40 = tpu.memref_squeeze %dma_start3A_39 : memref<1x128xi32, #tpu.memory_space<vmem>> -> memref<128xi32, #tpu.memory_space<vmem>>
    %dma_start3A_41 = tpu.memref_slice %arg2[%add3A_36] : memref<16384xi32, #tpu.memory_space<hbm>> -> memref<128xi32, #tpu.memory_space<hbm>>
    %dma_start3A_42 = arith.constant 0 : i32
    %dma_start3A_43 = tpu.memref_slice %arg7[%dma_start3A_37, %dma_start3A_42] : memref<4x128xi32, #tpu.memory_space<vmem>> -> memref<1x128xi32, #tpu.memory_space<vmem>>
    %dma_start3A_44 = tpu.memref_squeeze %dma_start3A_43 : memref<1x128xi32, #tpu.memory_space<vmem>> -> memref<128xi32, #tpu.memory_space<vmem>>
    %dma_start3A_45 = tpu.memref_slice %arg2[%add3A_36] : memref<16384xi32, #tpu.memory_space<hbm>> -> memref<128xi32, #tpu.memory_space<hbm>>
    tpu.enqueue_dma source(%dma_start3A_45 : memref<128xi32, #tpu.memory_space<hbm>>) target(%dma_start3A_44 : memref<128xi32, #tpu.memory_space<vmem>>) target_semaphore(%arg10 : memref<!tpu.dma_semaphore, #tpu.memory_space<semaphore_mem>>)
    %dma_start3A_46 = tpu.memref_slice %arg3[%mul3A_2] : memref<16384xf32, #tpu.memory_space<hbm>> -> memref<512xf32, #tpu.memory_space<hbm>>
    %dma_start3A_47 = tpu.memref_slice %arg3[%mul3A_2] : memref<16384xf32, #tpu.memory_space<hbm>> -> memref<512xf32, #tpu.memory_space<hbm>>
    tpu.enqueue_dma source(%dma_start3A_47 : memref<512xf32, #tpu.memory_space<hbm>>) target(%arg6 : memref<512xf32, #tpu.memory_space<vmem>>) target_semaphore(%arg10 : memref<!tpu.dma_semaphore, #tpu.memory_space<semaphore_mem>>)
    %dma_wait3A = arith.constant 0 : i32
    %dma_wait3A_48 = arith.constant 0 : i32
    %dma_wait3A_49 = tpu.memref_slice %arg7[%dma_wait3A, %dma_wait3A_48] : memref<4x128xi32, #tpu.memory_space<vmem>> -> memref<1x128xi32, #tpu.memory_space<vmem>>
    %dma_wait3A_50 = tpu.memref_squeeze %dma_wait3A_49 : memref<1x128xi32, #tpu.memory_space<vmem>> -> memref<128xi32, #tpu.memory_space<vmem>>
    %dma_wait3A_51 = tpu.memref_slice %arg2[%add3A_4] : memref<16384xi32, #tpu.memory_space<hbm>> -> memref<128xi32, #tpu.memory_space<hbm>>
    %dma_wait3A_52 = arith.constant 0 : i32
    %dma_wait3A_53 = tpu.memref_slice %arg7[%dma_wait3A, %dma_wait3A_52] : memref<4x128xi32, #tpu.memory_space<vmem>> -> memref<1x128xi32, #tpu.memory_space<vmem>>
    %dma_wait3A_54 = tpu.memref_squeeze %dma_wait3A_53 : memref<1x128xi32, #tpu.memory_space<vmem>> -> memref<128xi32, #tpu.memory_space<vmem>>
    %dma_wait3A_55 = tpu.memref_slice %arg2[%add3A_4] : memref<16384xi32, #tpu.memory_space<hbm>> -> memref<128xi32, #tpu.memory_space<hbm>>
    tpu.wait_dma2 semaphore(%arg10 : memref<!tpu.dma_semaphore, #tpu.memory_space<semaphore_mem>>) src(%dma_wait3A_55 : memref<128xi32, #tpu.memory_space<hbm>>) dst(%dma_wait3A_54 : memref<128xi32, #tpu.memory_space<vmem>>)
    %dma_wait3A_56 = arith.constant 1 : i32
    %dma_wait3A_57 = arith.constant 0 : i32
    %dma_wait3A_58 = tpu.memref_slice %arg7[%dma_wait3A_56, %dma_wait3A_57] : memref<4x128xi32, #tpu.memory_space<vmem>> -> memref<1x128xi32, #tpu.memory_space<vmem>>
    %dma_wait3A_59 = tpu.memref_squeeze %dma_wait3A_58 : memref<1x128xi32, #tpu.memory_space<vmem>> -> memref<128xi32, #tpu.memory_space<vmem>>
    %dma_wait3A_60 = tpu.memref_slice %arg2[%add3A_14] : memref<16384xi32, #tpu.memory_space<hbm>> -> memref<128xi32, #tpu.memory_space<hbm>>
    %dma_wait3A_61 = arith.constant 0 : i32
    %dma_wait3A_62 = tpu.memref_slice %arg7[%dma_wait3A_56, %dma_wait3A_61] : memref<4x128xi32, #tpu.memory_space<vmem>> -> memref<1x128xi32, #tpu.memory_space<vmem>>
    %dma_wait3A_63 = tpu.memref_squeeze %dma_wait3A_62 : memref<1x128xi32, #tpu.memory_space<vmem>> -> memref<128xi32, #tpu.memory_space<vmem>>
    %dma_wait3A_64 = tpu.memref_slice %arg2[%add3A_14] : memref<16384xi32, #tpu.memory_space<hbm>> -> memref<128xi32, #tpu.memory_space<hbm>>
    tpu.wait_dma2 semaphore(%arg10 : memref<!tpu.dma_semaphore, #tpu.memory_space<semaphore_mem>>) src(%dma_wait3A_64 : memref<128xi32, #tpu.memory_space<hbm>>) dst(%dma_wait3A_63 : memref<128xi32, #tpu.memory_space<vmem>>)
    %dma_wait3A_65 = arith.constant 2 : i32
    %dma_wait3A_66 = arith.constant 0 : i32
    %dma_wait3A_67 = tpu.memref_slice %arg7[%dma_wait3A_65, %dma_wait3A_66] : memref<4x128xi32, #tpu.memory_space<vmem>> -> memref<1x128xi32, #tpu.memory_space<vmem>>
    %dma_wait3A_68 = tpu.memref_squeeze %dma_wait3A_67 : memref<1x128xi32, #tpu.memory_space<vmem>> -> memref<128xi32, #tpu.memory_space<vmem>>
    %dma_wait3A_69 = tpu.memref_slice %arg2[%add3A_25] : memref<16384xi32, #tpu.memory_space<hbm>> -> memref<128xi32, #tpu.memory_space<hbm>>
    %dma_wait3A_70 = arith.constant 0 : i32
    %dma_wait3A_71 = tpu.memref_slice %arg7[%dma_wait3A_65, %dma_wait3A_70] : memref<4x128xi32, #tpu.memory_space<vmem>> -> memref<1x128xi32, #tpu.memory_space<vmem>>
    %dma_wait3A_72 = tpu.memref_squeeze %dma_wait3A_71 : memref<1x128xi32, #tpu.memory_space<vmem>> -> memref<128xi32, #tpu.memory_space<vmem>>
    %dma_wait3A_73 = tpu.memref_slice %arg2[%add3A_25] : memref<16384xi32, #tpu.memory_space<hbm>> -> memref<128xi32, #tpu.memory_space<hbm>>
    tpu.wait_dma2 semaphore(%arg10 : memref<!tpu.dma_semaphore, #tpu.memory_space<semaphore_mem>>) src(%dma_wait3A_73 : memref<128xi32, #tpu.memory_space<hbm>>) dst(%dma_wait3A_72 : memref<128xi32, #tpu.memory_space<vmem>>)
    %dma_wait3A_74 = arith.constant 3 : i32
    %dma_wait3A_75 = arith.constant 0 : i32
    %dma_wait3A_76 = tpu.memref_slice %arg7[%dma_wait3A_74, %dma_wait3A_75] : memref<4x128xi32, #tpu.memory_space<vmem>> -> memref<1x128xi32, #tpu.memory_space<vmem>>
    %dma_wait3A_77 = tpu.memref_squeeze %dma_wait3A_76 : memref<1x128xi32, #tpu.memory_space<vmem>> -> memref<128xi32, #tpu.memory_space<vmem>>
    %dma_wait3A_78 = tpu.memref_slice %arg2[%add3A_36] : memref<16384xi32, #tpu.memory_space<hbm>> -> memref<128xi32, #tpu.memory_space<hbm>>
    %dma_wait3A_79 = arith.constant 0 : i32
    %dma_wait3A_80 = tpu.memref_slice %arg7[%dma_wait3A_74, %dma_wait3A_79] : memref<4x128xi32, #tpu.memory_space<vmem>> -> memref<1x128xi32, #tpu.memory_space<vmem>>
    %dma_wait3A_81 = tpu.memref_squeeze %dma_wait3A_80 : memref<1x128xi32, #tpu.memory_space<vmem>> -> memref<128xi32, #tpu.memory_space<vmem>>
    %dma_wait3A_82 = tpu.memref_slice %arg2[%add3A_36] : memref<16384xi32, #tpu.memory_space<hbm>> -> memref<128xi32, #tpu.memory_space<hbm>>
    tpu.wait_dma2 semaphore(%arg10 : memref<!tpu.dma_semaphore, #tpu.memory_space<semaphore_mem>>) src(%dma_wait3A_82 : memref<128xi32, #tpu.memory_space<hbm>>) dst(%dma_wait3A_81 : memref<128xi32, #tpu.memory_space<vmem>>)
    %dma_wait3A_83 = tpu.memref_slice %arg3[%mul3A_2] : memref<16384xf32, #tpu.memory_space<hbm>> -> memref<512xf32, #tpu.memory_space<hbm>>
    %dma_wait3A_84 = tpu.memref_slice %arg3[%mul3A_2] : memref<16384xf32, #tpu.memory_space<hbm>> -> memref<512xf32, #tpu.memory_space<hbm>>
    tpu.wait_dma2 semaphore(%arg10 : memref<!tpu.dma_semaphore, #tpu.memory_space<semaphore_mem>>) src(%dma_wait3A_84 : memref<512xf32, #tpu.memory_space<hbm>>) dst(%arg6 : memref<512xf32, #tpu.memory_space<vmem>>)
    %dma_start3A_85 = arith.constant 0 : i32
    %dma_start3A_86 = arith.constant 0 : i32
    %dma_start3A_87 = arith.constant 0 : i32
    %dma_start3A_88 = tpu.memref_slice %arg8[%dma_start3A_86, %dma_start3A_87] : memref<4x128xf32, #tpu.memory_space<vmem>> -> memref<1x128xf32, #tpu.memory_space<vmem>>
    %dma_start3A_89 = tpu.memref_squeeze %dma_start3A_88 : memref<1x128xf32, #tpu.memory_space<vmem>> -> memref<128xf32, #tpu.memory_space<vmem>>
    %dma_start3A_90 = arith.constant 0 : i32
    %dma_start3A_91 = tpu.memref_slice %arg7[%dma_start3A_85, %dma_start3A_90] : memref<4x128xi32, #tpu.memory_space<vmem>> -> memref<1x128xi32, #tpu.memory_space<vmem>>
    %dma_start3A_92 = tpu.memref_squeeze %dma_start3A_91 : memref<1x128xi32, #tpu.memory_space<vmem>> -> memref<128xi32, #tpu.memory_space<vmem>>
    %dma_start3A_93 = arith.constant 0 : i32
    %dma_start3A_94 = tpu.memref_slice %arg4[%dma_start3A_93] : memref<4096xf32, #tpu.memory_space<hbm>> -> memref<4096xf32, #tpu.memory_space<hbm>>
    tpu.enqueue_indirect_dma source(%dma_start3A_94 : memref<4096xf32, #tpu.memory_space<hbm>>) target(%dma_start3A_89 : memref<128xf32, #tpu.memory_space<vmem>>) offsets(%dma_start3A_92 : memref<128xi32, #tpu.memory_space<vmem>>) semaphore(%arg11 : memref<!tpu.dma_semaphore, #tpu.memory_space<semaphore_mem>>)
    %dma_start3A_95 = arith.constant 1 : i32
    %dma_start3A_96 = arith.constant 1 : i32
    %dma_start3A_97 = arith.constant 0 : i32
    %dma_start3A_98 = tpu.memref_slice %arg8[%dma_start3A_96, %dma_start3A_97] : memref<4x128xf32, #tpu.memory_space<vmem>> -> memref<1x128xf32, #tpu.memory_space<vmem>>
    %dma_start3A_99 = tpu.memref_squeeze %dma_start3A_98 : memref<1x128xf32, #tpu.memory_space<vmem>> -> memref<128xf32, #tpu.memory_space<vmem>>
    %dma_start3A_100 = arith.constant 0 : i32
    %dma_start3A_101 = tpu.memref_slice %arg7[%dma_start3A_95, %dma_start3A_100] : memref<4x128xi32, #tpu.memory_space<vmem>> -> memref<1x128xi32, #tpu.memory_space<vmem>>
    %dma_start3A_102 = tpu.memref_squeeze %dma_start3A_101 : memref<1x128xi32, #tpu.memory_space<vmem>> -> memref<128xi32, #tpu.memory_space<vmem>>
    %dma_start3A_103 = arith.constant 0 : i32
    %dma_start3A_104 = tpu.memref_slice %arg4[%dma_start3A_103] : memref<4096xf32, #tpu.memory_space<hbm>> -> memref<4096xf32, #tpu.memory_space<hbm>>
    tpu.enqueue_indirect_dma source(%dma_start3A_104 : memref<4096xf32, #tpu.memory_space<hbm>>) target(%dma_start3A_99 : memref<128xf32, #tpu.memory_space<vmem>>) offsets(%dma_start3A_102 : memref<128xi32, #tpu.memory_space<vmem>>) semaphore(%arg12 : memref<!tpu.dma_semaphore, #tpu.memory_space<semaphore_mem>>)
    %dma_start3A_105 = arith.constant 2 : i32
    %dma_start3A_106 = arith.constant 2 : i32
    %dma_start3A_107 = arith.constant 0 : i32
    %dma_start3A_108 = tpu.memref_slice %arg8[%dma_start3A_106, %dma_start3A_107] : memref<4x128xf32, #tpu.memory_space<vmem>> -> memref<1x128xf32, #tpu.memory_space<vmem>>
    %dma_start3A_109 = tpu.memref_squeeze %dma_start3A_108 : memref<1x128xf32, #tpu.memory_space<vmem>> -> memref<128xf32, #tpu.memory_space<vmem>>
    %dma_start3A_110 = arith.constant 0 : i32
    %dma_start3A_111 = tpu.memref_slice %arg7[%dma_start3A_105, %dma_start3A_110] : memref<4x128xi32, #tpu.memory_space<vmem>> -> memref<1x128xi32, #tpu.memory_space<vmem>>
    %dma_start3A_112 = tpu.memref_squeeze %dma_start3A_111 : memref<1x128xi32, #tpu.memory_space<vmem>> -> memref<128xi32, #tpu.memory_space<vmem>>
    %dma_start3A_113 = arith.constant 0 : i32
    %dma_start3A_114 = tpu.memref_slice %arg4[%dma_start3A_113] : memref<4096xf32, #tpu.memory_space<hbm>> -> memref<4096xf32, #tpu.memory_space<hbm>>
    tpu.enqueue_indirect_dma source(%dma_start3A_114 : memref<4096xf32, #tpu.memory_space<hbm>>) target(%dma_start3A_109 : memref<128xf32, #tpu.memory_space<vmem>>) offsets(%dma_start3A_112 : memref<128xi32, #tpu.memory_space<vmem>>) semaphore(%arg13 : memref<!tpu.dma_semaphore, #tpu.memory_space<semaphore_mem>>)
    %dma_start3A_115 = arith.constant 3 : i32
    %dma_start3A_116 = arith.constant 3 : i32
    %dma_start3A_117 = arith.constant 0 : i32
    %dma_start3A_118 = tpu.memref_slice %arg8[%dma_start3A_116, %dma_start3A_117] : memref<4x128xf32, #tpu.memory_space<vmem>> -> memref<1x128xf32, #tpu.memory_space<vmem>>
    %dma_start3A_119 = tpu.memref_squeeze %dma_start3A_118 : memref<1x128xf32, #tpu.memory_space<vmem>> -> memref<128xf32, #tpu.memory_space<vmem>>
    %dma_start3A_120 = arith.constant 0 : i32
    %dma_start3A_121 = tpu.memref_slice %arg7[%dma_start3A_115, %dma_start3A_120] : memref<4x128xi32, #tpu.memory_space<vmem>> -> memref<1x128xi32, #tpu.memory_space<vmem>>
    %dma_start3A_122 = tpu.memref_squeeze %dma_start3A_121 : memref<1x128xi32, #tpu.memory_space<vmem>> -> memref<128xi32, #tpu.memory_space<vmem>>
    %dma_start3A_123 = arith.constant 0 : i32
    %dma_start3A_124 = tpu.memref_slice %arg4[%dma_start3A_123] : memref<4096xf32, #tpu.memory_space<hbm>> -> memref<4096xf32, #tpu.memory_space<hbm>>
    tpu.enqueue_indirect_dma source(%dma_start3A_124 : memref<4096xf32, #tpu.memory_space<hbm>>) target(%dma_start3A_119 : memref<128xf32, #tpu.memory_space<vmem>>) offsets(%dma_start3A_122 : memref<128xi32, #tpu.memory_space<vmem>>) semaphore(%arg14 : memref<!tpu.dma_semaphore, #tpu.memory_space<semaphore_mem>>)
    %dma_wait3A_125 = arith.constant 0 : i32
    %dma_wait3A_126 = arith.constant 0 : i32
    %dma_wait3A_127 = arith.constant 0 : i32
    %dma_wait3A_128 = tpu.memref_slice %arg8[%dma_wait3A_126, %dma_wait3A_127] : memref<4x128xf32, #tpu.memory_space<vmem>> -> memref<1x128xf32, #tpu.memory_space<vmem>>
    %dma_wait3A_129 = tpu.memref_squeeze %dma_wait3A_128 : memref<1x128xf32, #tpu.memory_space<vmem>> -> memref<128xf32, #tpu.memory_space<vmem>>
    %dma_wait3A_130 = arith.constant 0 : i32
    %dma_wait3A_131 = tpu.memref_slice %arg7[%dma_wait3A_125, %dma_wait3A_130] : memref<4x128xi32, #tpu.memory_space<vmem>> -> memref<1x128xi32, #tpu.memory_space<vmem>>
    %dma_wait3A_132 = tpu.memref_squeeze %dma_wait3A_131 : memref<1x128xi32, #tpu.memory_space<vmem>> -> memref<128xi32, #tpu.memory_space<vmem>>
    %dma_wait3A_133 = arith.constant 0 : i32
    %dma_wait3A_134 = tpu.memref_slice %arg4[%dma_wait3A_133] : memref<4096xf32, #tpu.memory_space<hbm>> -> memref<4096xf32, #tpu.memory_space<hbm>>
    tpu.wait_indirect_dma semaphore(%arg11 : memref<!tpu.dma_semaphore, #tpu.memory_space<semaphore_mem>>) src(%dma_wait3A_134 : memref<4096xf32, #tpu.memory_space<hbm>>) dst(%dma_wait3A_129 : memref<128xf32, #tpu.memory_space<vmem>>)
    %get3A = arith.constant 0 : index
    %get3A_135 = tpu.vector_load %arg6[%get3A] {strides = array<i32>} : memref<512xf32, #tpu.memory_space<vmem>>, vector<16xf32>,
    %get3A_136 = vector.shape_cast %get3A_135 : vector<16xf32> to vector<16xf32>
    %get3A_137 = arith.constant 0 : i32
    %get3A_138 = arith.index_cast %get3A_137 : i32 to index
    %get3A_139 = arith.constant 0 : index
    %get3A_140 = tpu.vector_load %arg8[%get3A_138, %get3A_139] {strides = array<i32>} : memref<4x128xf32, #tpu.memory_space<vmem>>, vector<1x16xf32>,
    %get3A_141 = vector.shape_cast %get3A_140 : vector<1x16xf32> to vector<16xf32>
    %sub3A = arith.subf %get3A_136, %get3A_141 : vector<16xf32>
    %exp3A = math.exp %sub3A : vector<16xf32>
    %ne3A = arith.constant 0.000000e+00 : f32
    %ne3A_142 = vector.broadcast %ne3A : f32 to vector<16xf32>
    %ne3A_143 = arith.cmpf one, %get3A_136, %ne3A_142 : vector<16xf32>
    %jit3A = arith.constant 0.000000e+00 : f32
    %broadcast_in_dim3A = vector.broadcast %jit3A : f32 to vector<16xf32>
    %select_n3A = arith.select %ne3A_143, %exp3A, %broadcast_in_dim3A : vector<16xi1>, vector<16xf32>
    %swap3A = arith.constant 0 : index
    %swap3A_144 = tpu.vector_load %arg9[%swap3A] {strides = array<i32>} : memref<512xf32, #tpu.memory_space<vmem>>, vector<16xf32>,
    %swap3A_145 = vector.shape_cast %swap3A_144 : vector<16xf32> to vector<16xf32>
    %swap3A_146 = vector.shape_cast %select_n3A : vector<16xf32> to vector<16xf32>
    tpu.vector_store %arg9[%swap3A], %swap3A_146 {strides = array<i32>} : memref<512xf32, #tpu.memory_space<vmem>>, vector<16xf32>,
    %get3A_147 = arith.constant 16 : index
    %get3A_148 = tpu.vector_load %arg6[%get3A_147] {strides = array<i32>} : memref<512xf32, #tpu.memory_space<vmem>>, vector<16xf32>,
    %get3A_149 = vector.shape_cast %get3A_148 : vector<16xf32> to vector<16xf32>
    %get3A_150 = arith.constant 0 : i32
    %get3A_151 = arith.index_cast %get3A_150 : i32 to index
    %get3A_152 = arith.constant 16 : index
    %get3A_153 = tpu.vector_load %arg8[%get3A_151, %get3A_152] {strides = array<i32>} : memref<4x128xf32, #tpu.memory_space<vmem>>, vector<1x16xf32>,
    %get3A_154 = vector.shape_cast %get3A_153 : vector<1x16xf32> to vector<16xf32>
    %sub3A_155 = arith.subf %get3A_149, %get3A_154 : vector<16xf32>
    %exp3A_156 = math.exp %sub3A_155 : vector<16xf32>
    %ne3A_157 = arith.constant 0.000000e+00 : f32
    %ne3A_158 = vector.broadcast %ne3A_157 : f32 to vector<16xf32>
    %ne3A_159 = arith.cmpf one, %get3A_149, %ne3A_158 : vector<16xf32>
    %jit3A_160 = arith.constant 0.000000e+00 : f32
    %broadcast_in_dim3A_161 = vector.broadcast %jit3A_160 : f32 to vector<16xf32>
    %select_n3A_162 = arith.select %ne3A_159, %exp3A_156, %broadcast_in_dim3A_161 : vector<16xi1>, vector<16xf32>
    %swap3A_163 = arith.constant 16 : index
    %swap3A_164 = tpu.vector_load %arg9[%swap3A_163] {strides = array<i32>} : memref<512xf32, #tpu.memory_space<vmem>>, vector<16xf32>,
    %swap3A_165 = vector.shape_cast %swap3A_164 : vector<16xf32> to vector<16xf32>
    %swap3A_166 = vector.shape_cast %select_n3A_162 : vector<16xf32> to vector<16xf32>
    tpu.vector_store %arg9[%swap3A_163], %swap3A_166 {strides = array<i32>} : memref<512xf32, #tpu.memory_space<vmem>>, vector<16xf32>,
    %get3A_167 = arith.constant 32 : index
    %get3A_168 = tpu.vector_load %arg6[%get3A_167] {strides = array<i32>} : memref<512xf32, #tpu.memory_space<vmem>>, vector<16xf32>,
    %get3A_169 = vector.shape_cast %get3A_168 : vector<16xf32> to vector<16xf32>
    %get3A_170 = arith.constant 0 : i32
    %get3A_171 = arith.index_cast %get3A_170 : i32 to index
    %get3A_172 = arith.constant 32 : index
    %get3A_173 = tpu.vector_load %arg8[%get3A_171, %get3A_172] {strides = array<i32>} : memref<4x128xf32, #tpu.memory_space<vmem>>, vector<1x16xf32>,
    %get3A_174 = vector.shape_cast %get3A_173 : vector<1x16xf32> to vector<16xf32>
    %sub3A_175 = arith.subf %get3A_169, %get3A_174 : vector<16xf32>
    %exp3A_176 = math.exp %sub3A_175 : vector<16xf32>
    %ne3A_177 = arith.constant 0.000000e+00 : f32
    %ne3A_178 = vector.broadcast %ne3A_177 : f32 to vector<16xf32>
    %ne3A_179 = arith.cmpf one, %get3A_169, %ne3A_178 : vector<16xf32>
    %jit3A_180 = arith.constant 0.000000e+00 : f32
    %broadcast_in_dim3A_181 = vector.broadcast %jit3A_180 : f32 to vector<16xf32>
    %select_n3A_182 = arith.select %ne3A_179, %exp3A_176, %broadcast_in_dim3A_181 : vector<16xi1>, vector<16xf32>
    %swap3A_183 = arith.constant 32 : index
    %swap3A_184 = tpu.vector_load %arg9[%swap3A_183] {strides = array<i32>} : memref<512xf32, #tpu.memory_space<vmem>>, vector<16xf32>,
    %swap3A_185 = vector.shape_cast %swap3A_184 : vector<16xf32> to vector<16xf32>
    %swap3A_186 = vector.shape_cast %select_n3A_182 : vector<16xf32> to vector<16xf32>
    tpu.vector_store %arg9[%swap3A_183], %swap3A_186 {strides = array<i32>} : memref<512xf32, #tpu.memory_space<vmem>>, vector<16xf32>,
    %get3A_187 = arith.constant 48 : index
    %get3A_188 = tpu.vector_load %arg6[%get3A_187] {strides = array<i32>} : memref<512xf32, #tpu.memory_space<vmem>>, vector<16xf32>,
    %get3A_189 = vector.shape_cast %get3A_188 : vector<16xf32> to vector<16xf32>
    %get3A_190 = arith.constant 0 : i32
    %get3A_191 = arith.index_cast %get3A_190 : i32 to index
    %get3A_192 = arith.constant 48 : index
    %get3A_193 = tpu.vector_load %arg8[%get3A_191, %get3A_192] {strides = array<i32>} : memref<4x128xf32, #tpu.memory_space<vmem>>, vector<1x16xf32>,
    %get3A_194 = vector.shape_cast %get3A_193 : vector<1x16xf32> to vector<16xf32>
    %sub3A_195 = arith.subf %get3A_189, %get3A_194 : vector<16xf32>
    %exp3A_196 = math.exp %sub3A_195 : vector<16xf32>
    %ne3A_197 = arith.constant 0.000000e+00 : f32
    %ne3A_198 = vector.broadcast %ne3A_197 : f32 to vector<16xf32>
    %ne3A_199 = arith.cmpf one, %get3A_189, %ne3A_198 : vector<16xf32>
    %jit3A_200 = arith.constant 0.000000e+00 : f32
    %broadcast_in_dim3A_201 = vector.broadcast %jit3A_200 : f32 to vector<16xf32>
    %select_n3A_202 = arith.select %ne3A_199, %exp3A_196, %broadcast_in_dim3A_201 : vector<16xi1>, vector<16xf32>
    %swap3A_203 = arith.constant 48 : index
    %swap3A_204 = tpu.vector_load %arg9[%swap3A_203] {strides = array<i32>} : memref<512xf32, #tpu.memory_space<vmem>>, vector<16xf32>,
    %swap3A_205 = vector.shape_cast %swap3A_204 : vector<16xf32> to vector<16xf32>
    %swap3A_206 = vector.shape_cast %select_n3A_202 : vector<16xf32> to vector<16xf32>
    tpu.vector_store %arg9[%swap3A_203], %swap3A_206 {strides = array<i32>} : memref<512xf32, #tpu.memory_space<vmem>>, vector<16xf32>,
    %get3A_207 = arith.constant 64 : index
    %get3A_208 = tpu.vector_load %arg6[%get3A_207] {strides = array<i32>} : memref<512xf32, #tpu.memory_space<vmem>>, vector<16xf32>,
    %get3A_209 = vector.shape_cast %get3A_208 : vector<16xf32> to vector<16xf32>
    %get3A_210 = arith.constant 0 : i32
    %get3A_211 = arith.index_cast %get3A_210 : i32 to index
    %get3A_212 = arith.constant 64 : index
    %get3A_213 = tpu.vector_load %arg8[%get3A_211, %get3A_212] {strides = array<i32>} : memref<4x128xf32, #tpu.memory_space<vmem>>, vector<1x16xf32>,
    %get3A_214 = vector.shape_cast %get3A_213 : vector<1x16xf32> to vector<16xf32>
    %sub3A_215 = arith.subf %get3A_209, %get3A_214 : vector<16xf32>
    %exp3A_216 = math.exp %sub3A_215 : vector<16xf32>
    %ne3A_217 = arith.constant 0.000000e+00 : f32
    %ne3A_218 = vector.broadcast %ne3A_217 : f32 to vector<16xf32>
    %ne3A_219 = arith.cmpf one, %get3A_209, %ne3A_218 : vector<16xf32>
    %jit3A_220 = arith.constant 0.000000e+00 : f32
    %broadcast_in_dim3A_221 = vector.broadcast %jit3A_220 : f32 to vector<16xf32>
    %select_n3A_222 = arith.select %ne3A_219, %exp3A_216, %broadcast_in_dim3A_221 : vector<16xi1>, vector<16xf32>
    %swap3A_223 = arith.constant 64 : index
    %swap3A_224 = tpu.vector_load %arg9[%swap3A_223] {strides = array<i32>} : memref<512xf32, #tpu.memory_space<vmem>>, vector<16xf32>,
    %swap3A_225 = vector.shape_cast %swap3A_224 : vector<16xf32> to vector<16xf32>
    %swap3A_226 = vector.shape_cast %select_n3A_222 : vector<16xf32> to vector<16xf32>
    tpu.vector_store %arg9[%swap3A_223], %swap3A_226 {strides = array<i32>} : memref<512xf32, #tpu.memory_space<vmem>>, vector<16xf32>,
    %get3A_227 = arith.constant 80 : index
    %get3A_228 = tpu.vector_load %arg6[%get3A_227] {strides = array<i32>} : memref<512xf32, #tpu.memory_space<vmem>>, vector<16xf32>,
    %get3A_229 = vector.shape_cast %get3A_228 : vector<16xf32> to vector<16xf32>
    %get3A_230 = arith.constant 0 : i32
    %get3A_231 = arith.index_cast %get3A_230 : i32 to index
    %get3A_232 = arith.constant 80 : index
    %get3A_233 = tpu.vector_load %arg8[%get3A_231, %get3A_232] {strides = array<i32>} : memref<4x128xf32, #tpu.memory_space<vmem>>, vector<1x16xf32>,
    %get3A_234 = vector.shape_cast %get3A_233 : vector<1x16xf32> to vector<16xf32>
    %sub3A_235 = arith.subf %get3A_229, %get3A_234 : vector<16xf32>
    %exp3A_236 = math.exp %sub3A_235 : vector<16xf32>
    %ne3A_237 = arith.constant 0.000000e+00 : f32
    %ne3A_238 = vector.broadcast %ne3A_237 : f32 to vector<16xf32>
    %ne3A_239 = arith.cmpf one, %get3A_229, %ne3A_238 : vector<16xf32>
    %jit3A_240 = arith.constant 0.000000e+00 : f32
    %broadcast_in_dim3A_241 = vector.broadcast %jit3A_240 : f32 to vector<16xf32>
    %select_n3A_242 = arith.select %ne3A_239, %exp3A_236, %broadcast_in_dim3A_241 : vector<16xi1>, vector<16xf32>
    %swap3A_243 = arith.constant 80 : index
    %swap3A_244 = tpu.vector_load %arg9[%swap3A_243] {strides = array<i32>} : memref<512xf32, #tpu.memory_space<vmem>>, vector<16xf32>,
    %swap3A_245 = vector.shape_cast %swap3A_244 : vector<16xf32> to vector<16xf32>
    %swap3A_246 = vector.shape_cast %select_n3A_242 : vector<16xf32> to vector<16xf32>
    tpu.vector_store %arg9[%swap3A_243], %swap3A_246 {strides = array<i32>} : memref<512xf32, #tpu.memory_space<vmem>>, vector<16xf32>,
    %get3A_247 = arith.constant 96 : index
    %get3A_248 = tpu.vector_load %arg6[%get3A_247] {strides = array<i32>} : memref<512xf32, #tpu.memory_space<vmem>>, vector<16xf32>,
    %get3A_249 = vector.shape_cast %get3A_248 : vector<16xf32> to vector<16xf32>
    %get3A_250 = arith.constant 0 : i32
    %get3A_251 = arith.index_cast %get3A_250 : i32 to index
    %get3A_252 = arith.constant 96 : index
    %get3A_253 = tpu.vector_load %arg8[%get3A_251, %get3A_252] {strides = array<i32>} : memref<4x128xf32, #tpu.memory_space<vmem>>, vector<1x16xf32>,
    %get3A_254 = vector.shape_cast %get3A_253 : vector<1x16xf32> to vector<16xf32>
    %sub3A_255 = arith.subf %get3A_249, %get3A_254 : vector<16xf32>
    %exp3A_256 = math.exp %sub3A_255 : vector<16xf32>
    %ne3A_257 = arith.constant 0.000000e+00 : f32
    %ne3A_258 = vector.broadcast %ne3A_257 : f32 to vector<16xf32>
    %ne3A_259 = arith.cmpf one, %get3A_249, %ne3A_258 : vector<16xf32>
    %jit3A_260 = arith.constant 0.000000e+00 : f32
    %broadcast_in_dim3A_261 = vector.broadcast %jit3A_260 : f32 to vector<16xf32>
    %select_n3A_262 = arith.select %ne3A_259, %exp3A_256, %broadcast_in_dim3A_261 : vector<16xi1>, vector<16xf32>
    %swap3A_263 = arith.constant 96 : index
    %swap3A_264 = tpu.vector_load %arg9[%swap3A_263] {strides = array<i32>} : memref<512xf32, #tpu.memory_space<vmem>>, vector<16xf32>,
    %swap3A_265 = vector.shape_cast %swap3A_264 : vector<16xf32> to vector<16xf32>
    %swap3A_266 = vector.shape_cast %select_n3A_262 : vector<16xf32> to vector<16xf32>
    tpu.vector_store %arg9[%swap3A_263], %swap3A_266 {strides = array<i32>} : memref<512xf32, #tpu.memory_space<vmem>>, vector<16xf32>,
    %get3A_267 = arith.constant 112 : index
    %get3A_268 = tpu.vector_load %arg6[%get3A_267] {strides = array<i32>} : memref<512xf32, #tpu.memory_space<vmem>>, vector<16xf32>,
    %get3A_269 = vector.shape_cast %get3A_268 : vector<16xf32> to vector<16xf32>
    %get3A_270 = arith.constant 0 : i32
    %get3A_271 = arith.index_cast %get3A_270 : i32 to index
    %get3A_272 = arith.constant 112 : index
    %get3A_273 = tpu.vector_load %arg8[%get3A_271, %get3A_272] {strides = array<i32>} : memref<4x128xf32, #tpu.memory_space<vmem>>, vector<1x16xf32>,
    %get3A_274 = vector.shape_cast %get3A_273 : vector<1x16xf32> to vector<16xf32>
    %sub3A_275 = arith.subf %get3A_269, %get3A_274 : vector<16xf32>
    %exp3A_276 = math.exp %sub3A_275 : vector<16xf32>
    %ne3A_277 = arith.constant 0.000000e+00 : f32
    %ne3A_278 = vector.broadcast %ne3A_277 : f32 to vector<16xf32>
    %ne3A_279 = arith.cmpf one, %get3A_269, %ne3A_278 : vector<16xf32>
    %jit3A_280 = arith.constant 0.000000e+00 : f32
    %broadcast_in_dim3A_281 = vector.broadcast %jit3A_280 : f32 to vector<16xf32>
    %select_n3A_282 = arith.select %ne3A_279, %exp3A_276, %broadcast_in_dim3A_281 : vector<16xi1>, vector<16xf32>
    %swap3A_283 = arith.constant 112 : index
    %swap3A_284 = tpu.vector_load %arg9[%swap3A_283] {strides = array<i32>} : memref<512xf32, #tpu.memory_space<vmem>>, vector<16xf32>,
    %swap3A_285 = vector.shape_cast %swap3A_284 : vector<16xf32> to vector<16xf32>
    %swap3A_286 = vector.shape_cast %select_n3A_282 : vector<16xf32> to vector<16xf32>
    tpu.vector_store %arg9[%swap3A_283], %swap3A_286 {strides = array<i32>} : memref<512xf32, #tpu.memory_space<vmem>>, vector<16xf32>,
    %add3A_287 = arith.constant 0 : i32
    %add3A_288 = arith.addi %mul3A_2, %add3A_287 : i32
    %dma_start3A_289 = arith.constant 0 : i32
    %dma_start3A_290 = tpu.memref_slice %arg9[%dma_start3A_289] : memref<512xf32, #tpu.memory_space<vmem>> -> memref<128xf32, #tpu.memory_space<vmem>>
    %dma_start3A_291 = tpu.memref_slice %arg5[%add3A_288] : memref<16384xf32, #tpu.memory_space<hbm>> -> memref<128xf32, #tpu.memory_space<hbm>>
    %dma_start3A_292 = tpu.memref_slice %arg5[%add3A_288] : memref<16384xf32, #tpu.memory_space<hbm>> -> memref<128xf32, #tpu.memory_space<hbm>>
    %dma_start3A_293 = arith.constant 0 : i32
    %dma_start3A_294 = tpu.memref_slice %arg9[%dma_start3A_293] : memref<512xf32, #tpu.memory_space<vmem>> -> memref<128xf32, #tpu.memory_space<vmem>>
    tpu.enqueue_dma source(%dma_start3A_294 : memref<128xf32, #tpu.memory_space<vmem>>) target(%dma_start3A_292 : memref<128xf32, #tpu.memory_space<hbm>>) target_semaphore(%arg15 : memref<!tpu.dma_semaphore, #tpu.memory_space<semaphore_mem>>)
    %dma_wait3A_295 = arith.constant 1 : i32
    %dma_wait3A_296 = arith.constant 1 : i32
    %dma_wait3A_297 = arith.constant 0 : i32
    %dma_wait3A_298 = tpu.memref_slice %arg8[%dma_wait3A_296, %dma_wait3A_297] : memref<4x128xf32, #tpu.memory_space<vmem>> -> memref<1x128xf32, #tpu.memory_space<vmem>>
    %dma_wait3A_299 = tpu.memref_squeeze %dma_wait3A_298 : memref<1x128xf32, #tpu.memory_space<vmem>> -> memref<128xf32, #tpu.memory_space<vmem>>
    %dma_wait3A_300 = arith.constant 0 : i32
    %dma_wait3A_301 = tpu.memref_slice %arg7[%dma_wait3A_295, %dma_wait3A_300] : memref<4x128xi32, #tpu.memory_space<vmem>> -> memref<1x128xi32, #tpu.memory_space<vmem>>
    %dma_wait3A_302 = tpu.memref_squeeze %dma_wait3A_301 : memref<1x128xi32, #tpu.memory_space<vmem>> -> memref<128xi32, #tpu.memory_space<vmem>>
    %dma_wait3A_303 = arith.constant 0 : i32
    %dma_wait3A_304 = tpu.memref_slice %arg4[%dma_wait3A_303] : memref<4096xf32, #tpu.memory_space<hbm>> -> memref<4096xf32, #tpu.memory_space<hbm>>
    tpu.wait_indirect_dma semaphore(%arg12 : memref<!tpu.dma_semaphore, #tpu.memory_space<semaphore_mem>>) src(%dma_wait3A_304 : memref<4096xf32, #tpu.memory_space<hbm>>) dst(%dma_wait3A_299 : memref<128xf32, #tpu.memory_space<vmem>>)
    %get3A_305 = arith.constant 128 : index
    %get3A_306 = tpu.vector_load %arg6[%get3A_305] {strides = array<i32>} : memref<512xf32, #tpu.memory_space<vmem>>, vector<16xf32>,
    %get3A_307 = vector.shape_cast %get3A_306 : vector<16xf32> to vector<16xf32>
    %get3A_308 = arith.constant 1 : i32
    %get3A_309 = arith.index_cast %get3A_308 : i32 to index
    %get3A_310 = arith.constant 0 : index
    %get3A_311 = tpu.vector_load %arg8[%get3A_309, %get3A_310] {strides = array<i32>} : memref<4x128xf32, #tpu.memory_space<vmem>>, vector<1x16xf32>,
    %get3A_312 = vector.shape_cast %get3A_311 : vector<1x16xf32> to vector<16xf32>
    %sub3A_313 = arith.subf %get3A_307, %get3A_312 : vector<16xf32>
    %exp3A_314 = math.exp %sub3A_313 : vector<16xf32>
    %ne3A_315 = arith.constant 0.000000e+00 : f32
    %ne3A_316 = vector.broadcast %ne3A_315 : f32 to vector<16xf32>
    %ne3A_317 = arith.cmpf one, %get3A_307, %ne3A_316 : vector<16xf32>
    %jit3A_318 = arith.constant 0.000000e+00 : f32
    %broadcast_in_dim3A_319 = vector.broadcast %jit3A_318 : f32 to vector<16xf32>
    %select_n3A_320 = arith.select %ne3A_317, %exp3A_314, %broadcast_in_dim3A_319 : vector<16xi1>, vector<16xf32>
    %swap3A_321 = arith.constant 128 : index
    %swap3A_322 = tpu.vector_load %arg9[%swap3A_321] {strides = array<i32>} : memref<512xf32, #tpu.memory_space<vmem>>, vector<16xf32>,
    %swap3A_323 = vector.shape_cast %swap3A_322 : vector<16xf32> to vector<16xf32>
    %swap3A_324 = vector.shape_cast %select_n3A_320 : vector<16xf32> to vector<16xf32>
    tpu.vector_store %arg9[%swap3A_321], %swap3A_324 {strides = array<i32>} : memref<512xf32, #tpu.memory_space<vmem>>, vector<16xf32>,
    %get3A_325 = arith.constant 144 : index
    %get3A_326 = tpu.vector_load %arg6[%get3A_325] {strides = array<i32>} : memref<512xf32, #tpu.memory_space<vmem>>, vector<16xf32>,
    %get3A_327 = vector.shape_cast %get3A_326 : vector<16xf32> to vector<16xf32>
    %get3A_328 = arith.constant 1 : i32
    %get3A_329 = arith.index_cast %get3A_328 : i32 to index
    %get3A_330 = arith.constant 16 : index
    %get3A_331 = tpu.vector_load %arg8[%get3A_329, %get3A_330] {strides = array<i32>} : memref<4x128xf32, #tpu.memory_space<vmem>>, vector<1x16xf32>,
    %get3A_332 = vector.shape_cast %get3A_331 : vector<1x16xf32> to vector<16xf32>
    %sub3A_333 = arith.subf %get3A_327, %get3A_332 : vector<16xf32>
    %exp3A_334 = math.exp %sub3A_333 : vector<16xf32>
    %ne3A_335 = arith.constant 0.000000e+00 : f32
    %ne3A_336 = vector.broadcast %ne3A_335 : f32 to vector<16xf32>
    %ne3A_337 = arith.cmpf one, %get3A_327, %ne3A_336 : vector<16xf32>
    %jit3A_338 = arith.constant 0.000000e+00 : f32
    %broadcast_in_dim3A_339 = vector.broadcast %jit3A_338 : f32 to vector<16xf32>
    %select_n3A_340 = arith.select %ne3A_337, %exp3A_334, %broadcast_in_dim3A_339 : vector<16xi1>, vector<16xf32>
    %swap3A_341 = arith.constant 144 : index
    %swap3A_342 = tpu.vector_load %arg9[%swap3A_341] {strides = array<i32>} : memref<512xf32, #tpu.memory_space<vmem>>, vector<16xf32>,
    %swap3A_343 = vector.shape_cast %swap3A_342 : vector<16xf32> to vector<16xf32>
    %swap3A_344 = vector.shape_cast %select_n3A_340 : vector<16xf32> to vector<16xf32>
    tpu.vector_store %arg9[%swap3A_341], %swap3A_344 {strides = array<i32>} : memref<512xf32, #tpu.memory_space<vmem>>, vector<16xf32>,
    %get3A_345 = arith.constant 160 : index
    %get3A_346 = tpu.vector_load %arg6[%get3A_345] {strides = array<i32>} : memref<512xf32, #tpu.memory_space<vmem>>, vector<16xf32>,
    %get3A_347 = vector.shape_cast %get3A_346 : vector<16xf32> to vector<16xf32>
    %get3A_348 = arith.constant 1 : i32
    %get3A_349 = arith.index_cast %get3A_348 : i32 to index
    %get3A_350 = arith.constant 32 : index
    %get3A_351 = tpu.vector_load %arg8[%get3A_349, %get3A_350] {strides = array<i32>} : memref<4x128xf32, #tpu.memory_space<vmem>>, vector<1x16xf32>,
    %get3A_352 = vector.shape_cast %get3A_351 : vector<1x16xf32> to vector<16xf32>
    %sub3A_353 = arith.subf %get3A_347, %get3A_352 : vector<16xf32>
    %exp3A_354 = math.exp %sub3A_353 : vector<16xf32>
    %ne3A_355 = arith.constant 0.000000e+00 : f32
    %ne3A_356 = vector.broadcast %ne3A_355 : f32 to vector<16xf32>
    %ne3A_357 = arith.cmpf one, %get3A_347, %ne3A_356 : vector<16xf32>
    %jit3A_358 = arith.constant 0.000000e+00 : f32
    %broadcast_in_dim3A_359 = vector.broadcast %jit3A_358 : f32 to vector<16xf32>
    %select_n3A_360 = arith.select %ne3A_357, %exp3A_354, %broadcast_in_dim3A_359 : vector<16xi1>, vector<16xf32>
    %swap3A_361 = arith.constant 160 : index
    %swap3A_362 = tpu.vector_load %arg9[%swap3A_361] {strides = array<i32>} : memref<512xf32, #tpu.memory_space<vmem>>, vector<16xf32>,
    %swap3A_363 = vector.shape_cast %swap3A_362 : vector<16xf32> to vector<16xf32>
    %swap3A_364 = vector.shape_cast %select_n3A_360 : vector<16xf32> to vector<16xf32>
    tpu.vector_store %arg9[%swap3A_361], %swap3A_364 {strides = array<i32>} : memref<512xf32, #tpu.memory_space<vmem>>, vector<16xf32>,
    %get3A_365 = arith.constant 176 : index
    %get3A_366 = tpu.vector_load %arg6[%get3A_365] {strides = array<i32>} : memref<512xf32, #tpu.memory_space<vmem>>, vector<16xf32>,
    %get3A_367 = vector.shape_cast %get3A_366 : vector<16xf32> to vector<16xf32>
    %get3A_368 = arith.constant 1 : i32
    %get3A_369 = arith.index_cast %get3A_368 : i32 to index
    %get3A_370 = arith.constant 48 : index
    %get3A_371 = tpu.vector_load %arg8[%get3A_369, %get3A_370] {strides = array<i32>} : memref<4x128xf32, #tpu.memory_space<vmem>>, vector<1x16xf32>,
    %get3A_372 = vector.shape_cast %get3A_371 : vector<1x16xf32> to vector<16xf32>
    %sub3A_373 = arith.subf %get3A_367, %get3A_372 : vector<16xf32>
    %exp3A_374 = math.exp %sub3A_373 : vector<16xf32>
    %ne3A_375 = arith.constant 0.000000e+00 : f32
    %ne3A_376 = vector.broadcast %ne3A_375 : f32 to vector<16xf32>
    %ne3A_377 = arith.cmpf one, %get3A_367, %ne3A_376 : vector<16xf32>
    %jit3A_378 = arith.constant 0.000000e+00 : f32
    %broadcast_in_dim3A_379 = vector.broadcast %jit3A_378 : f32 to vector<16xf32>
    %select_n3A_380 = arith.select %ne3A_377, %exp3A_374, %broadcast_in_dim3A_379 : vector<16xi1>, vector<16xf32>
    %swap3A_381 = arith.constant 176 : index
    %swap3A_382 = tpu.vector_load %arg9[%swap3A_381] {strides = array<i32>} : memref<512xf32, #tpu.memory_space<vmem>>, vector<16xf32>,
    %swap3A_383 = vector.shape_cast %swap3A_382 : vector<16xf32> to vector<16xf32>
    %swap3A_384 = vector.shape_cast %select_n3A_380 : vector<16xf32> to vector<16xf32>
    tpu.vector_store %arg9[%swap3A_381], %swap3A_384 {strides = array<i32>} : memref<512xf32, #tpu.memory_space<vmem>>, vector<16xf32>,
    %get3A_385 = arith.constant 192 : index
    %get3A_386 = tpu.vector_load %arg6[%get3A_385] {strides = array<i32>} : memref<512xf32, #tpu.memory_space<vmem>>, vector<16xf32>,
    %get3A_387 = vector.shape_cast %get3A_386 : vector<16xf32> to vector<16xf32>
    %get3A_388 = arith.constant 1 : i32
    %get3A_389 = arith.index_cast %get3A_388 : i32 to index
    %get3A_390 = arith.constant 64 : index
    %get3A_391 = tpu.vector_load %arg8[%get3A_389, %get3A_390] {strides = array<i32>} : memref<4x128xf32, #tpu.memory_space<vmem>>, vector<1x16xf32>,
    %get3A_392 = vector.shape_cast %get3A_391 : vector<1x16xf32> to vector<16xf32>
    %sub3A_393 = arith.subf %get3A_387, %get3A_392 : vector<16xf32>
    %exp3A_394 = math.exp %sub3A_393 : vector<16xf32>
    %ne3A_395 = arith.constant 0.000000e+00 : f32
    %ne3A_396 = vector.broadcast %ne3A_395 : f32 to vector<16xf32>
    %ne3A_397 = arith.cmpf one, %get3A_387, %ne3A_396 : vector<16xf32>
    %jit3A_398 = arith.constant 0.000000e+00 : f32
    %broadcast_in_dim3A_399 = vector.broadcast %jit3A_398 : f32 to vector<16xf32>
    %select_n3A_400 = arith.select %ne3A_397, %exp3A_394, %broadcast_in_dim3A_399 : vector<16xi1>, vector<16xf32>
    %swap3A_401 = arith.constant 192 : index
    %swap3A_402 = tpu.vector_load %arg9[%swap3A_401] {strides = array<i32>} : memref<512xf32, #tpu.memory_space<vmem>>, vector<16xf32>,
    %swap3A_403 = vector.shape_cast %swap3A_402 : vector<16xf32> to vector<16xf32>
    %swap3A_404 = vector.shape_cast %select_n3A_400 : vector<16xf32> to vector<16xf32>
    tpu.vector_store %arg9[%swap3A_401], %swap3A_404 {strides = array<i32>} : memref<512xf32, #tpu.memory_space<vmem>>, vector<16xf32>,
    %get3A_405 = arith.constant 208 : index
    %get3A_406 = tpu.vector_load %arg6[%get3A_405] {strides = array<i32>} : memref<512xf32, #tpu.memory_space<vmem>>, vector<16xf32>,
    %get3A_407 = vector.shape_cast %get3A_406 : vector<16xf32> to vector<16xf32>
    %get3A_408 = arith.constant 1 : i32
    %get3A_409 = arith.index_cast %get3A_408 : i32 to index
    %get3A_410 = arith.constant 80 : index
    %get3A_411 = tpu.vector_load %arg8[%get3A_409, %get3A_410] {strides = array<i32>} : memref<4x128xf32, #tpu.memory_space<vmem>>, vector<1x16xf32>,
    %get3A_412 = vector.shape_cast %get3A_411 : vector<1x16xf32> to vector<16xf32>
    %sub3A_413 = arith.subf %get3A_407, %get3A_412 : vector<16xf32>
    %exp3A_414 = math.exp %sub3A_413 : vector<16xf32>
    %ne3A_415 = arith.constant 0.000000e+00 : f32
    %ne3A_416 = vector.broadcast %ne3A_415 : f32 to vector<16xf32>
    %ne3A_417 = arith.cmpf one, %get3A_407, %ne3A_416 : vector<16xf32>
    %jit3A_418 = arith.constant 0.000000e+00 : f32
    %broadcast_in_dim3A_419 = vector.broadcast %jit3A_418 : f32 to vector<16xf32>
    %select_n3A_420 = arith.select %ne3A_417, %exp3A_414, %broadcast_in_dim3A_419 : vector<16xi1>, vector<16xf32>
    %swap3A_421 = arith.constant 208 : index
    %swap3A_422 = tpu.vector_load %arg9[%swap3A_421] {strides = array<i32>} : memref<512xf32, #tpu.memory_space<vmem>>, vector<16xf32>,
    %swap3A_423 = vector.shape_cast %swap3A_422 : vector<16xf32> to vector<16xf32>
    %swap3A_424 = vector.shape_cast %select_n3A_420 : vector<16xf32> to vector<16xf32>
    tpu.vector_store %arg9[%swap3A_421], %swap3A_424 {strides = array<i32>} : memref<512xf32, #tpu.memory_space<vmem>>, vector<16xf32>,
    %get3A_425 = arith.constant 224 : index
    %get3A_426 = tpu.vector_load %arg6[%get3A_425] {strides = array<i32>} : memref<512xf32, #tpu.memory_space<vmem>>, vector<16xf32>,
    %get3A_427 = vector.shape_cast %get3A_426 : vector<16xf32> to vector<16xf32>
    %get3A_428 = arith.constant 1 : i32
    %get3A_429 = arith.index_cast %get3A_428 : i32 to index
    %get3A_430 = arith.constant 96 : index
    %get3A_431 = tpu.vector_load %arg8[%get3A_429, %get3A_430] {strides = array<i32>} : memref<4x128xf32, #tpu.memory_space<vmem>>, vector<1x16xf32>,
    %get3A_432 = vector.shape_cast %get3A_431 : vector<1x16xf32> to vector<16xf32>
    %sub3A_433 = arith.subf %get3A_427, %get3A_432 : vector<16xf32>
    %exp3A_434 = math.exp %sub3A_433 : vector<16xf32>
    %ne3A_435 = arith.constant 0.000000e+00 : f32
    %ne3A_436 = vector.broadcast %ne3A_435 : f32 to vector<16xf32>
    %ne3A_437 = arith.cmpf one, %get3A_427, %ne3A_436 : vector<16xf32>
    %jit3A_438 = arith.constant 0.000000e+00 : f32
    %broadcast_in_dim3A_439 = vector.broadcast %jit3A_438 : f32 to vector<16xf32>
    %select_n3A_440 = arith.select %ne3A_437, %exp3A_434, %broadcast_in_dim3A_439 : vector<16xi1>, vector<16xf32>
    %swap3A_441 = arith.constant 224 : index
    %swap3A_442 = tpu.vector_load %arg9[%swap3A_441] {strides = array<i32>} : memref<512xf32, #tpu.memory_space<vmem>>, vector<16xf32>,
    %swap3A_443 = vector.shape_cast %swap3A_442 : vector<16xf32> to vector<16xf32>
    %swap3A_444 = vector.shape_cast %select_n3A_440 : vector<16xf32> to vector<16xf32>
    tpu.vector_store %arg9[%swap3A_441], %swap3A_444 {strides = array<i32>} : memref<512xf32, #tpu.memory_space<vmem>>, vector<16xf32>,
    %get3A_445 = arith.constant 240 : index
    %get3A_446 = tpu.vector_load %arg6[%get3A_445] {strides = array<i32>} : memref<512xf32, #tpu.memory_space<vmem>>, vector<16xf32>,
    %get3A_447 = vector.shape_cast %get3A_446 : vector<16xf32> to vector<16xf32>
    %get3A_448 = arith.constant 1 : i32
    %get3A_449 = arith.index_cast %get3A_448 : i32 to index
    %get3A_450 = arith.constant 112 : index
    %get3A_451 = tpu.vector_load %arg8[%get3A_449, %get3A_450] {strides = array<i32>} : memref<4x128xf32, #tpu.memory_space<vmem>>, vector<1x16xf32>,
    %get3A_452 = vector.shape_cast %get3A_451 : vector<1x16xf32> to vector<16xf32>
    %sub3A_453 = arith.subf %get3A_447, %get3A_452 : vector<16xf32>
    %exp3A_454 = math.exp %sub3A_453 : vector<16xf32>
    %ne3A_455 = arith.constant 0.000000e+00 : f32
    %ne3A_456 = vector.broadcast %ne3A_455 : f32 to vector<16xf32>
    %ne3A_457 = arith.cmpf one, %get3A_447, %ne3A_456 : vector<16xf32>
    %jit3A_458 = arith.constant 0.000000e+00 : f32
    %broadcast_in_dim3A_459 = vector.broadcast %jit3A_458 : f32 to vector<16xf32>
    %select_n3A_460 = arith.select %ne3A_457, %exp3A_454, %broadcast_in_dim3A_459 : vector<16xi1>, vector<16xf32>
    %swap3A_461 = arith.constant 240 : index
    %swap3A_462 = tpu.vector_load %arg9[%swap3A_461] {strides = array<i32>} : memref<512xf32, #tpu.memory_space<vmem>>, vector<16xf32>,
    %swap3A_463 = vector.shape_cast %swap3A_462 : vector<16xf32> to vector<16xf32>
    %swap3A_464 = vector.shape_cast %select_n3A_460 : vector<16xf32> to vector<16xf32>
    tpu.vector_store %arg9[%swap3A_461], %swap3A_464 {strides = array<i32>} : memref<512xf32, #tpu.memory_space<vmem>>, vector<16xf32>,
    %add3A_465 = arith.constant 128 : i32
    %add3A_466 = arith.addi %mul3A_2, %add3A_465 : i32
    %dma_start3A_467 = arith.constant 128 : i32
    %dma_start3A_468 = tpu.memref_slice %arg9[%dma_start3A_467] : memref<512xf32, #tpu.memory_space<vmem>> -> memref<128xf32, #tpu.memory_space<vmem>>
    %dma_start3A_469 = tpu.memref_slice %arg5[%add3A_466] : memref<16384xf32, #tpu.memory_space<hbm>> -> memref<128xf32, #tpu.memory_space<hbm>>
    %dma_start3A_470 = tpu.memref_slice %arg5[%add3A_466] : memref<16384xf32, #tpu.memory_space<hbm>> -> memref<128xf32, #tpu.memory_space<hbm>>
    %dma_start3A_471 = arith.constant 128 : i32
    %dma_start3A_472 = tpu.memref_slice %arg9[%dma_start3A_471] : memref<512xf32, #tpu.memory_space<vmem>> -> memref<128xf32, #tpu.memory_space<vmem>>
    tpu.enqueue_dma source(%dma_start3A_472 : memref<128xf32, #tpu.memory_space<vmem>>) target(%dma_start3A_470 : memref<128xf32, #tpu.memory_space<hbm>>) target_semaphore(%arg15 : memref<!tpu.dma_semaphore, #tpu.memory_space<semaphore_mem>>)
    %dma_wait3A_473 = arith.constant 2 : i32
    %dma_wait3A_474 = arith.constant 2 : i32
    %dma_wait3A_475 = arith.constant 0 : i32
    %dma_wait3A_476 = tpu.memref_slice %arg8[%dma_wait3A_474, %dma_wait3A_475] : memref<4x128xf32, #tpu.memory_space<vmem>> -> memref<1x128xf32, #tpu.memory_space<vmem>>
    %dma_wait3A_477 = tpu.memref_squeeze %dma_wait3A_476 : memref<1x128xf32, #tpu.memory_space<vmem>> -> memref<128xf32, #tpu.memory_space<vmem>>
    %dma_wait3A_478 = arith.constant 0 : i32
    %dma_wait3A_479 = tpu.memref_slice %arg7[%dma_wait3A_473, %dma_wait3A_478] : memref<4x128xi32, #tpu.memory_space<vmem>> -> memref<1x128xi32, #tpu.memory_space<vmem>>
    %dma_wait3A_480 = tpu.memref_squeeze %dma_wait3A_479 : memref<1x128xi32, #tpu.memory_space<vmem>> -> memref<128xi32, #tpu.memory_space<vmem>>
    %dma_wait3A_481 = arith.constant 0 : i32
    %dma_wait3A_482 = tpu.memref_slice %arg4[%dma_wait3A_481] : memref<4096xf32, #tpu.memory_space<hbm>> -> memref<4096xf32, #tpu.memory_space<hbm>>
    tpu.wait_indirect_dma semaphore(%arg13 : memref<!tpu.dma_semaphore, #tpu.memory_space<semaphore_mem>>) src(%dma_wait3A_482 : memref<4096xf32, #tpu.memory_space<hbm>>) dst(%dma_wait3A_477 : memref<128xf32, #tpu.memory_space<vmem>>)
    %get3A_483 = arith.constant 256 : index
    %get3A_484 = tpu.vector_load %arg6[%get3A_483] {strides = array<i32>} : memref<512xf32, #tpu.memory_space<vmem>>, vector<16xf32>,
    %get3A_485 = vector.shape_cast %get3A_484 : vector<16xf32> to vector<16xf32>
    %get3A_486 = arith.constant 2 : i32
    %get3A_487 = arith.index_cast %get3A_486 : i32 to index
    %get3A_488 = arith.constant 0 : index
    %get3A_489 = tpu.vector_load %arg8[%get3A_487, %get3A_488] {strides = array<i32>} : memref<4x128xf32, #tpu.memory_space<vmem>>, vector<1x16xf32>,
    %get3A_490 = vector.shape_cast %get3A_489 : vector<1x16xf32> to vector<16xf32>
    %sub3A_491 = arith.subf %get3A_485, %get3A_490 : vector<16xf32>
    %exp3A_492 = math.exp %sub3A_491 : vector<16xf32>
    %ne3A_493 = arith.constant 0.000000e+00 : f32
    %ne3A_494 = vector.broadcast %ne3A_493 : f32 to vector<16xf32>
    %ne3A_495 = arith.cmpf one, %get3A_485, %ne3A_494 : vector<16xf32>
    %jit3A_496 = arith.constant 0.000000e+00 : f32
    %broadcast_in_dim3A_497 = vector.broadcast %jit3A_496 : f32 to vector<16xf32>
    %select_n3A_498 = arith.select %ne3A_495, %exp3A_492, %broadcast_in_dim3A_497 : vector<16xi1>, vector<16xf32>
    %swap3A_499 = arith.constant 256 : index
    %swap3A_500 = tpu.vector_load %arg9[%swap3A_499] {strides = array<i32>} : memref<512xf32, #tpu.memory_space<vmem>>, vector<16xf32>,
    %swap3A_501 = vector.shape_cast %swap3A_500 : vector<16xf32> to vector<16xf32>
    %swap3A_502 = vector.shape_cast %select_n3A_498 : vector<16xf32> to vector<16xf32>
    tpu.vector_store %arg9[%swap3A_499], %swap3A_502 {strides = array<i32>} : memref<512xf32, #tpu.memory_space<vmem>>, vector<16xf32>,
    %get3A_503 = arith.constant 272 : index
    %get3A_504 = tpu.vector_load %arg6[%get3A_503] {strides = array<i32>} : memref<512xf32, #tpu.memory_space<vmem>>, vector<16xf32>,
    %get3A_505 = vector.shape_cast %get3A_504 : vector<16xf32> to vector<16xf32>
    %get3A_506 = arith.constant 2 : i32
    %get3A_507 = arith.index_cast %get3A_506 : i32 to index
    %get3A_508 = arith.constant 16 : index
    %get3A_509 = tpu.vector_load %arg8[%get3A_507, %get3A_508] {strides = array<i32>} : memref<4x128xf32, #tpu.memory_space<vmem>>, vector<1x16xf32>,
    %get3A_510 = vector.shape_cast %get3A_509 : vector<1x16xf32> to vector<16xf32>
    %sub3A_511 = arith.subf %get3A_505, %get3A_510 : vector<16xf32>
    %exp3A_512 = math.exp %sub3A_511 : vector<16xf32>
    %ne3A_513 = arith.constant 0.000000e+00 : f32
    %ne3A_514 = vector.broadcast %ne3A_513 : f32 to vector<16xf32>
    %ne3A_515 = arith.cmpf one, %get3A_505, %ne3A_514 : vector<16xf32>
    %jit3A_516 = arith.constant 0.000000e+00 : f32
    %broadcast_in_dim3A_517 = vector.broadcast %jit3A_516 : f32 to vector<16xf32>
    %select_n3A_518 = arith.select %ne3A_515, %exp3A_512, %broadcast_in_dim3A_517 : vector<16xi1>, vector<16xf32>
    %swap3A_519 = arith.constant 272 : index
    %swap3A_520 = tpu.vector_load %arg9[%swap3A_519] {strides = array<i32>} : memref<512xf32, #tpu.memory_space<vmem>>, vector<16xf32>,
    %swap3A_521 = vector.shape_cast %swap3A_520 : vector<16xf32> to vector<16xf32>
    %swap3A_522 = vector.shape_cast %select_n3A_518 : vector<16xf32> to vector<16xf32>
    tpu.vector_store %arg9[%swap3A_519], %swap3A_522 {strides = array<i32>} : memref<512xf32, #tpu.memory_space<vmem>>, vector<16xf32>,
    %get3A_523 = arith.constant 288 : index
    %get3A_524 = tpu.vector_load %arg6[%get3A_523] {strides = array<i32>} : memref<512xf32, #tpu.memory_space<vmem>>, vector<16xf32>,
    %get3A_525 = vector.shape_cast %get3A_524 : vector<16xf32> to vector<16xf32>
    %get3A_526 = arith.constant 2 : i32
    %get3A_527 = arith.index_cast %get3A_526 : i32 to index
    %get3A_528 = arith.constant 32 : index
    %get3A_529 = tpu.vector_load %arg8[%get3A_527, %get3A_528] {strides = array<i32>} : memref<4x128xf32, #tpu.memory_space<vmem>>, vector<1x16xf32>,
    %get3A_530 = vector.shape_cast %get3A_529 : vector<1x16xf32> to vector<16xf32>
    %sub3A_531 = arith.subf %get3A_525, %get3A_530 : vector<16xf32>
    %exp3A_532 = math.exp %sub3A_531 : vector<16xf32>
    %ne3A_533 = arith.constant 0.000000e+00 : f32
    %ne3A_534 = vector.broadcast %ne3A_533 : f32 to vector<16xf32>
    %ne3A_535 = arith.cmpf one, %get3A_525, %ne3A_534 : vector<16xf32>
    %jit3A_536 = arith.constant 0.000000e+00 : f32
    %broadcast_in_dim3A_537 = vector.broadcast %jit3A_536 : f32 to vector<16xf32>
    %select_n3A_538 = arith.select %ne3A_535, %exp3A_532, %broadcast_in_dim3A_537 : vector<16xi1>, vector<16xf32>
    %swap3A_539 = arith.constant 288 : index
    %swap3A_540 = tpu.vector_load %arg9[%swap3A_539] {strides = array<i32>} : memref<512xf32, #tpu.memory_space<vmem>>, vector<16xf32>,
    %swap3A_541 = vector.shape_cast %swap3A_540 : vector<16xf32> to vector<16xf32>
    %swap3A_542 = vector.shape_cast %select_n3A_538 : vector<16xf32> to vector<16xf32>
    tpu.vector_store %arg9[%swap3A_539], %swap3A_542 {strides = array<i32>} : memref<512xf32, #tpu.memory_space<vmem>>, vector<16xf32>,
    %get3A_543 = arith.constant 304 : index
    %get3A_544 = tpu.vector_load %arg6[%get3A_543] {strides = array<i32>} : memref<512xf32, #tpu.memory_space<vmem>>, vector<16xf32>,
    %get3A_545 = vector.shape_cast %get3A_544 : vector<16xf32> to vector<16xf32>
    %get3A_546 = arith.constant 2 : i32
    %get3A_547 = arith.index_cast %get3A_546 : i32 to index
    %get3A_548 = arith.constant 48 : index
    %get3A_549 = tpu.vector_load %arg8[%get3A_547, %get3A_548] {strides = array<i32>} : memref<4x128xf32, #tpu.memory_space<vmem>>, vector<1x16xf32>,
    %get3A_550 = vector.shape_cast %get3A_549 : vector<1x16xf32> to vector<16xf32>
    %sub3A_551 = arith.subf %get3A_545, %get3A_550 : vector<16xf32>
    %exp3A_552 = math.exp %sub3A_551 : vector<16xf32>
    %ne3A_553 = arith.constant 0.000000e+00 : f32
    %ne3A_554 = vector.broadcast %ne3A_553 : f32 to vector<16xf32>
    %ne3A_555 = arith.cmpf one, %get3A_545, %ne3A_554 : vector<16xf32>
    %jit3A_556 = arith.constant 0.000000e+00 : f32
    %broadcast_in_dim3A_557 = vector.broadcast %jit3A_556 : f32 to vector<16xf32>
    %select_n3A_558 = arith.select %ne3A_555, %exp3A_552, %broadcast_in_dim3A_557 : vector<16xi1>, vector<16xf32>
    %swap3A_559 = arith.constant 304 : index
    %swap3A_560 = tpu.vector_load %arg9[%swap3A_559] {strides = array<i32>} : memref<512xf32, #tpu.memory_space<vmem>>, vector<16xf32>,
    %swap3A_561 = vector.shape_cast %swap3A_560 : vector<16xf32> to vector<16xf32>
    %swap3A_562 = vector.shape_cast %select_n3A_558 : vector<16xf32> to vector<16xf32>
    tpu.vector_store %arg9[%swap3A_559], %swap3A_562 {strides = array<i32>} : memref<512xf32, #tpu.memory_space<vmem>>, vector<16xf32>,
    %get3A_563 = arith.constant 320 : index
    %get3A_564 = tpu.vector_load %arg6[%get3A_563] {strides = array<i32>} : memref<512xf32, #tpu.memory_space<vmem>>, vector<16xf32>,
    %get3A_565 = vector.shape_cast %get3A_564 : vector<16xf32> to vector<16xf32>
    %get3A_566 = arith.constant 2 : i32
    %get3A_567 = arith.index_cast %get3A_566 : i32 to index
    %get3A_568 = arith.constant 64 : index
    %get3A_569 = tpu.vector_load %arg8[%get3A_567, %get3A_568] {strides = array<i32>} : memref<4x128xf32, #tpu.memory_space<vmem>>, vector<1x16xf32>,
    %get3A_570 = vector.shape_cast %get3A_569 : vector<1x16xf32> to vector<16xf32>
    %sub3A_571 = arith.subf %get3A_565, %get3A_570 : vector<16xf32>
    %exp3A_572 = math.exp %sub3A_571 : vector<16xf32>
    %ne3A_573 = arith.constant 0.000000e+00 : f32
    %ne3A_574 = vector.broadcast %ne3A_573 : f32 to vector<16xf32>
    %ne3A_575 = arith.cmpf one, %get3A_565, %ne3A_574 : vector<16xf32>
    %jit3A_576 = arith.constant 0.000000e+00 : f32
    %broadcast_in_dim3A_577 = vector.broadcast %jit3A_576 : f32 to vector<16xf32>
    %select_n3A_578 = arith.select %ne3A_575, %exp3A_572, %broadcast_in_dim3A_577 : vector<16xi1>, vector<16xf32>
    %swap3A_579 = arith.constant 320 : index
    %swap3A_580 = tpu.vector_load %arg9[%swap3A_579] {strides = array<i32>} : memref<512xf32, #tpu.memory_space<vmem>>, vector<16xf32>,
    %swap3A_581 = vector.shape_cast %swap3A_580 : vector<16xf32> to vector<16xf32>
    %swap3A_582 = vector.shape_cast %select_n3A_578 : vector<16xf32> to vector<16xf32>
    tpu.vector_store %arg9[%swap3A_579], %swap3A_582 {strides = array<i32>} : memref<512xf32, #tpu.memory_space<vmem>>, vector<16xf32>,
    %get3A_583 = arith.constant 336 : index
    %get3A_584 = tpu.vector_load %arg6[%get3A_583] {strides = array<i32>} : memref<512xf32, #tpu.memory_space<vmem>>, vector<16xf32>,
    %get3A_585 = vector.shape_cast %get3A_584 : vector<16xf32> to vector<16xf32>
    %get3A_586 = arith.constant 2 : i32
    %get3A_587 = arith.index_cast %get3A_586 : i32 to index
    %get3A_588 = arith.constant 80 : index
    %get3A_589 = tpu.vector_load %arg8[%get3A_587, %get3A_588] {strides = array<i32>} : memref<4x128xf32, #tpu.memory_space<vmem>>, vector<1x16xf32>,
    %get3A_590 = vector.shape_cast %get3A_589 : vector<1x16xf32> to vector<16xf32>
    %sub3A_591 = arith.subf %get3A_585, %get3A_590 : vector<16xf32>
    %exp3A_592 = math.exp %sub3A_591 : vector<16xf32>
    %ne3A_593 = arith.constant 0.000000e+00 : f32
    %ne3A_594 = vector.broadcast %ne3A_593 : f32 to vector<16xf32>
    %ne3A_595 = arith.cmpf one, %get3A_585, %ne3A_594 : vector<16xf32>
    %jit3A_596 = arith.constant 0.000000e+00 : f32
    %broadcast_in_dim3A_597 = vector.broadcast %jit3A_596 : f32 to vector<16xf32>
    %select_n3A_598 = arith.select %ne3A_595, %exp3A_592, %broadcast_in_dim3A_597 : vector<16xi1>, vector<16xf32>
    %swap3A_599 = arith.constant 336 : index
    %swap3A_600 = tpu.vector_load %arg9[%swap3A_599] {strides = array<i32>} : memref<512xf32, #tpu.memory_space<vmem>>, vector<16xf32>,
    %swap3A_601 = vector.shape_cast %swap3A_600 : vector<16xf32> to vector<16xf32>
    %swap3A_602 = vector.shape_cast %select_n3A_598 : vector<16xf32> to vector<16xf32>
    tpu.vector_store %arg9[%swap3A_599], %swap3A_602 {strides = array<i32>} : memref<512xf32, #tpu.memory_space<vmem>>, vector<16xf32>,
    %get3A_603 = arith.constant 352 : index
    %get3A_604 = tpu.vector_load %arg6[%get3A_603] {strides = array<i32>} : memref<512xf32, #tpu.memory_space<vmem>>, vector<16xf32>,
    %get3A_605 = vector.shape_cast %get3A_604 : vector<16xf32> to vector<16xf32>
    %get3A_606 = arith.constant 2 : i32
    %get3A_607 = arith.index_cast %get3A_606 : i32 to index
    %get3A_608 = arith.constant 96 : index
    %get3A_609 = tpu.vector_load %arg8[%get3A_607, %get3A_608] {strides = array<i32>} : memref<4x128xf32, #tpu.memory_space<vmem>>, vector<1x16xf32>,
    %get3A_610 = vector.shape_cast %get3A_609 : vector<1x16xf32> to vector<16xf32>
    %sub3A_611 = arith.subf %get3A_605, %get3A_610 : vector<16xf32>
    %exp3A_612 = math.exp %sub3A_611 : vector<16xf32>
    %ne3A_613 = arith.constant 0.000000e+00 : f32
    %ne3A_614 = vector.broadcast %ne3A_613 : f32 to vector<16xf32>
    %ne3A_615 = arith.cmpf one, %get3A_605, %ne3A_614 : vector<16xf32>
    %jit3A_616 = arith.constant 0.000000e+00 : f32
    %broadcast_in_dim3A_617 = vector.broadcast %jit3A_616 : f32 to vector<16xf32>
    %select_n3A_618 = arith.select %ne3A_615, %exp3A_612, %broadcast_in_dim3A_617 : vector<16xi1>, vector<16xf32>
    %swap3A_619 = arith.constant 352 : index
    %swap3A_620 = tpu.vector_load %arg9[%swap3A_619] {strides = array<i32>} : memref<512xf32, #tpu.memory_space<vmem>>, vector<16xf32>,
    %swap3A_621 = vector.shape_cast %swap3A_620 : vector<16xf32> to vector<16xf32>
    %swap3A_622 = vector.shape_cast %select_n3A_618 : vector<16xf32> to vector<16xf32>
    tpu.vector_store %arg9[%swap3A_619], %swap3A_622 {strides = array<i32>} : memref<512xf32, #tpu.memory_space<vmem>>, vector<16xf32>,
    %get3A_623 = arith.constant 368 : index
    %get3A_624 = tpu.vector_load %arg6[%get3A_623] {strides = array<i32>} : memref<512xf32, #tpu.memory_space<vmem>>, vector<16xf32>,
    %get3A_625 = vector.shape_cast %get3A_624 : vector<16xf32> to vector<16xf32>
    %get3A_626 = arith.constant 2 : i32
    %get3A_627 = arith.index_cast %get3A_626 : i32 to index
    %get3A_628 = arith.constant 112 : index
    %get3A_629 = tpu.vector_load %arg8[%get3A_627, %get3A_628] {strides = array<i32>} : memref<4x128xf32, #tpu.memory_space<vmem>>, vector<1x16xf32>,
    %get3A_630 = vector.shape_cast %get3A_629 : vector<1x16xf32> to vector<16xf32>
    %sub3A_631 = arith.subf %get3A_625, %get3A_630 : vector<16xf32>
    %exp3A_632 = math.exp %sub3A_631 : vector<16xf32>
    %ne3A_633 = arith.constant 0.000000e+00 : f32
    %ne3A_634 = vector.broadcast %ne3A_633 : f32 to vector<16xf32>
    %ne3A_635 = arith.cmpf one, %get3A_625, %ne3A_634 : vector<16xf32>
    %jit3A_636 = arith.constant 0.000000e+00 : f32
    %broadcast_in_dim3A_637 = vector.broadcast %jit3A_636 : f32 to vector<16xf32>
    %select_n3A_638 = arith.select %ne3A_635, %exp3A_632, %broadcast_in_dim3A_637 : vector<16xi1>, vector<16xf32>
    %swap3A_639 = arith.constant 368 : index
    %swap3A_640 = tpu.vector_load %arg9[%swap3A_639] {strides = array<i32>} : memref<512xf32, #tpu.memory_space<vmem>>, vector<16xf32>,
    %swap3A_641 = vector.shape_cast %swap3A_640 : vector<16xf32> to vector<16xf32>
    %swap3A_642 = vector.shape_cast %select_n3A_638 : vector<16xf32> to vector<16xf32>
    tpu.vector_store %arg9[%swap3A_639], %swap3A_642 {strides = array<i32>} : memref<512xf32, #tpu.memory_space<vmem>>, vector<16xf32>,
    %add3A_643 = arith.constant 256 : i32
    %add3A_644 = arith.addi %mul3A_2, %add3A_643 : i32
    %dma_start3A_645 = arith.constant 256 : i32
    %dma_start3A_646 = tpu.memref_slice %arg9[%dma_start3A_645] : memref<512xf32, #tpu.memory_space<vmem>> -> memref<128xf32, #tpu.memory_space<vmem>>
    %dma_start3A_647 = tpu.memref_slice %arg5[%add3A_644] : memref<16384xf32, #tpu.memory_space<hbm>> -> memref<128xf32, #tpu.memory_space<hbm>>
    %dma_start3A_648 = tpu.memref_slice %arg5[%add3A_644] : memref<16384xf32, #tpu.memory_space<hbm>> -> memref<128xf32, #tpu.memory_space<hbm>>
    %dma_start3A_649 = arith.constant 256 : i32
    %dma_start3A_650 = tpu.memref_slice %arg9[%dma_start3A_649] : memref<512xf32, #tpu.memory_space<vmem>> -> memref<128xf32, #tpu.memory_space<vmem>>
    tpu.enqueue_dma source(%dma_start3A_650 : memref<128xf32, #tpu.memory_space<vmem>>) target(%dma_start3A_648 : memref<128xf32, #tpu.memory_space<hbm>>) target_semaphore(%arg15 : memref<!tpu.dma_semaphore, #tpu.memory_space<semaphore_mem>>)
    %dma_wait3A_651 = arith.constant 3 : i32
    %dma_wait3A_652 = arith.constant 3 : i32
    %dma_wait3A_653 = arith.constant 0 : i32
    %dma_wait3A_654 = tpu.memref_slice %arg8[%dma_wait3A_652, %dma_wait3A_653] : memref<4x128xf32, #tpu.memory_space<vmem>> -> memref<1x128xf32, #tpu.memory_space<vmem>>
    %dma_wait3A_655 = tpu.memref_squeeze %dma_wait3A_654 : memref<1x128xf32, #tpu.memory_space<vmem>> -> memref<128xf32, #tpu.memory_space<vmem>>
    %dma_wait3A_656 = arith.constant 0 : i32
    %dma_wait3A_657 = tpu.memref_slice %arg7[%dma_wait3A_651, %dma_wait3A_656] : memref<4x128xi32, #tpu.memory_space<vmem>> -> memref<1x128xi32, #tpu.memory_space<vmem>>
    %dma_wait3A_658 = tpu.memref_squeeze %dma_wait3A_657 : memref<1x128xi32, #tpu.memory_space<vmem>> -> memref<128xi32, #tpu.memory_space<vmem>>
    %dma_wait3A_659 = arith.constant 0 : i32
    %dma_wait3A_660 = tpu.memref_slice %arg4[%dma_wait3A_659] : memref<4096xf32, #tpu.memory_space<hbm>> -> memref<4096xf32, #tpu.memory_space<hbm>>
    tpu.wait_indirect_dma semaphore(%arg14 : memref<!tpu.dma_semaphore, #tpu.memory_space<semaphore_mem>>) src(%dma_wait3A_660 : memref<4096xf32, #tpu.memory_space<hbm>>) dst(%dma_wait3A_655 : memref<128xf32, #tpu.memory_space<vmem>>)
    %get3A_661 = arith.constant 384 : index
    %get3A_662 = tpu.vector_load %arg6[%get3A_661] {strides = array<i32>} : memref<512xf32, #tpu.memory_space<vmem>>, vector<16xf32>,
    %get3A_663 = vector.shape_cast %get3A_662 : vector<16xf32> to vector<16xf32>
    %get3A_664 = arith.constant 3 : i32
    %get3A_665 = arith.index_cast %get3A_664 : i32 to index
    %get3A_666 = arith.constant 0 : index
    %get3A_667 = tpu.vector_load %arg8[%get3A_665, %get3A_666] {strides = array<i32>} : memref<4x128xf32, #tpu.memory_space<vmem>>, vector<1x16xf32>,
    %get3A_668 = vector.shape_cast %get3A_667 : vector<1x16xf32> to vector<16xf32>
    %sub3A_669 = arith.subf %get3A_663, %get3A_668 : vector<16xf32>
    %exp3A_670 = math.exp %sub3A_669 : vector<16xf32>
    %ne3A_671 = arith.constant 0.000000e+00 : f32
    %ne3A_672 = vector.broadcast %ne3A_671 : f32 to vector<16xf32>
    %ne3A_673 = arith.cmpf one, %get3A_663, %ne3A_672 : vector<16xf32>
    %jit3A_674 = arith.constant 0.000000e+00 : f32
    %broadcast_in_dim3A_675 = vector.broadcast %jit3A_674 : f32 to vector<16xf32>
    %select_n3A_676 = arith.select %ne3A_673, %exp3A_670, %broadcast_in_dim3A_675 : vector<16xi1>, vector<16xf32>
    %swap3A_677 = arith.constant 384 : index
    %swap3A_678 = tpu.vector_load %arg9[%swap3A_677] {strides = array<i32>} : memref<512xf32, #tpu.memory_space<vmem>>, vector<16xf32>,
    %swap3A_679 = vector.shape_cast %swap3A_678 : vector<16xf32> to vector<16xf32>
    %swap3A_680 = vector.shape_cast %select_n3A_676 : vector<16xf32> to vector<16xf32>
    tpu.vector_store %arg9[%swap3A_677], %swap3A_680 {strides = array<i32>} : memref<512xf32, #tpu.memory_space<vmem>>, vector<16xf32>,
    %get3A_681 = arith.constant 400 : index
    %get3A_682 = tpu.vector_load %arg6[%get3A_681] {strides = array<i32>} : memref<512xf32, #tpu.memory_space<vmem>>, vector<16xf32>,
    %get3A_683 = vector.shape_cast %get3A_682 : vector<16xf32> to vector<16xf32>
    %get3A_684 = arith.constant 3 : i32
    %get3A_685 = arith.index_cast %get3A_684 : i32 to index
    %get3A_686 = arith.constant 16 : index
    %get3A_687 = tpu.vector_load %arg8[%get3A_685, %get3A_686] {strides = array<i32>} : memref<4x128xf32, #tpu.memory_space<vmem>>, vector<1x16xf32>,
    %get3A_688 = vector.shape_cast %get3A_687 : vector<1x16xf32> to vector<16xf32>
    %sub3A_689 = arith.subf %get3A_683, %get3A_688 : vector<16xf32>
    %exp3A_690 = math.exp %sub3A_689 : vector<16xf32>
    %ne3A_691 = arith.constant 0.000000e+00 : f32
    %ne3A_692 = vector.broadcast %ne3A_691 : f32 to vector<16xf32>
    %ne3A_693 = arith.cmpf one, %get3A_683, %ne3A_692 : vector<16xf32>
    %jit3A_694 = arith.constant 0.000000e+00 : f32
    %broadcast_in_dim3A_695 = vector.broadcast %jit3A_694 : f32 to vector<16xf32>
    %select_n3A_696 = arith.select %ne3A_693, %exp3A_690, %broadcast_in_dim3A_695 : vector<16xi1>, vector<16xf32>
    %swap3A_697 = arith.constant 400 : index
    %swap3A_698 = tpu.vector_load %arg9[%swap3A_697] {strides = array<i32>} : memref<512xf32, #tpu.memory_space<vmem>>, vector<16xf32>,
    %swap3A_699 = vector.shape_cast %swap3A_698 : vector<16xf32> to vector<16xf32>
    %swap3A_700 = vector.shape_cast %select_n3A_696 : vector<16xf32> to vector<16xf32>
    tpu.vector_store %arg9[%swap3A_697], %swap3A_700 {strides = array<i32>} : memref<512xf32, #tpu.memory_space<vmem>>, vector<16xf32>,
    %get3A_701 = arith.constant 416 : index
    %get3A_702 = tpu.vector_load %arg6[%get3A_701] {strides = array<i32>} : memref<512xf32, #tpu.memory_space<vmem>>, vector<16xf32>,
    %get3A_703 = vector.shape_cast %get3A_702 : vector<16xf32> to vector<16xf32>
    %get3A_704 = arith.constant 3 : i32
    %get3A_705 = arith.index_cast %get3A_704 : i32 to index
    %get3A_706 = arith.constant 32 : index
    %get3A_707 = tpu.vector_load %arg8[%get3A_705, %get3A_706] {strides = array<i32>} : memref<4x128xf32, #tpu.memory_space<vmem>>, vector<1x16xf32>,
    %get3A_708 = vector.shape_cast %get3A_707 : vector<1x16xf32> to vector<16xf32>
    %sub3A_709 = arith.subf %get3A_703, %get3A_708 : vector<16xf32>
    %exp3A_710 = math.exp %sub3A_709 : vector<16xf32>
    %ne3A_711 = arith.constant 0.000000e+00 : f32
    %ne3A_712 = vector.broadcast %ne3A_711 : f32 to vector<16xf32>
    %ne3A_713 = arith.cmpf one, %get3A_703, %ne3A_712 : vector<16xf32>
    %jit3A_714 = arith.constant 0.000000e+00 : f32
    %broadcast_in_dim3A_715 = vector.broadcast %jit3A_714 : f32 to vector<16xf32>
    %select_n3A_716 = arith.select %ne3A_713, %exp3A_710, %broadcast_in_dim3A_715 : vector<16xi1>, vector<16xf32>
    %swap3A_717 = arith.constant 416 : index
    %swap3A_718 = tpu.vector_load %arg9[%swap3A_717] {strides = array<i32>} : memref<512xf32, #tpu.memory_space<vmem>>, vector<16xf32>,
    %swap3A_719 = vector.shape_cast %swap3A_718 : vector<16xf32> to vector<16xf32>
    %swap3A_720 = vector.shape_cast %select_n3A_716 : vector<16xf32> to vector<16xf32>
    tpu.vector_store %arg9[%swap3A_717], %swap3A_720 {strides = array<i32>} : memref<512xf32, #tpu.memory_space<vmem>>, vector<16xf32>,
    %get3A_721 = arith.constant 432 : index
    %get3A_722 = tpu.vector_load %arg6[%get3A_721] {strides = array<i32>} : memref<512xf32, #tpu.memory_space<vmem>>, vector<16xf32>,
    %get3A_723 = vector.shape_cast %get3A_722 : vector<16xf32> to vector<16xf32>
    %get3A_724 = arith.constant 3 : i32
    %get3A_725 = arith.index_cast %get3A_724 : i32 to index
    %get3A_726 = arith.constant 48 : index
    %get3A_727 = tpu.vector_load %arg8[%get3A_725, %get3A_726] {strides = array<i32>} : memref<4x128xf32, #tpu.memory_space<vmem>>, vector<1x16xf32>,
    %get3A_728 = vector.shape_cast %get3A_727 : vector<1x16xf32> to vector<16xf32>
    %sub3A_729 = arith.subf %get3A_723, %get3A_728 : vector<16xf32>
    %exp3A_730 = math.exp %sub3A_729 : vector<16xf32>
    %ne3A_731 = arith.constant 0.000000e+00 : f32
    %ne3A_732 = vector.broadcast %ne3A_731 : f32 to vector<16xf32>
    %ne3A_733 = arith.cmpf one, %get3A_723, %ne3A_732 : vector<16xf32>
    %jit3A_734 = arith.constant 0.000000e+00 : f32
    %broadcast_in_dim3A_735 = vector.broadcast %jit3A_734 : f32 to vector<16xf32>
    %select_n3A_736 = arith.select %ne3A_733, %exp3A_730, %broadcast_in_dim3A_735 : vector<16xi1>, vector<16xf32>
    %swap3A_737 = arith.constant 432 : index
    %swap3A_738 = tpu.vector_load %arg9[%swap3A_737] {strides = array<i32>} : memref<512xf32, #tpu.memory_space<vmem>>, vector<16xf32>,
    %swap3A_739 = vector.shape_cast %swap3A_738 : vector<16xf32> to vector<16xf32>
    %swap3A_740 = vector.shape_cast %select_n3A_736 : vector<16xf32> to vector<16xf32>
    tpu.vector_store %arg9[%swap3A_737], %swap3A_740 {strides = array<i32>} : memref<512xf32, #tpu.memory_space<vmem>>, vector<16xf32>,
    %get3A_741 = arith.constant 448 : index
    %get3A_742 = tpu.vector_load %arg6[%get3A_741] {strides = array<i32>} : memref<512xf32, #tpu.memory_space<vmem>>, vector<16xf32>,
    %get3A_743 = vector.shape_cast %get3A_742 : vector<16xf32> to vector<16xf32>
    %get3A_744 = arith.constant 3 : i32
    %get3A_745 = arith.index_cast %get3A_744 : i32 to index
    %get3A_746 = arith.constant 64 : index
    %get3A_747 = tpu.vector_load %arg8[%get3A_745, %get3A_746] {strides = array<i32>} : memref<4x128xf32, #tpu.memory_space<vmem>>, vector<1x16xf32>,
    %get3A_748 = vector.shape_cast %get3A_747 : vector<1x16xf32> to vector<16xf32>
    %sub3A_749 = arith.subf %get3A_743, %get3A_748 : vector<16xf32>
    %exp3A_750 = math.exp %sub3A_749 : vector<16xf32>
    %ne3A_751 = arith.constant 0.000000e+00 : f32
    %ne3A_752 = vector.broadcast %ne3A_751 : f32 to vector<16xf32>
    %ne3A_753 = arith.cmpf one, %get3A_743, %ne3A_752 : vector<16xf32>
    %jit3A_754 = arith.constant 0.000000e+00 : f32
    %broadcast_in_dim3A_755 = vector.broadcast %jit3A_754 : f32 to vector<16xf32>
    %select_n3A_756 = arith.select %ne3A_753, %exp3A_750, %broadcast_in_dim3A_755 : vector<16xi1>, vector<16xf32>
    %swap3A_757 = arith.constant 448 : index
    %swap3A_758 = tpu.vector_load %arg9[%swap3A_757] {strides = array<i32>} : memref<512xf32, #tpu.memory_space<vmem>>, vector<16xf32>,
    %swap3A_759 = vector.shape_cast %swap3A_758 : vector<16xf32> to vector<16xf32>
    %swap3A_760 = vector.shape_cast %select_n3A_756 : vector<16xf32> to vector<16xf32>
    tpu.vector_store %arg9[%swap3A_757], %swap3A_760 {strides = array<i32>} : memref<512xf32, #tpu.memory_space<vmem>>, vector<16xf32>,
    %get3A_761 = arith.constant 464 : index
    %get3A_762 = tpu.vector_load %arg6[%get3A_761] {strides = array<i32>} : memref<512xf32, #tpu.memory_space<vmem>>, vector<16xf32>,
    %get3A_763 = vector.shape_cast %get3A_762 : vector<16xf32> to vector<16xf32>
    %get3A_764 = arith.constant 3 : i32
    %get3A_765 = arith.index_cast %get3A_764 : i32 to index
    %get3A_766 = arith.constant 80 : index
    %get3A_767 = tpu.vector_load %arg8[%get3A_765, %get3A_766] {strides = array<i32>} : memref<4x128xf32, #tpu.memory_space<vmem>>, vector<1x16xf32>,
    %get3A_768 = vector.shape_cast %get3A_767 : vector<1x16xf32> to vector<16xf32>
    %sub3A_769 = arith.subf %get3A_763, %get3A_768 : vector<16xf32>
    %exp3A_770 = math.exp %sub3A_769 : vector<16xf32>
    %ne3A_771 = arith.constant 0.000000e+00 : f32
    %ne3A_772 = vector.broadcast %ne3A_771 : f32 to vector<16xf32>
    %ne3A_773 = arith.cmpf one, %get3A_763, %ne3A_772 : vector<16xf32>
    %jit3A_774 = arith.constant 0.000000e+00 : f32
    %broadcast_in_dim3A_775 = vector.broadcast %jit3A_774 : f32 to vector<16xf32>
    %select_n3A_776 = arith.select %ne3A_773, %exp3A_770, %broadcast_in_dim3A_775 : vector<16xi1>, vector<16xf32>
    %swap3A_777 = arith.constant 464 : index
    %swap3A_778 = tpu.vector_load %arg9[%swap3A_777] {strides = array<i32>} : memref<512xf32, #tpu.memory_space<vmem>>, vector<16xf32>,
    %swap3A_779 = vector.shape_cast %swap3A_778 : vector<16xf32> to vector<16xf32>
    %swap3A_780 = vector.shape_cast %select_n3A_776 : vector<16xf32> to vector<16xf32>
    tpu.vector_store %arg9[%swap3A_777], %swap3A_780 {strides = array<i32>} : memref<512xf32, #tpu.memory_space<vmem>>, vector<16xf32>,
    %get3A_781 = arith.constant 480 : index
    %get3A_782 = tpu.vector_load %arg6[%get3A_781] {strides = array<i32>} : memref<512xf32, #tpu.memory_space<vmem>>, vector<16xf32>,
    %get3A_783 = vector.shape_cast %get3A_782 : vector<16xf32> to vector<16xf32>
    %get3A_784 = arith.constant 3 : i32
    %get3A_785 = arith.index_cast %get3A_784 : i32 to index
    %get3A_786 = arith.constant 96 : index
    %get3A_787 = tpu.vector_load %arg8[%get3A_785, %get3A_786] {strides = array<i32>} : memref<4x128xf32, #tpu.memory_space<vmem>>, vector<1x16xf32>,
    %get3A_788 = vector.shape_cast %get3A_787 : vector<1x16xf32> to vector<16xf32>
    %sub3A_789 = arith.subf %get3A_783, %get3A_788 : vector<16xf32>
    %exp3A_790 = math.exp %sub3A_789 : vector<16xf32>
    %ne3A_791 = arith.constant 0.000000e+00 : f32
    %ne3A_792 = vector.broadcast %ne3A_791 : f32 to vector<16xf32>
    %ne3A_793 = arith.cmpf one, %get3A_783, %ne3A_792 : vector<16xf32>
    %jit3A_794 = arith.constant 0.000000e+00 : f32
    %broadcast_in_dim3A_795 = vector.broadcast %jit3A_794 : f32 to vector<16xf32>
    %select_n3A_796 = arith.select %ne3A_793, %exp3A_790, %broadcast_in_dim3A_795 : vector<16xi1>, vector<16xf32>
    %swap3A_797 = arith.constant 480 : index
    %swap3A_798 = tpu.vector_load %arg9[%swap3A_797] {strides = array<i32>} : memref<512xf32, #tpu.memory_space<vmem>>, vector<16xf32>,
    %swap3A_799 = vector.shape_cast %swap3A_798 : vector<16xf32> to vector<16xf32>
    %swap3A_800 = vector.shape_cast %select_n3A_796 : vector<16xf32> to vector<16xf32>
    tpu.vector_store %arg9[%swap3A_797], %swap3A_800 {strides = array<i32>} : memref<512xf32, #tpu.memory_space<vmem>>, vector<16xf32>,
    %get3A_801 = arith.constant 496 : index
    %get3A_802 = tpu.vector_load %arg6[%get3A_801] {strides = array<i32>} : memref<512xf32, #tpu.memory_space<vmem>>, vector<16xf32>,
    %get3A_803 = vector.shape_cast %get3A_802 : vector<16xf32> to vector<16xf32>
    %get3A_804 = arith.constant 3 : i32
    %get3A_805 = arith.index_cast %get3A_804 : i32 to index
    %get3A_806 = arith.constant 112 : index
    %get3A_807 = tpu.vector_load %arg8[%get3A_805, %get3A_806] {strides = array<i32>} : memref<4x128xf32, #tpu.memory_space<vmem>>, vector<1x16xf32>,
    %get3A_808 = vector.shape_cast %get3A_807 : vector<1x16xf32> to vector<16xf32>
    %sub3A_809 = arith.subf %get3A_803, %get3A_808 : vector<16xf32>
    %exp3A_810 = math.exp %sub3A_809 : vector<16xf32>
    %ne3A_811 = arith.constant 0.000000e+00 : f32
    %ne3A_812 = vector.broadcast %ne3A_811 : f32 to vector<16xf32>
    %ne3A_813 = arith.cmpf one, %get3A_803, %ne3A_812 : vector<16xf32>
    %jit3A_814 = arith.constant 0.000000e+00 : f32
    %broadcast_in_dim3A_815 = vector.broadcast %jit3A_814 : f32 to vector<16xf32>
    %select_n3A_816 = arith.select %ne3A_813, %exp3A_810, %broadcast_in_dim3A_815 : vector<16xi1>, vector<16xf32>
    %swap3A_817 = arith.constant 496 : index
    %swap3A_818 = tpu.vector_load %arg9[%swap3A_817] {strides = array<i32>} : memref<512xf32, #tpu.memory_space<vmem>>, vector<16xf32>,
    %swap3A_819 = vector.shape_cast %swap3A_818 : vector<16xf32> to vector<16xf32>
    %swap3A_820 = vector.shape_cast %select_n3A_816 : vector<16xf32> to vector<16xf32>
    tpu.vector_store %arg9[%swap3A_817], %swap3A_820 {strides = array<i32>} : memref<512xf32, #tpu.memory_space<vmem>>, vector<16xf32>,
    %add3A_821 = arith.constant 384 : i32
    %add3A_822 = arith.addi %mul3A_2, %add3A_821 : i32
    %dma_start3A_823 = arith.constant 384 : i32
    %dma_start3A_824 = tpu.memref_slice %arg9[%dma_start3A_823] : memref<512xf32, #tpu.memory_space<vmem>> -> memref<128xf32, #tpu.memory_space<vmem>>
    %dma_start3A_825 = tpu.memref_slice %arg5[%add3A_822] : memref<16384xf32, #tpu.memory_space<hbm>> -> memref<128xf32, #tpu.memory_space<hbm>>
    %dma_start3A_826 = tpu.memref_slice %arg5[%add3A_822] : memref<16384xf32, #tpu.memory_space<hbm>> -> memref<128xf32, #tpu.memory_space<hbm>>
    %dma_start3A_827 = arith.constant 384 : i32
    %dma_start3A_828 = tpu.memref_slice %arg9[%dma_start3A_827] : memref<512xf32, #tpu.memory_space<vmem>> -> memref<128xf32, #tpu.memory_space<vmem>>
    tpu.enqueue_dma source(%dma_start3A_828 : memref<128xf32, #tpu.memory_space<vmem>>) target(%dma_start3A_826 : memref<128xf32, #tpu.memory_space<hbm>>) target_semaphore(%arg15 : memref<!tpu.dma_semaphore, #tpu.memory_space<semaphore_mem>>)
    %dma_wait3A_829 = arith.constant 0 : i32
    %dma_wait3A_830 = tpu.memref_slice %arg9[%dma_wait3A_829] : memref<512xf32, #tpu.memory_space<vmem>> -> memref<128xf32, #tpu.memory_space<vmem>>
    %dma_wait3A_831 = tpu.memref_slice %arg5[%add3A_288] : memref<16384xf32, #tpu.memory_space<hbm>> -> memref<128xf32, #tpu.memory_space<hbm>>
    %dma_wait3A_832 = tpu.memref_slice %arg5[%add3A_288] : memref<16384xf32, #tpu.memory_space<hbm>> -> memref<128xf32, #tpu.memory_space<hbm>>
    %dma_wait3A_833 = arith.constant 0 : i32
    %dma_wait3A_834 = tpu.memref_slice %arg9[%dma_wait3A_833] : memref<512xf32, #tpu.memory_space<vmem>> -> memref<128xf32, #tpu.memory_space<vmem>>
    tpu.wait_dma2 semaphore(%arg15 : memref<!tpu.dma_semaphore, #tpu.memory_space<semaphore_mem>>) src(%dma_wait3A_834 : memref<128xf32, #tpu.memory_space<vmem>>) dst(%dma_wait3A_832 : memref<128xf32, #tpu.memory_space<hbm>>)
    %dma_wait3A_835 = arith.constant 128 : i32
    %dma_wait3A_836 = tpu.memref_slice %arg9[%dma_wait3A_835] : memref<512xf32, #tpu.memory_space<vmem>> -> memref<128xf32, #tpu.memory_space<vmem>>
    %dma_wait3A_837 = tpu.memref_slice %arg5[%add3A_466] : memref<16384xf32, #tpu.memory_space<hbm>> -> memref<128xf32, #tpu.memory_space<hbm>>
    %dma_wait3A_838 = tpu.memref_slice %arg5[%add3A_466] : memref<16384xf32, #tpu.memory_space<hbm>> -> memref<128xf32, #tpu.memory_space<hbm>>
    %dma_wait3A_839 = arith.constant 128 : i32
    %dma_wait3A_840 = tpu.memref_slice %arg9[%dma_wait3A_839] : memref<512xf32, #tpu.memory_space<vmem>> -> memref<128xf32, #tpu.memory_space<vmem>>
    tpu.wait_dma2 semaphore(%arg15 : memref<!tpu.dma_semaphore, #tpu.memory_space<semaphore_mem>>) src(%dma_wait3A_840 : memref<128xf32, #tpu.memory_space<vmem>>) dst(%dma_wait3A_838 : memref<128xf32, #tpu.memory_space<hbm>>)
    %dma_wait3A_841 = arith.constant 256 : i32
    %dma_wait3A_842 = tpu.memref_slice %arg9[%dma_wait3A_841] : memref<512xf32, #tpu.memory_space<vmem>> -> memref<128xf32, #tpu.memory_space<vmem>>
    %dma_wait3A_843 = tpu.memref_slice %arg5[%add3A_644] : memref<16384xf32, #tpu.memory_space<hbm>> -> memref<128xf32, #tpu.memory_space<hbm>>
    %dma_wait3A_844 = tpu.memref_slice %arg5[%add3A_644] : memref<16384xf32, #tpu.memory_space<hbm>> -> memref<128xf32, #tpu.memory_space<hbm>>
    %dma_wait3A_845 = arith.constant 256 : i32
    %dma_wait3A_846 = tpu.memref_slice %arg9[%dma_wait3A_845] : memref<512xf32, #tpu.memory_space<vmem>> -> memref<128xf32, #tpu.memory_space<vmem>>
    tpu.wait_dma2 semaphore(%arg15 : memref<!tpu.dma_semaphore, #tpu.memory_space<semaphore_mem>>) src(%dma_wait3A_846 : memref<128xf32, #tpu.memory_space<vmem>>) dst(%dma_wait3A_844 : memref<128xf32, #tpu.memory_space<hbm>>)
    %dma_wait3A_847 = arith.constant 384 : i32
    %dma_wait3A_848 = tpu.memref_slice %arg9[%dma_wait3A_847] : memref<512xf32, #tpu.memory_space<vmem>> -> memref<128xf32, #tpu.memory_space<vmem>>
    %dma_wait3A_849 = tpu.memref_slice %arg5[%add3A_822] : memref<16384xf32, #tpu.memory_space<hbm>> -> memref<128xf32, #tpu.memory_space<hbm>>
    %dma_wait3A_850 = tpu.memref_slice %arg5[%add3A_822] : memref<16384xf32, #tpu.memory_space<hbm>> -> memref<128xf32, #tpu.memory_space<hbm>>
    %dma_wait3A_851 = arith.constant 384 : i32
    %dma_wait3A_852 = tpu.memref_slice %arg9[%dma_wait3A_851] : memref<512xf32, #tpu.memory_space<vmem>> -> memref<128xf32, #tpu.memory_space<vmem>>
    tpu.wait_dma2 semaphore(%arg15 : memref<!tpu.dma_semaphore, #tpu.memory_space<semaphore_mem>>) src(%dma_wait3A_852 : memref<128xf32, #tpu.memory_space<vmem>>) dst(%dma_wait3A_850 : memref<128xf32, #tpu.memory_space<hbm>>)
    return
  }
}

#map = affine_map<(d0, d1) -> (0)>
module attributes {stable_mosaic.version = 14 : i64} {
  func.func @sc_bgather(%arg0: i32, %arg1: i32, %arg2: memref<16384xi32, #tpu.memory_space<hbm>>, %arg3: memref<16384xi32, #tpu.memory_space<hbm>>, %arg4: memref<16777216xf32, #tpu.memory_space<hbm>>, %arg5: memref<16384xf32, #tpu.memory_space<hbm>>, %arg6: memref<512xi32, #tpu.memory_space<vmem>>, %arg7: memref<512xi32, #tpu.memory_space<vmem>>, %arg8: memref<4x128xi32, #tpu.memory_space<vmem>>, %arg9: memref<4x128xf32, #tpu.memory_space<vmem>>, %arg10: memref<!tpu.dma_semaphore, #tpu.memory_space<semaphore_mem>>) attributes {dimension_semantics = [#tpu.dimension_semantics<core_parallel>, #tpu.dimension_semantics<subcore_parallel>], iteration_bounds = array<i64: 2, 16>, scalar_prefetch = 0 : i64, scratch_operands = 5 : i64, tpu.core_type = #tpu.core_type<sc_vector_subcore>, window_params = [{transform_indices = #map}, {transform_indices = #map}, {transform_indices = #map}, {transform_indices = #map}]} {
    %mul3A = arith.constant 2 : i32
    %mul3A_0 = arith.muli %arg1, %mul3A : i32
    %add3A = arith.addi %mul3A_0, %arg0 : i32
    %mul3A_1 = arith.constant 512 : i32
    %mul3A_2 = arith.muli %add3A, %mul3A_1 : i32
    %dma_start3A = tpu.memref_slice %arg2[%mul3A_2] : memref<16384xi32, #tpu.memory_space<hbm>> -> memref<512xi32, #tpu.memory_space<hbm>>
    %dma_start3A_3 = tpu.memref_slice %arg2[%mul3A_2] : memref<16384xi32, #tpu.memory_space<hbm>> -> memref<512xi32, #tpu.memory_space<hbm>>
    tpu.enqueue_dma source(%dma_start3A_3 : memref<512xi32, #tpu.memory_space<hbm>>) target(%arg6 : memref<512xi32, #tpu.memory_space<vmem>>) target_semaphore(%arg10 : memref<!tpu.dma_semaphore, #tpu.memory_space<semaphore_mem>>)
    %dma_start3A_4 = tpu.memref_slice %arg3[%mul3A_2] : memref<16384xi32, #tpu.memory_space<hbm>> -> memref<512xi32, #tpu.memory_space<hbm>>
    %dma_start3A_5 = tpu.memref_slice %arg3[%mul3A_2] : memref<16384xi32, #tpu.memory_space<hbm>> -> memref<512xi32, #tpu.memory_space<hbm>>
    tpu.enqueue_dma source(%dma_start3A_5 : memref<512xi32, #tpu.memory_space<hbm>>) target(%arg7 : memref<512xi32, #tpu.memory_space<vmem>>) target_semaphore(%arg10 : memref<!tpu.dma_semaphore, #tpu.memory_space<semaphore_mem>>)
    %dma_wait3A = tpu.memref_slice %arg2[%mul3A_2] : memref<16384xi32, #tpu.memory_space<hbm>> -> memref<512xi32, #tpu.memory_space<hbm>>
    %dma_wait3A_6 = tpu.memref_slice %arg2[%mul3A_2] : memref<16384xi32, #tpu.memory_space<hbm>> -> memref<512xi32, #tpu.memory_space<hbm>>
    tpu.wait_dma2 semaphore(%arg10 : memref<!tpu.dma_semaphore, #tpu.memory_space<semaphore_mem>>) src(%dma_wait3A_6 : memref<512xi32, #tpu.memory_space<hbm>>) dst(%arg6 : memref<512xi32, #tpu.memory_space<vmem>>)
    %dma_wait3A_7 = tpu.memref_slice %arg3[%mul3A_2] : memref<16384xi32, #tpu.memory_space<hbm>> -> memref<512xi32, #tpu.memory_space<hbm>>
    %dma_wait3A_8 = tpu.memref_slice %arg3[%mul3A_2] : memref<16384xi32, #tpu.memory_space<hbm>> -> memref<512xi32, #tpu.memory_space<hbm>>
    tpu.wait_dma2 semaphore(%arg10 : memref<!tpu.dma_semaphore, #tpu.memory_space<semaphore_mem>>) src(%dma_wait3A_8 : memref<512xi32, #tpu.memory_space<hbm>>) dst(%arg7 : memref<512xi32, #tpu.memory_space<vmem>>)
    %get3A = arith.constant 0 : index
    %get3A_9 = tpu.vector_load %arg6[%get3A] {strides = array<i32>} : memref<512xi32, #tpu.memory_space<vmem>>, vector<16xi32>,
    %get3A_10 = vector.shape_cast %get3A_9 : vector<16xi32> to vector<16xi32>
    %get3A_11 = arith.constant 0 : index
    %get3A_12 = tpu.vector_load %arg7[%get3A_11] {strides = array<i32>} : memref<512xi32, #tpu.memory_space<vmem>>, vector<16xi32>,
    %get3A_13 = vector.shape_cast %get3A_12 : vector<16xi32> to vector<16xi32>
    %shift_right_arithmetic3A = arith.constant 3 : i32
    %shift_right_arithmetic3A_14 = vector.broadcast %shift_right_arithmetic3A : i32 to vector<16xi32>
    %shift_right_arithmetic3A_15 = arith.shrsi %get3A_10, %shift_right_arithmetic3A_14 : vector<16xi32>
    %mul3A_16 = arith.constant 32 : i32
    %mul3A_17 = vector.broadcast %mul3A_16 : i32 to vector<16xi32>
    %mul3A_18 = arith.muli %shift_right_arithmetic3A_15, %mul3A_17 : vector<16xi32>
    %shift_right_arithmetic3A_19 = arith.constant 7 : i32
    %shift_right_arithmetic3A_20 = vector.broadcast %shift_right_arithmetic3A_19 : i32 to vector<16xi32>
    %shift_right_arithmetic3A_21 = arith.shrsi %get3A_13, %shift_right_arithmetic3A_20 : vector<16xi32>
    %add3A_22 = arith.addi %mul3A_18, %shift_right_arithmetic3A_21 : vector<16xi32>
    %shift_left3A = arith.constant 10 : i32
    %shift_left3A_23 = vector.broadcast %shift_left3A : i32 to vector<16xi32>
    %shift_left3A_24 = arith.shli %add3A_22, %shift_left3A_23 : vector<16xi32>
    %and3A = arith.constant 7 : i32
    %and3A_25 = vector.broadcast %and3A : i32 to vector<16xi32>
    %and3A_26 = arith.andi %get3A_10, %and3A_25 : vector<16xi32>
    %shift_left3A_27 = arith.constant 7 : i32
    %shift_left3A_28 = vector.broadcast %shift_left3A_27 : i32 to vector<16xi32>
    %shift_left3A_29 = arith.shli %and3A_26, %shift_left3A_28 : vector<16xi32>
    %add3A_30 = arith.addi %shift_left3A_24, %shift_left3A_29 : vector<16xi32>
    %and3A_31 = arith.constant 127 : i32
    %and3A_32 = vector.broadcast %and3A_31 : i32 to vector<16xi32>
    %and3A_33 = arith.andi %get3A_13, %and3A_32 : vector<16xi32>
    %add3A_34 = arith.addi %add3A_30, %and3A_33 : vector<16xi32>
    %swap3A = arith.constant 0 : i32
    %swap3A_35 = arith.index_cast %swap3A : i32 to index
    %swap3A_36 = arith.constant 0 : index
    %swap3A_37 = tpu.vector_load %arg8[%swap3A_35, %swap3A_36] {strides = array<i32>} : memref<4x128xi32, #tpu.memory_space<vmem>>, vector<1x16xi32>,
    %swap3A_38 = vector.shape_cast %swap3A_37 : vector<1x16xi32> to vector<16xi32>
    %swap3A_39 = vector.shape_cast %add3A_34 : vector<16xi32> to vector<1x16xi32>
    tpu.vector_store %arg8[%swap3A_35, %swap3A_36], %swap3A_39 {strides = array<i32>} : memref<4x128xi32, #tpu.memory_space<vmem>>, vector<1x16xi32>,
    %get3A_40 = arith.constant 16 : index
    %get3A_41 = tpu.vector_load %arg6[%get3A_40] {strides = array<i32>} : memref<512xi32, #tpu.memory_space<vmem>>, vector<16xi32>,
    %get3A_42 = vector.shape_cast %get3A_41 : vector<16xi32> to vector<16xi32>
    %get3A_43 = arith.constant 16 : index
    %get3A_44 = tpu.vector_load %arg7[%get3A_43] {strides = array<i32>} : memref<512xi32, #tpu.memory_space<vmem>>, vector<16xi32>,
    %get3A_45 = vector.shape_cast %get3A_44 : vector<16xi32> to vector<16xi32>
    %shift_right_arithmetic3A_46 = arith.constant 3 : i32
    %shift_right_arithmetic3A_47 = vector.broadcast %shift_right_arithmetic3A_46 : i32 to vector<16xi32>
    %shift_right_arithmetic3A_48 = arith.shrsi %get3A_42, %shift_right_arithmetic3A_47 : vector<16xi32>
    %mul3A_49 = arith.constant 32 : i32
    %mul3A_50 = vector.broadcast %mul3A_49 : i32 to vector<16xi32>
    %mul3A_51 = arith.muli %shift_right_arithmetic3A_48, %mul3A_50 : vector<16xi32>
    %shift_right_arithmetic3A_52 = arith.constant 7 : i32
    %shift_right_arithmetic3A_53 = vector.broadcast %shift_right_arithmetic3A_52 : i32 to vector<16xi32>
    %shift_right_arithmetic3A_54 = arith.shrsi %get3A_45, %shift_right_arithmetic3A_53 : vector<16xi32>
    %add3A_55 = arith.addi %mul3A_51, %shift_right_arithmetic3A_54 : vector<16xi32>
    %shift_left3A_56 = arith.constant 10 : i32
    %shift_left3A_57 = vector.broadcast %shift_left3A_56 : i32 to vector<16xi32>
    %shift_left3A_58 = arith.shli %add3A_55, %shift_left3A_57 : vector<16xi32>
    %and3A_59 = arith.constant 7 : i32
    %and3A_60 = vector.broadcast %and3A_59 : i32 to vector<16xi32>
    %and3A_61 = arith.andi %get3A_42, %and3A_60 : vector<16xi32>
    %shift_left3A_62 = arith.constant 7 : i32
    %shift_left3A_63 = vector.broadcast %shift_left3A_62 : i32 to vector<16xi32>
    %shift_left3A_64 = arith.shli %and3A_61, %shift_left3A_63 : vector<16xi32>
    %add3A_65 = arith.addi %shift_left3A_58, %shift_left3A_64 : vector<16xi32>
    %and3A_66 = arith.constant 127 : i32
    %and3A_67 = vector.broadcast %and3A_66 : i32 to vector<16xi32>
    %and3A_68 = arith.andi %get3A_45, %and3A_67 : vector<16xi32>
    %add3A_69 = arith.addi %add3A_65, %and3A_68 : vector<16xi32>
    %swap3A_70 = arith.constant 0 : i32
    %swap3A_71 = arith.index_cast %swap3A_70 : i32 to index
    %swap3A_72 = arith.constant 16 : index
    %swap3A_73 = tpu.vector_load %arg8[%swap3A_71, %swap3A_72] {strides = array<i32>} : memref<4x128xi32, #tpu.memory_space<vmem>>, vector<1x16xi32>,
    %swap3A_74 = vector.shape_cast %swap3A_73 : vector<1x16xi32> to vector<16xi32>
    %swap3A_75 = vector.shape_cast %add3A_69 : vector<16xi32> to vector<1x16xi32>
    tpu.vector_store %arg8[%swap3A_71, %swap3A_72], %swap3A_75 {strides = array<i32>} : memref<4x128xi32, #tpu.memory_space<vmem>>, vector<1x16xi32>,
    %get3A_76 = arith.constant 32 : index
    %get3A_77 = tpu.vector_load %arg6[%get3A_76] {strides = array<i32>} : memref<512xi32, #tpu.memory_space<vmem>>, vector<16xi32>,
    %get3A_78 = vector.shape_cast %get3A_77 : vector<16xi32> to vector<16xi32>
    %get3A_79 = arith.constant 32 : index
    %get3A_80 = tpu.vector_load %arg7[%get3A_79] {strides = array<i32>} : memref<512xi32, #tpu.memory_space<vmem>>, vector<16xi32>,
    %get3A_81 = vector.shape_cast %get3A_80 : vector<16xi32> to vector<16xi32>
    %shift_right_arithmetic3A_82 = arith.constant 3 : i32
    %shift_right_arithmetic3A_83 = vector.broadcast %shift_right_arithmetic3A_82 : i32 to vector<16xi32>
    %shift_right_arithmetic3A_84 = arith.shrsi %get3A_78, %shift_right_arithmetic3A_83 : vector<16xi32>
    %mul3A_85 = arith.constant 32 : i32
    %mul3A_86 = vector.broadcast %mul3A_85 : i32 to vector<16xi32>
    %mul3A_87 = arith.muli %shift_right_arithmetic3A_84, %mul3A_86 : vector<16xi32>
    %shift_right_arithmetic3A_88 = arith.constant 7 : i32
    %shift_right_arithmetic3A_89 = vector.broadcast %shift_right_arithmetic3A_88 : i32 to vector<16xi32>
    %shift_right_arithmetic3A_90 = arith.shrsi %get3A_81, %shift_right_arithmetic3A_89 : vector<16xi32>
    %add3A_91 = arith.addi %mul3A_87, %shift_right_arithmetic3A_90 : vector<16xi32>
    %shift_left3A_92 = arith.constant 10 : i32
    %shift_left3A_93 = vector.broadcast %shift_left3A_92 : i32 to vector<16xi32>
    %shift_left3A_94 = arith.shli %add3A_91, %shift_left3A_93 : vector<16xi32>
    %and3A_95 = arith.constant 7 : i32
    %and3A_96 = vector.broadcast %and3A_95 : i32 to vector<16xi32>
    %and3A_97 = arith.andi %get3A_78, %and3A_96 : vector<16xi32>
    %shift_left3A_98 = arith.constant 7 : i32
    %shift_left3A_99 = vector.broadcast %shift_left3A_98 : i32 to vector<16xi32>
    %shift_left3A_100 = arith.shli %and3A_97, %shift_left3A_99 : vector<16xi32>
    %add3A_101 = arith.addi %shift_left3A_94, %shift_left3A_100 : vector<16xi32>
    %and3A_102 = arith.constant 127 : i32
    %and3A_103 = vector.broadcast %and3A_102 : i32 to vector<16xi32>
    %and3A_104 = arith.andi %get3A_81, %and3A_103 : vector<16xi32>
    %add3A_105 = arith.addi %add3A_101, %and3A_104 : vector<16xi32>
    %swap3A_106 = arith.constant 0 : i32
    %swap3A_107 = arith.index_cast %swap3A_106 : i32 to index
    %swap3A_108 = arith.constant 32 : index
    %swap3A_109 = tpu.vector_load %arg8[%swap3A_107, %swap3A_108] {strides = array<i32>} : memref<4x128xi32, #tpu.memory_space<vmem>>, vector<1x16xi32>,
    %swap3A_110 = vector.shape_cast %swap3A_109 : vector<1x16xi32> to vector<16xi32>
    %swap3A_111 = vector.shape_cast %add3A_105 : vector<16xi32> to vector<1x16xi32>
    tpu.vector_store %arg8[%swap3A_107, %swap3A_108], %swap3A_111 {strides = array<i32>} : memref<4x128xi32, #tpu.memory_space<vmem>>, vector<1x16xi32>,
    %get3A_112 = arith.constant 48 : index
    %get3A_113 = tpu.vector_load %arg6[%get3A_112] {strides = array<i32>} : memref<512xi32, #tpu.memory_space<vmem>>, vector<16xi32>,
    %get3A_114 = vector.shape_cast %get3A_113 : vector<16xi32> to vector<16xi32>
    %get3A_115 = arith.constant 48 : index
    %get3A_116 = tpu.vector_load %arg7[%get3A_115] {strides = array<i32>} : memref<512xi32, #tpu.memory_space<vmem>>, vector<16xi32>,
    %get3A_117 = vector.shape_cast %get3A_116 : vector<16xi32> to vector<16xi32>
    %shift_right_arithmetic3A_118 = arith.constant 3 : i32
    %shift_right_arithmetic3A_119 = vector.broadcast %shift_right_arithmetic3A_118 : i32 to vector<16xi32>
    %shift_right_arithmetic3A_120 = arith.shrsi %get3A_114, %shift_right_arithmetic3A_119 : vector<16xi32>
    %mul3A_121 = arith.constant 32 : i32
    %mul3A_122 = vector.broadcast %mul3A_121 : i32 to vector<16xi32>
    %mul3A_123 = arith.muli %shift_right_arithmetic3A_120, %mul3A_122 : vector<16xi32>
    %shift_right_arithmetic3A_124 = arith.constant 7 : i32
    %shift_right_arithmetic3A_125 = vector.broadcast %shift_right_arithmetic3A_124 : i32 to vector<16xi32>
    %shift_right_arithmetic3A_126 = arith.shrsi %get3A_117, %shift_right_arithmetic3A_125 : vector<16xi32>
    %add3A_127 = arith.addi %mul3A_123, %shift_right_arithmetic3A_126 : vector<16xi32>
    %shift_left3A_128 = arith.constant 10 : i32
    %shift_left3A_129 = vector.broadcast %shift_left3A_128 : i32 to vector<16xi32>
    %shift_left3A_130 = arith.shli %add3A_127, %shift_left3A_129 : vector<16xi32>
    %and3A_131 = arith.constant 7 : i32
    %and3A_132 = vector.broadcast %and3A_131 : i32 to vector<16xi32>
    %and3A_133 = arith.andi %get3A_114, %and3A_132 : vector<16xi32>
    %shift_left3A_134 = arith.constant 7 : i32
    %shift_left3A_135 = vector.broadcast %shift_left3A_134 : i32 to vector<16xi32>
    %shift_left3A_136 = arith.shli %and3A_133, %shift_left3A_135 : vector<16xi32>
    %add3A_137 = arith.addi %shift_left3A_130, %shift_left3A_136 : vector<16xi32>
    %and3A_138 = arith.constant 127 : i32
    %and3A_139 = vector.broadcast %and3A_138 : i32 to vector<16xi32>
    %and3A_140 = arith.andi %get3A_117, %and3A_139 : vector<16xi32>
    %add3A_141 = arith.addi %add3A_137, %and3A_140 : vector<16xi32>
    %swap3A_142 = arith.constant 0 : i32
    %swap3A_143 = arith.index_cast %swap3A_142 : i32 to index
    %swap3A_144 = arith.constant 48 : index
    %swap3A_145 = tpu.vector_load %arg8[%swap3A_143, %swap3A_144] {strides = array<i32>} : memref<4x128xi32, #tpu.memory_space<vmem>>, vector<1x16xi32>,
    %swap3A_146 = vector.shape_cast %swap3A_145 : vector<1x16xi32> to vector<16xi32>
    %swap3A_147 = vector.shape_cast %add3A_141 : vector<16xi32> to vector<1x16xi32>
    tpu.vector_store %arg8[%swap3A_143, %swap3A_144], %swap3A_147 {strides = array<i32>} : memref<4x128xi32, #tpu.memory_space<vmem>>, vector<1x16xi32>,
    %get3A_148 = arith.constant 64 : index
    %get3A_149 = tpu.vector_load %arg6[%get3A_148] {strides = array<i32>} : memref<512xi32, #tpu.memory_space<vmem>>, vector<16xi32>,
    %get3A_150 = vector.shape_cast %get3A_149 : vector<16xi32> to vector<16xi32>
    %get3A_151 = arith.constant 64 : index
    %get3A_152 = tpu.vector_load %arg7[%get3A_151] {strides = array<i32>} : memref<512xi32, #tpu.memory_space<vmem>>, vector<16xi32>,
    %get3A_153 = vector.shape_cast %get3A_152 : vector<16xi32> to vector<16xi32>
    %shift_right_arithmetic3A_154 = arith.constant 3 : i32
    %shift_right_arithmetic3A_155 = vector.broadcast %shift_right_arithmetic3A_154 : i32 to vector<16xi32>
    %shift_right_arithmetic3A_156 = arith.shrsi %get3A_150, %shift_right_arithmetic3A_155 : vector<16xi32>
    %mul3A_157 = arith.constant 32 : i32
    %mul3A_158 = vector.broadcast %mul3A_157 : i32 to vector<16xi32>
    %mul3A_159 = arith.muli %shift_right_arithmetic3A_156, %mul3A_158 : vector<16xi32>
    %shift_right_arithmetic3A_160 = arith.constant 7 : i32
    %shift_right_arithmetic3A_161 = vector.broadcast %shift_right_arithmetic3A_160 : i32 to vector<16xi32>
    %shift_right_arithmetic3A_162 = arith.shrsi %get3A_153, %shift_right_arithmetic3A_161 : vector<16xi32>
    %add3A_163 = arith.addi %mul3A_159, %shift_right_arithmetic3A_162 : vector<16xi32>
    %shift_left3A_164 = arith.constant 10 : i32
    %shift_left3A_165 = vector.broadcast %shift_left3A_164 : i32 to vector<16xi32>
    %shift_left3A_166 = arith.shli %add3A_163, %shift_left3A_165 : vector<16xi32>
    %and3A_167 = arith.constant 7 : i32
    %and3A_168 = vector.broadcast %and3A_167 : i32 to vector<16xi32>
    %and3A_169 = arith.andi %get3A_150, %and3A_168 : vector<16xi32>
    %shift_left3A_170 = arith.constant 7 : i32
    %shift_left3A_171 = vector.broadcast %shift_left3A_170 : i32 to vector<16xi32>
    %shift_left3A_172 = arith.shli %and3A_169, %shift_left3A_171 : vector<16xi32>
    %add3A_173 = arith.addi %shift_left3A_166, %shift_left3A_172 : vector<16xi32>
    %and3A_174 = arith.constant 127 : i32
    %and3A_175 = vector.broadcast %and3A_174 : i32 to vector<16xi32>
    %and3A_176 = arith.andi %get3A_153, %and3A_175 : vector<16xi32>
    %add3A_177 = arith.addi %add3A_173, %and3A_176 : vector<16xi32>
    %swap3A_178 = arith.constant 0 : i32
    %swap3A_179 = arith.index_cast %swap3A_178 : i32 to index
    %swap3A_180 = arith.constant 64 : index
    %swap3A_181 = tpu.vector_load %arg8[%swap3A_179, %swap3A_180] {strides = array<i32>} : memref<4x128xi32, #tpu.memory_space<vmem>>, vector<1x16xi32>,
    %swap3A_182 = vector.shape_cast %swap3A_181 : vector<1x16xi32> to vector<16xi32>
    %swap3A_183 = vector.shape_cast %add3A_177 : vector<16xi32> to vector<1x16xi32>
    tpu.vector_store %arg8[%swap3A_179, %swap3A_180], %swap3A_183 {strides = array<i32>} : memref<4x128xi32, #tpu.memory_space<vmem>>, vector<1x16xi32>,
    %get3A_184 = arith.constant 80 : index
    %get3A_185 = tpu.vector_load %arg6[%get3A_184] {strides = array<i32>} : memref<512xi32, #tpu.memory_space<vmem>>, vector<16xi32>,
    %get3A_186 = vector.shape_cast %get3A_185 : vector<16xi32> to vector<16xi32>
    %get3A_187 = arith.constant 80 : index
    %get3A_188 = tpu.vector_load %arg7[%get3A_187] {strides = array<i32>} : memref<512xi32, #tpu.memory_space<vmem>>, vector<16xi32>,
    %get3A_189 = vector.shape_cast %get3A_188 : vector<16xi32> to vector<16xi32>
    %shift_right_arithmetic3A_190 = arith.constant 3 : i32
    %shift_right_arithmetic3A_191 = vector.broadcast %shift_right_arithmetic3A_190 : i32 to vector<16xi32>
    %shift_right_arithmetic3A_192 = arith.shrsi %get3A_186, %shift_right_arithmetic3A_191 : vector<16xi32>
    %mul3A_193 = arith.constant 32 : i32
    %mul3A_194 = vector.broadcast %mul3A_193 : i32 to vector<16xi32>
    %mul3A_195 = arith.muli %shift_right_arithmetic3A_192, %mul3A_194 : vector<16xi32>
    %shift_right_arithmetic3A_196 = arith.constant 7 : i32
    %shift_right_arithmetic3A_197 = vector.broadcast %shift_right_arithmetic3A_196 : i32 to vector<16xi32>
    %shift_right_arithmetic3A_198 = arith.shrsi %get3A_189, %shift_right_arithmetic3A_197 : vector<16xi32>
    %add3A_199 = arith.addi %mul3A_195, %shift_right_arithmetic3A_198 : vector<16xi32>
    %shift_left3A_200 = arith.constant 10 : i32
    %shift_left3A_201 = vector.broadcast %shift_left3A_200 : i32 to vector<16xi32>
    %shift_left3A_202 = arith.shli %add3A_199, %shift_left3A_201 : vector<16xi32>
    %and3A_203 = arith.constant 7 : i32
    %and3A_204 = vector.broadcast %and3A_203 : i32 to vector<16xi32>
    %and3A_205 = arith.andi %get3A_186, %and3A_204 : vector<16xi32>
    %shift_left3A_206 = arith.constant 7 : i32
    %shift_left3A_207 = vector.broadcast %shift_left3A_206 : i32 to vector<16xi32>
    %shift_left3A_208 = arith.shli %and3A_205, %shift_left3A_207 : vector<16xi32>
    %add3A_209 = arith.addi %shift_left3A_202, %shift_left3A_208 : vector<16xi32>
    %and3A_210 = arith.constant 127 : i32
    %and3A_211 = vector.broadcast %and3A_210 : i32 to vector<16xi32>
    %and3A_212 = arith.andi %get3A_189, %and3A_211 : vector<16xi32>
    %add3A_213 = arith.addi %add3A_209, %and3A_212 : vector<16xi32>
    %swap3A_214 = arith.constant 0 : i32
    %swap3A_215 = arith.index_cast %swap3A_214 : i32 to index
    %swap3A_216 = arith.constant 80 : index
    %swap3A_217 = tpu.vector_load %arg8[%swap3A_215, %swap3A_216] {strides = array<i32>} : memref<4x128xi32, #tpu.memory_space<vmem>>, vector<1x16xi32>,
    %swap3A_218 = vector.shape_cast %swap3A_217 : vector<1x16xi32> to vector<16xi32>
    %swap3A_219 = vector.shape_cast %add3A_213 : vector<16xi32> to vector<1x16xi32>
    tpu.vector_store %arg8[%swap3A_215, %swap3A_216], %swap3A_219 {strides = array<i32>} : memref<4x128xi32, #tpu.memory_space<vmem>>, vector<1x16xi32>,
    %get3A_220 = arith.constant 96 : index
    %get3A_221 = tpu.vector_load %arg6[%get3A_220] {strides = array<i32>} : memref<512xi32, #tpu.memory_space<vmem>>, vector<16xi32>,
    %get3A_222 = vector.shape_cast %get3A_221 : vector<16xi32> to vector<16xi32>
    %get3A_223 = arith.constant 96 : index
    %get3A_224 = tpu.vector_load %arg7[%get3A_223] {strides = array<i32>} : memref<512xi32, #tpu.memory_space<vmem>>, vector<16xi32>,
    %get3A_225 = vector.shape_cast %get3A_224 : vector<16xi32> to vector<16xi32>
    %shift_right_arithmetic3A_226 = arith.constant 3 : i32
    %shift_right_arithmetic3A_227 = vector.broadcast %shift_right_arithmetic3A_226 : i32 to vector<16xi32>
    %shift_right_arithmetic3A_228 = arith.shrsi %get3A_222, %shift_right_arithmetic3A_227 : vector<16xi32>
    %mul3A_229 = arith.constant 32 : i32
    %mul3A_230 = vector.broadcast %mul3A_229 : i32 to vector<16xi32>
    %mul3A_231 = arith.muli %shift_right_arithmetic3A_228, %mul3A_230 : vector<16xi32>
    %shift_right_arithmetic3A_232 = arith.constant 7 : i32
    %shift_right_arithmetic3A_233 = vector.broadcast %shift_right_arithmetic3A_232 : i32 to vector<16xi32>
    %shift_right_arithmetic3A_234 = arith.shrsi %get3A_225, %shift_right_arithmetic3A_233 : vector<16xi32>
    %add3A_235 = arith.addi %mul3A_231, %shift_right_arithmetic3A_234 : vector<16xi32>
    %shift_left3A_236 = arith.constant 10 : i32
    %shift_left3A_237 = vector.broadcast %shift_left3A_236 : i32 to vector<16xi32>
    %shift_left3A_238 = arith.shli %add3A_235, %shift_left3A_237 : vector<16xi32>
    %and3A_239 = arith.constant 7 : i32
    %and3A_240 = vector.broadcast %and3A_239 : i32 to vector<16xi32>
    %and3A_241 = arith.andi %get3A_222, %and3A_240 : vector<16xi32>
    %shift_left3A_242 = arith.constant 7 : i32
    %shift_left3A_243 = vector.broadcast %shift_left3A_242 : i32 to vector<16xi32>
    %shift_left3A_244 = arith.shli %and3A_241, %shift_left3A_243 : vector<16xi32>
    %add3A_245 = arith.addi %shift_left3A_238, %shift_left3A_244 : vector<16xi32>
    %and3A_246 = arith.constant 127 : i32
    %and3A_247 = vector.broadcast %and3A_246 : i32 to vector<16xi32>
    %and3A_248 = arith.andi %get3A_225, %and3A_247 : vector<16xi32>
    %add3A_249 = arith.addi %add3A_245, %and3A_248 : vector<16xi32>
    %swap3A_250 = arith.constant 0 : i32
    %swap3A_251 = arith.index_cast %swap3A_250 : i32 to index
    %swap3A_252 = arith.constant 96 : index
    %swap3A_253 = tpu.vector_load %arg8[%swap3A_251, %swap3A_252] {strides = array<i32>} : memref<4x128xi32, #tpu.memory_space<vmem>>, vector<1x16xi32>,
    %swap3A_254 = vector.shape_cast %swap3A_253 : vector<1x16xi32> to vector<16xi32>
    %swap3A_255 = vector.shape_cast %add3A_249 : vector<16xi32> to vector<1x16xi32>
    tpu.vector_store %arg8[%swap3A_251, %swap3A_252], %swap3A_255 {strides = array<i32>} : memref<4x128xi32, #tpu.memory_space<vmem>>, vector<1x16xi32>,
    %get3A_256 = arith.constant 112 : index
    %get3A_257 = tpu.vector_load %arg6[%get3A_256] {strides = array<i32>} : memref<512xi32, #tpu.memory_space<vmem>>, vector<16xi32>,
    %get3A_258 = vector.shape_cast %get3A_257 : vector<16xi32> to vector<16xi32>
    %get3A_259 = arith.constant 112 : index
    %get3A_260 = tpu.vector_load %arg7[%get3A_259] {strides = array<i32>} : memref<512xi32, #tpu.memory_space<vmem>>, vector<16xi32>,
    %get3A_261 = vector.shape_cast %get3A_260 : vector<16xi32> to vector<16xi32>
    %shift_right_arithmetic3A_262 = arith.constant 3 : i32
    %shift_right_arithmetic3A_263 = vector.broadcast %shift_right_arithmetic3A_262 : i32 to vector<16xi32>
    %shift_right_arithmetic3A_264 = arith.shrsi %get3A_258, %shift_right_arithmetic3A_263 : vector<16xi32>
    %mul3A_265 = arith.constant 32 : i32
    %mul3A_266 = vector.broadcast %mul3A_265 : i32 to vector<16xi32>
    %mul3A_267 = arith.muli %shift_right_arithmetic3A_264, %mul3A_266 : vector<16xi32>
    %shift_right_arithmetic3A_268 = arith.constant 7 : i32
    %shift_right_arithmetic3A_269 = vector.broadcast %shift_right_arithmetic3A_268 : i32 to vector<16xi32>
    %shift_right_arithmetic3A_270 = arith.shrsi %get3A_261, %shift_right_arithmetic3A_269 : vector<16xi32>
    %add3A_271 = arith.addi %mul3A_267, %shift_right_arithmetic3A_270 : vector<16xi32>
    %shift_left3A_272 = arith.constant 10 : i32
    %shift_left3A_273 = vector.broadcast %shift_left3A_272 : i32 to vector<16xi32>
    %shift_left3A_274 = arith.shli %add3A_271, %shift_left3A_273 : vector<16xi32>
    %and3A_275 = arith.constant 7 : i32
    %and3A_276 = vector.broadcast %and3A_275 : i32 to vector<16xi32>
    %and3A_277 = arith.andi %get3A_258, %and3A_276 : vector<16xi32>
    %shift_left3A_278 = arith.constant 7 : i32
    %shift_left3A_279 = vector.broadcast %shift_left3A_278 : i32 to vector<16xi32>
    %shift_left3A_280 = arith.shli %and3A_277, %shift_left3A_279 : vector<16xi32>
    %add3A_281 = arith.addi %shift_left3A_274, %shift_left3A_280 : vector<16xi32>
    %and3A_282 = arith.constant 127 : i32
    %and3A_283 = vector.broadcast %and3A_282 : i32 to vector<16xi32>
    %and3A_284 = arith.andi %get3A_261, %and3A_283 : vector<16xi32>
    %add3A_285 = arith.addi %add3A_281, %and3A_284 : vector<16xi32>
    %swap3A_286 = arith.constant 0 : i32
    %swap3A_287 = arith.index_cast %swap3A_286 : i32 to index
    %swap3A_288 = arith.constant 112 : index
    %swap3A_289 = tpu.vector_load %arg8[%swap3A_287, %swap3A_288] {strides = array<i32>} : memref<4x128xi32, #tpu.memory_space<vmem>>, vector<1x16xi32>,
    %swap3A_290 = vector.shape_cast %swap3A_289 : vector<1x16xi32> to vector<16xi32>
    %swap3A_291 = vector.shape_cast %add3A_285 : vector<16xi32> to vector<1x16xi32>
    tpu.vector_store %arg8[%swap3A_287, %swap3A_288], %swap3A_291 {strides = array<i32>} : memref<4x128xi32, #tpu.memory_space<vmem>>, vector<1x16xi32>,
    %get3A_292 = arith.constant 128 : index
    %get3A_293 = tpu.vector_load %arg6[%get3A_292] {strides = array<i32>} : memref<512xi32, #tpu.memory_space<vmem>>, vector<16xi32>,
    %get3A_294 = vector.shape_cast %get3A_293 : vector<16xi32> to vector<16xi32>
    %get3A_295 = arith.constant 128 : index
    %get3A_296 = tpu.vector_load %arg7[%get3A_295] {strides = array<i32>} : memref<512xi32, #tpu.memory_space<vmem>>, vector<16xi32>,
    %get3A_297 = vector.shape_cast %get3A_296 : vector<16xi32> to vector<16xi32>
    %shift_right_arithmetic3A_298 = arith.constant 3 : i32
    %shift_right_arithmetic3A_299 = vector.broadcast %shift_right_arithmetic3A_298 : i32 to vector<16xi32>
    %shift_right_arithmetic3A_300 = arith.shrsi %get3A_294, %shift_right_arithmetic3A_299 : vector<16xi32>
    %mul3A_301 = arith.constant 32 : i32
    %mul3A_302 = vector.broadcast %mul3A_301 : i32 to vector<16xi32>
    %mul3A_303 = arith.muli %shift_right_arithmetic3A_300, %mul3A_302 : vector<16xi32>
    %shift_right_arithmetic3A_304 = arith.constant 7 : i32
    %shift_right_arithmetic3A_305 = vector.broadcast %shift_right_arithmetic3A_304 : i32 to vector<16xi32>
    %shift_right_arithmetic3A_306 = arith.shrsi %get3A_297, %shift_right_arithmetic3A_305 : vector<16xi32>
    %add3A_307 = arith.addi %mul3A_303, %shift_right_arithmetic3A_306 : vector<16xi32>
    %shift_left3A_308 = arith.constant 10 : i32
    %shift_left3A_309 = vector.broadcast %shift_left3A_308 : i32 to vector<16xi32>
    %shift_left3A_310 = arith.shli %add3A_307, %shift_left3A_309 : vector<16xi32>
    %and3A_311 = arith.constant 7 : i32
    %and3A_312 = vector.broadcast %and3A_311 : i32 to vector<16xi32>
    %and3A_313 = arith.andi %get3A_294, %and3A_312 : vector<16xi32>
    %shift_left3A_314 = arith.constant 7 : i32
    %shift_left3A_315 = vector.broadcast %shift_left3A_314 : i32 to vector<16xi32>
    %shift_left3A_316 = arith.shli %and3A_313, %shift_left3A_315 : vector<16xi32>
    %add3A_317 = arith.addi %shift_left3A_310, %shift_left3A_316 : vector<16xi32>
    %and3A_318 = arith.constant 127 : i32
    %and3A_319 = vector.broadcast %and3A_318 : i32 to vector<16xi32>
    %and3A_320 = arith.andi %get3A_297, %and3A_319 : vector<16xi32>
    %add3A_321 = arith.addi %add3A_317, %and3A_320 : vector<16xi32>
    %swap3A_322 = arith.constant 1 : i32
    %swap3A_323 = arith.index_cast %swap3A_322 : i32 to index
    %swap3A_324 = arith.constant 0 : index
    %swap3A_325 = tpu.vector_load %arg8[%swap3A_323, %swap3A_324] {strides = array<i32>} : memref<4x128xi32, #tpu.memory_space<vmem>>, vector<1x16xi32>,
    %swap3A_326 = vector.shape_cast %swap3A_325 : vector<1x16xi32> to vector<16xi32>
    %swap3A_327 = vector.shape_cast %add3A_321 : vector<16xi32> to vector<1x16xi32>
    tpu.vector_store %arg8[%swap3A_323, %swap3A_324], %swap3A_327 {strides = array<i32>} : memref<4x128xi32, #tpu.memory_space<vmem>>, vector<1x16xi32>,
    %get3A_328 = arith.constant 144 : index
    %get3A_329 = tpu.vector_load %arg6[%get3A_328] {strides = array<i32>} : memref<512xi32, #tpu.memory_space<vmem>>, vector<16xi32>,
    %get3A_330 = vector.shape_cast %get3A_329 : vector<16xi32> to vector<16xi32>
    %get3A_331 = arith.constant 144 : index
    %get3A_332 = tpu.vector_load %arg7[%get3A_331] {strides = array<i32>} : memref<512xi32, #tpu.memory_space<vmem>>, vector<16xi32>,
    %get3A_333 = vector.shape_cast %get3A_332 : vector<16xi32> to vector<16xi32>
    %shift_right_arithmetic3A_334 = arith.constant 3 : i32
    %shift_right_arithmetic3A_335 = vector.broadcast %shift_right_arithmetic3A_334 : i32 to vector<16xi32>
    %shift_right_arithmetic3A_336 = arith.shrsi %get3A_330, %shift_right_arithmetic3A_335 : vector<16xi32>
    %mul3A_337 = arith.constant 32 : i32
    %mul3A_338 = vector.broadcast %mul3A_337 : i32 to vector<16xi32>
    %mul3A_339 = arith.muli %shift_right_arithmetic3A_336, %mul3A_338 : vector<16xi32>
    %shift_right_arithmetic3A_340 = arith.constant 7 : i32
    %shift_right_arithmetic3A_341 = vector.broadcast %shift_right_arithmetic3A_340 : i32 to vector<16xi32>
    %shift_right_arithmetic3A_342 = arith.shrsi %get3A_333, %shift_right_arithmetic3A_341 : vector<16xi32>
    %add3A_343 = arith.addi %mul3A_339, %shift_right_arithmetic3A_342 : vector<16xi32>
    %shift_left3A_344 = arith.constant 10 : i32
    %shift_left3A_345 = vector.broadcast %shift_left3A_344 : i32 to vector<16xi32>
    %shift_left3A_346 = arith.shli %add3A_343, %shift_left3A_345 : vector<16xi32>
    %and3A_347 = arith.constant 7 : i32
    %and3A_348 = vector.broadcast %and3A_347 : i32 to vector<16xi32>
    %and3A_349 = arith.andi %get3A_330, %and3A_348 : vector<16xi32>
    %shift_left3A_350 = arith.constant 7 : i32
    %shift_left3A_351 = vector.broadcast %shift_left3A_350 : i32 to vector<16xi32>
    %shift_left3A_352 = arith.shli %and3A_349, %shift_left3A_351 : vector<16xi32>
    %add3A_353 = arith.addi %shift_left3A_346, %shift_left3A_352 : vector<16xi32>
    %and3A_354 = arith.constant 127 : i32
    %and3A_355 = vector.broadcast %and3A_354 : i32 to vector<16xi32>
    %and3A_356 = arith.andi %get3A_333, %and3A_355 : vector<16xi32>
    %add3A_357 = arith.addi %add3A_353, %and3A_356 : vector<16xi32>
    %swap3A_358 = arith.constant 1 : i32
    %swap3A_359 = arith.index_cast %swap3A_358 : i32 to index
    %swap3A_360 = arith.constant 16 : index
    %swap3A_361 = tpu.vector_load %arg8[%swap3A_359, %swap3A_360] {strides = array<i32>} : memref<4x128xi32, #tpu.memory_space<vmem>>, vector<1x16xi32>,
    %swap3A_362 = vector.shape_cast %swap3A_361 : vector<1x16xi32> to vector<16xi32>
    %swap3A_363 = vector.shape_cast %add3A_357 : vector<16xi32> to vector<1x16xi32>
    tpu.vector_store %arg8[%swap3A_359, %swap3A_360], %swap3A_363 {strides = array<i32>} : memref<4x128xi32, #tpu.memory_space<vmem>>, vector<1x16xi32>,
    %get3A_364 = arith.constant 160 : index
    %get3A_365 = tpu.vector_load %arg6[%get3A_364] {strides = array<i32>} : memref<512xi32, #tpu.memory_space<vmem>>, vector<16xi32>,
    %get3A_366 = vector.shape_cast %get3A_365 : vector<16xi32> to vector<16xi32>
    %get3A_367 = arith.constant 160 : index
    %get3A_368 = tpu.vector_load %arg7[%get3A_367] {strides = array<i32>} : memref<512xi32, #tpu.memory_space<vmem>>, vector<16xi32>,
    %get3A_369 = vector.shape_cast %get3A_368 : vector<16xi32> to vector<16xi32>
    %shift_right_arithmetic3A_370 = arith.constant 3 : i32
    %shift_right_arithmetic3A_371 = vector.broadcast %shift_right_arithmetic3A_370 : i32 to vector<16xi32>
    %shift_right_arithmetic3A_372 = arith.shrsi %get3A_366, %shift_right_arithmetic3A_371 : vector<16xi32>
    %mul3A_373 = arith.constant 32 : i32
    %mul3A_374 = vector.broadcast %mul3A_373 : i32 to vector<16xi32>
    %mul3A_375 = arith.muli %shift_right_arithmetic3A_372, %mul3A_374 : vector<16xi32>
    %shift_right_arithmetic3A_376 = arith.constant 7 : i32
    %shift_right_arithmetic3A_377 = vector.broadcast %shift_right_arithmetic3A_376 : i32 to vector<16xi32>
    %shift_right_arithmetic3A_378 = arith.shrsi %get3A_369, %shift_right_arithmetic3A_377 : vector<16xi32>
    %add3A_379 = arith.addi %mul3A_375, %shift_right_arithmetic3A_378 : vector<16xi32>
    %shift_left3A_380 = arith.constant 10 : i32
    %shift_left3A_381 = vector.broadcast %shift_left3A_380 : i32 to vector<16xi32>
    %shift_left3A_382 = arith.shli %add3A_379, %shift_left3A_381 : vector<16xi32>
    %and3A_383 = arith.constant 7 : i32
    %and3A_384 = vector.broadcast %and3A_383 : i32 to vector<16xi32>
    %and3A_385 = arith.andi %get3A_366, %and3A_384 : vector<16xi32>
    %shift_left3A_386 = arith.constant 7 : i32
    %shift_left3A_387 = vector.broadcast %shift_left3A_386 : i32 to vector<16xi32>
    %shift_left3A_388 = arith.shli %and3A_385, %shift_left3A_387 : vector<16xi32>
    %add3A_389 = arith.addi %shift_left3A_382, %shift_left3A_388 : vector<16xi32>
    %and3A_390 = arith.constant 127 : i32
    %and3A_391 = vector.broadcast %and3A_390 : i32 to vector<16xi32>
    %and3A_392 = arith.andi %get3A_369, %and3A_391 : vector<16xi32>
    %add3A_393 = arith.addi %add3A_389, %and3A_392 : vector<16xi32>
    %swap3A_394 = arith.constant 1 : i32
    %swap3A_395 = arith.index_cast %swap3A_394 : i32 to index
    %swap3A_396 = arith.constant 32 : index
    %swap3A_397 = tpu.vector_load %arg8[%swap3A_395, %swap3A_396] {strides = array<i32>} : memref<4x128xi32, #tpu.memory_space<vmem>>, vector<1x16xi32>,
    %swap3A_398 = vector.shape_cast %swap3A_397 : vector<1x16xi32> to vector<16xi32>
    %swap3A_399 = vector.shape_cast %add3A_393 : vector<16xi32> to vector<1x16xi32>
    tpu.vector_store %arg8[%swap3A_395, %swap3A_396], %swap3A_399 {strides = array<i32>} : memref<4x128xi32, #tpu.memory_space<vmem>>, vector<1x16xi32>,
    %get3A_400 = arith.constant 176 : index
    %get3A_401 = tpu.vector_load %arg6[%get3A_400] {strides = array<i32>} : memref<512xi32, #tpu.memory_space<vmem>>, vector<16xi32>,
    %get3A_402 = vector.shape_cast %get3A_401 : vector<16xi32> to vector<16xi32>
    %get3A_403 = arith.constant 176 : index
    %get3A_404 = tpu.vector_load %arg7[%get3A_403] {strides = array<i32>} : memref<512xi32, #tpu.memory_space<vmem>>, vector<16xi32>,
    %get3A_405 = vector.shape_cast %get3A_404 : vector<16xi32> to vector<16xi32>
    %shift_right_arithmetic3A_406 = arith.constant 3 : i32
    %shift_right_arithmetic3A_407 = vector.broadcast %shift_right_arithmetic3A_406 : i32 to vector<16xi32>
    %shift_right_arithmetic3A_408 = arith.shrsi %get3A_402, %shift_right_arithmetic3A_407 : vector<16xi32>
    %mul3A_409 = arith.constant 32 : i32
    %mul3A_410 = vector.broadcast %mul3A_409 : i32 to vector<16xi32>
    %mul3A_411 = arith.muli %shift_right_arithmetic3A_408, %mul3A_410 : vector<16xi32>
    %shift_right_arithmetic3A_412 = arith.constant 7 : i32
    %shift_right_arithmetic3A_413 = vector.broadcast %shift_right_arithmetic3A_412 : i32 to vector<16xi32>
    %shift_right_arithmetic3A_414 = arith.shrsi %get3A_405, %shift_right_arithmetic3A_413 : vector<16xi32>
    %add3A_415 = arith.addi %mul3A_411, %shift_right_arithmetic3A_414 : vector<16xi32>
    %shift_left3A_416 = arith.constant 10 : i32
    %shift_left3A_417 = vector.broadcast %shift_left3A_416 : i32 to vector<16xi32>
    %shift_left3A_418 = arith.shli %add3A_415, %shift_left3A_417 : vector<16xi32>
    %and3A_419 = arith.constant 7 : i32
    %and3A_420 = vector.broadcast %and3A_419 : i32 to vector<16xi32>
    %and3A_421 = arith.andi %get3A_402, %and3A_420 : vector<16xi32>
    %shift_left3A_422 = arith.constant 7 : i32
    %shift_left3A_423 = vector.broadcast %shift_left3A_422 : i32 to vector<16xi32>
    %shift_left3A_424 = arith.shli %and3A_421, %shift_left3A_423 : vector<16xi32>
    %add3A_425 = arith.addi %shift_left3A_418, %shift_left3A_424 : vector<16xi32>
    %and3A_426 = arith.constant 127 : i32
    %and3A_427 = vector.broadcast %and3A_426 : i32 to vector<16xi32>
    %and3A_428 = arith.andi %get3A_405, %and3A_427 : vector<16xi32>
    %add3A_429 = arith.addi %add3A_425, %and3A_428 : vector<16xi32>
    %swap3A_430 = arith.constant 1 : i32
    %swap3A_431 = arith.index_cast %swap3A_430 : i32 to index
    %swap3A_432 = arith.constant 48 : index
    %swap3A_433 = tpu.vector_load %arg8[%swap3A_431, %swap3A_432] {strides = array<i32>} : memref<4x128xi32, #tpu.memory_space<vmem>>, vector<1x16xi32>,
    %swap3A_434 = vector.shape_cast %swap3A_433 : vector<1x16xi32> to vector<16xi32>
    %swap3A_435 = vector.shape_cast %add3A_429 : vector<16xi32> to vector<1x16xi32>
    tpu.vector_store %arg8[%swap3A_431, %swap3A_432], %swap3A_435 {strides = array<i32>} : memref<4x128xi32, #tpu.memory_space<vmem>>, vector<1x16xi32>,
    %get3A_436 = arith.constant 192 : index
    %get3A_437 = tpu.vector_load %arg6[%get3A_436] {strides = array<i32>} : memref<512xi32, #tpu.memory_space<vmem>>, vector<16xi32>,
    %get3A_438 = vector.shape_cast %get3A_437 : vector<16xi32> to vector<16xi32>
    %get3A_439 = arith.constant 192 : index
    %get3A_440 = tpu.vector_load %arg7[%get3A_439] {strides = array<i32>} : memref<512xi32, #tpu.memory_space<vmem>>, vector<16xi32>,
    %get3A_441 = vector.shape_cast %get3A_440 : vector<16xi32> to vector<16xi32>
    %shift_right_arithmetic3A_442 = arith.constant 3 : i32
    %shift_right_arithmetic3A_443 = vector.broadcast %shift_right_arithmetic3A_442 : i32 to vector<16xi32>
    %shift_right_arithmetic3A_444 = arith.shrsi %get3A_438, %shift_right_arithmetic3A_443 : vector<16xi32>
    %mul3A_445 = arith.constant 32 : i32
    %mul3A_446 = vector.broadcast %mul3A_445 : i32 to vector<16xi32>
    %mul3A_447 = arith.muli %shift_right_arithmetic3A_444, %mul3A_446 : vector<16xi32>
    %shift_right_arithmetic3A_448 = arith.constant 7 : i32
    %shift_right_arithmetic3A_449 = vector.broadcast %shift_right_arithmetic3A_448 : i32 to vector<16xi32>
    %shift_right_arithmetic3A_450 = arith.shrsi %get3A_441, %shift_right_arithmetic3A_449 : vector<16xi32>
    %add3A_451 = arith.addi %mul3A_447, %shift_right_arithmetic3A_450 : vector<16xi32>
    %shift_left3A_452 = arith.constant 10 : i32
    %shift_left3A_453 = vector.broadcast %shift_left3A_452 : i32 to vector<16xi32>
    %shift_left3A_454 = arith.shli %add3A_451, %shift_left3A_453 : vector<16xi32>
    %and3A_455 = arith.constant 7 : i32
    %and3A_456 = vector.broadcast %and3A_455 : i32 to vector<16xi32>
    %and3A_457 = arith.andi %get3A_438, %and3A_456 : vector<16xi32>
    %shift_left3A_458 = arith.constant 7 : i32
    %shift_left3A_459 = vector.broadcast %shift_left3A_458 : i32 to vector<16xi32>
    %shift_left3A_460 = arith.shli %and3A_457, %shift_left3A_459 : vector<16xi32>
    %add3A_461 = arith.addi %shift_left3A_454, %shift_left3A_460 : vector<16xi32>
    %and3A_462 = arith.constant 127 : i32
    %and3A_463 = vector.broadcast %and3A_462 : i32 to vector<16xi32>
    %and3A_464 = arith.andi %get3A_441, %and3A_463 : vector<16xi32>
    %add3A_465 = arith.addi %add3A_461, %and3A_464 : vector<16xi32>
    %swap3A_466 = arith.constant 1 : i32
    %swap3A_467 = arith.index_cast %swap3A_466 : i32 to index
    %swap3A_468 = arith.constant 64 : index
    %swap3A_469 = tpu.vector_load %arg8[%swap3A_467, %swap3A_468] {strides = array<i32>} : memref<4x128xi32, #tpu.memory_space<vmem>>, vector<1x16xi32>,
    %swap3A_470 = vector.shape_cast %swap3A_469 : vector<1x16xi32> to vector<16xi32>
    %swap3A_471 = vector.shape_cast %add3A_465 : vector<16xi32> to vector<1x16xi32>
    tpu.vector_store %arg8[%swap3A_467, %swap3A_468], %swap3A_471 {strides = array<i32>} : memref<4x128xi32, #tpu.memory_space<vmem>>, vector<1x16xi32>,
    %get3A_472 = arith.constant 208 : index
    %get3A_473 = tpu.vector_load %arg6[%get3A_472] {strides = array<i32>} : memref<512xi32, #tpu.memory_space<vmem>>, vector<16xi32>,
    %get3A_474 = vector.shape_cast %get3A_473 : vector<16xi32> to vector<16xi32>
    %get3A_475 = arith.constant 208 : index
    %get3A_476 = tpu.vector_load %arg7[%get3A_475] {strides = array<i32>} : memref<512xi32, #tpu.memory_space<vmem>>, vector<16xi32>,
    %get3A_477 = vector.shape_cast %get3A_476 : vector<16xi32> to vector<16xi32>
    %shift_right_arithmetic3A_478 = arith.constant 3 : i32
    %shift_right_arithmetic3A_479 = vector.broadcast %shift_right_arithmetic3A_478 : i32 to vector<16xi32>
    %shift_right_arithmetic3A_480 = arith.shrsi %get3A_474, %shift_right_arithmetic3A_479 : vector<16xi32>
    %mul3A_481 = arith.constant 32 : i32
    %mul3A_482 = vector.broadcast %mul3A_481 : i32 to vector<16xi32>
    %mul3A_483 = arith.muli %shift_right_arithmetic3A_480, %mul3A_482 : vector<16xi32>
    %shift_right_arithmetic3A_484 = arith.constant 7 : i32
    %shift_right_arithmetic3A_485 = vector.broadcast %shift_right_arithmetic3A_484 : i32 to vector<16xi32>
    %shift_right_arithmetic3A_486 = arith.shrsi %get3A_477, %shift_right_arithmetic3A_485 : vector<16xi32>
    %add3A_487 = arith.addi %mul3A_483, %shift_right_arithmetic3A_486 : vector<16xi32>
    %shift_left3A_488 = arith.constant 10 : i32
    %shift_left3A_489 = vector.broadcast %shift_left3A_488 : i32 to vector<16xi32>
    %shift_left3A_490 = arith.shli %add3A_487, %shift_left3A_489 : vector<16xi32>
    %and3A_491 = arith.constant 7 : i32
    %and3A_492 = vector.broadcast %and3A_491 : i32 to vector<16xi32>
    %and3A_493 = arith.andi %get3A_474, %and3A_492 : vector<16xi32>
    %shift_left3A_494 = arith.constant 7 : i32
    %shift_left3A_495 = vector.broadcast %shift_left3A_494 : i32 to vector<16xi32>
    %shift_left3A_496 = arith.shli %and3A_493, %shift_left3A_495 : vector<16xi32>
    %add3A_497 = arith.addi %shift_left3A_490, %shift_left3A_496 : vector<16xi32>
    %and3A_498 = arith.constant 127 : i32
    %and3A_499 = vector.broadcast %and3A_498 : i32 to vector<16xi32>
    %and3A_500 = arith.andi %get3A_477, %and3A_499 : vector<16xi32>
    %add3A_501 = arith.addi %add3A_497, %and3A_500 : vector<16xi32>
    %swap3A_502 = arith.constant 1 : i32
    %swap3A_503 = arith.index_cast %swap3A_502 : i32 to index
    %swap3A_504 = arith.constant 80 : index
    %swap3A_505 = tpu.vector_load %arg8[%swap3A_503, %swap3A_504] {strides = array<i32>} : memref<4x128xi32, #tpu.memory_space<vmem>>, vector<1x16xi32>,
    %swap3A_506 = vector.shape_cast %swap3A_505 : vector<1x16xi32> to vector<16xi32>
    %swap3A_507 = vector.shape_cast %add3A_501 : vector<16xi32> to vector<1x16xi32>
    tpu.vector_store %arg8[%swap3A_503, %swap3A_504], %swap3A_507 {strides = array<i32>} : memref<4x128xi32, #tpu.memory_space<vmem>>, vector<1x16xi32>,
    %get3A_508 = arith.constant 224 : index
    %get3A_509 = tpu.vector_load %arg6[%get3A_508] {strides = array<i32>} : memref<512xi32, #tpu.memory_space<vmem>>, vector<16xi32>,
    %get3A_510 = vector.shape_cast %get3A_509 : vector<16xi32> to vector<16xi32>
    %get3A_511 = arith.constant 224 : index
    %get3A_512 = tpu.vector_load %arg7[%get3A_511] {strides = array<i32>} : memref<512xi32, #tpu.memory_space<vmem>>, vector<16xi32>,
    %get3A_513 = vector.shape_cast %get3A_512 : vector<16xi32> to vector<16xi32>
    %shift_right_arithmetic3A_514 = arith.constant 3 : i32
    %shift_right_arithmetic3A_515 = vector.broadcast %shift_right_arithmetic3A_514 : i32 to vector<16xi32>
    %shift_right_arithmetic3A_516 = arith.shrsi %get3A_510, %shift_right_arithmetic3A_515 : vector<16xi32>
    %mul3A_517 = arith.constant 32 : i32
    %mul3A_518 = vector.broadcast %mul3A_517 : i32 to vector<16xi32>
    %mul3A_519 = arith.muli %shift_right_arithmetic3A_516, %mul3A_518 : vector<16xi32>
    %shift_right_arithmetic3A_520 = arith.constant 7 : i32
    %shift_right_arithmetic3A_521 = vector.broadcast %shift_right_arithmetic3A_520 : i32 to vector<16xi32>
    %shift_right_arithmetic3A_522 = arith.shrsi %get3A_513, %shift_right_arithmetic3A_521 : vector<16xi32>
    %add3A_523 = arith.addi %mul3A_519, %shift_right_arithmetic3A_522 : vector<16xi32>
    %shift_left3A_524 = arith.constant 10 : i32
    %shift_left3A_525 = vector.broadcast %shift_left3A_524 : i32 to vector<16xi32>
    %shift_left3A_526 = arith.shli %add3A_523, %shift_left3A_525 : vector<16xi32>
    %and3A_527 = arith.constant 7 : i32
    %and3A_528 = vector.broadcast %and3A_527 : i32 to vector<16xi32>
    %and3A_529 = arith.andi %get3A_510, %and3A_528 : vector<16xi32>
    %shift_left3A_530 = arith.constant 7 : i32
    %shift_left3A_531 = vector.broadcast %shift_left3A_530 : i32 to vector<16xi32>
    %shift_left3A_532 = arith.shli %and3A_529, %shift_left3A_531 : vector<16xi32>
    %add3A_533 = arith.addi %shift_left3A_526, %shift_left3A_532 : vector<16xi32>
    %and3A_534 = arith.constant 127 : i32
    %and3A_535 = vector.broadcast %and3A_534 : i32 to vector<16xi32>
    %and3A_536 = arith.andi %get3A_513, %and3A_535 : vector<16xi32>
    %add3A_537 = arith.addi %add3A_533, %and3A_536 : vector<16xi32>
    %swap3A_538 = arith.constant 1 : i32
    %swap3A_539 = arith.index_cast %swap3A_538 : i32 to index
    %swap3A_540 = arith.constant 96 : index
    %swap3A_541 = tpu.vector_load %arg8[%swap3A_539, %swap3A_540] {strides = array<i32>} : memref<4x128xi32, #tpu.memory_space<vmem>>, vector<1x16xi32>,
    %swap3A_542 = vector.shape_cast %swap3A_541 : vector<1x16xi32> to vector<16xi32>
    %swap3A_543 = vector.shape_cast %add3A_537 : vector<16xi32> to vector<1x16xi32>
    tpu.vector_store %arg8[%swap3A_539, %swap3A_540], %swap3A_543 {strides = array<i32>} : memref<4x128xi32, #tpu.memory_space<vmem>>, vector<1x16xi32>,
    %get3A_544 = arith.constant 240 : index
    %get3A_545 = tpu.vector_load %arg6[%get3A_544] {strides = array<i32>} : memref<512xi32, #tpu.memory_space<vmem>>, vector<16xi32>,
    %get3A_546 = vector.shape_cast %get3A_545 : vector<16xi32> to vector<16xi32>
    %get3A_547 = arith.constant 240 : index
    %get3A_548 = tpu.vector_load %arg7[%get3A_547] {strides = array<i32>} : memref<512xi32, #tpu.memory_space<vmem>>, vector<16xi32>,
    %get3A_549 = vector.shape_cast %get3A_548 : vector<16xi32> to vector<16xi32>
    %shift_right_arithmetic3A_550 = arith.constant 3 : i32
    %shift_right_arithmetic3A_551 = vector.broadcast %shift_right_arithmetic3A_550 : i32 to vector<16xi32>
    %shift_right_arithmetic3A_552 = arith.shrsi %get3A_546, %shift_right_arithmetic3A_551 : vector<16xi32>
    %mul3A_553 = arith.constant 32 : i32
    %mul3A_554 = vector.broadcast %mul3A_553 : i32 to vector<16xi32>
    %mul3A_555 = arith.muli %shift_right_arithmetic3A_552, %mul3A_554 : vector<16xi32>
    %shift_right_arithmetic3A_556 = arith.constant 7 : i32
    %shift_right_arithmetic3A_557 = vector.broadcast %shift_right_arithmetic3A_556 : i32 to vector<16xi32>
    %shift_right_arithmetic3A_558 = arith.shrsi %get3A_549, %shift_right_arithmetic3A_557 : vector<16xi32>
    %add3A_559 = arith.addi %mul3A_555, %shift_right_arithmetic3A_558 : vector<16xi32>
    %shift_left3A_560 = arith.constant 10 : i32
    %shift_left3A_561 = vector.broadcast %shift_left3A_560 : i32 to vector<16xi32>
    %shift_left3A_562 = arith.shli %add3A_559, %shift_left3A_561 : vector<16xi32>
    %and3A_563 = arith.constant 7 : i32
    %and3A_564 = vector.broadcast %and3A_563 : i32 to vector<16xi32>
    %and3A_565 = arith.andi %get3A_546, %and3A_564 : vector<16xi32>
    %shift_left3A_566 = arith.constant 7 : i32
    %shift_left3A_567 = vector.broadcast %shift_left3A_566 : i32 to vector<16xi32>
    %shift_left3A_568 = arith.shli %and3A_565, %shift_left3A_567 : vector<16xi32>
    %add3A_569 = arith.addi %shift_left3A_562, %shift_left3A_568 : vector<16xi32>
    %and3A_570 = arith.constant 127 : i32
    %and3A_571 = vector.broadcast %and3A_570 : i32 to vector<16xi32>
    %and3A_572 = arith.andi %get3A_549, %and3A_571 : vector<16xi32>
    %add3A_573 = arith.addi %add3A_569, %and3A_572 : vector<16xi32>
    %swap3A_574 = arith.constant 1 : i32
    %swap3A_575 = arith.index_cast %swap3A_574 : i32 to index
    %swap3A_576 = arith.constant 112 : index
    %swap3A_577 = tpu.vector_load %arg8[%swap3A_575, %swap3A_576] {strides = array<i32>} : memref<4x128xi32, #tpu.memory_space<vmem>>, vector<1x16xi32>,
    %swap3A_578 = vector.shape_cast %swap3A_577 : vector<1x16xi32> to vector<16xi32>
    %swap3A_579 = vector.shape_cast %add3A_573 : vector<16xi32> to vector<1x16xi32>
    tpu.vector_store %arg8[%swap3A_575, %swap3A_576], %swap3A_579 {strides = array<i32>} : memref<4x128xi32, #tpu.memory_space<vmem>>, vector<1x16xi32>,
    %get3A_580 = arith.constant 256 : index
    %get3A_581 = tpu.vector_load %arg6[%get3A_580] {strides = array<i32>} : memref<512xi32, #tpu.memory_space<vmem>>, vector<16xi32>,
    %get3A_582 = vector.shape_cast %get3A_581 : vector<16xi32> to vector<16xi32>
    %get3A_583 = arith.constant 256 : index
    %get3A_584 = tpu.vector_load %arg7[%get3A_583] {strides = array<i32>} : memref<512xi32, #tpu.memory_space<vmem>>, vector<16xi32>,
    %get3A_585 = vector.shape_cast %get3A_584 : vector<16xi32> to vector<16xi32>
    %shift_right_arithmetic3A_586 = arith.constant 3 : i32
    %shift_right_arithmetic3A_587 = vector.broadcast %shift_right_arithmetic3A_586 : i32 to vector<16xi32>
    %shift_right_arithmetic3A_588 = arith.shrsi %get3A_582, %shift_right_arithmetic3A_587 : vector<16xi32>
    %mul3A_589 = arith.constant 32 : i32
    %mul3A_590 = vector.broadcast %mul3A_589 : i32 to vector<16xi32>
    %mul3A_591 = arith.muli %shift_right_arithmetic3A_588, %mul3A_590 : vector<16xi32>
    %shift_right_arithmetic3A_592 = arith.constant 7 : i32
    %shift_right_arithmetic3A_593 = vector.broadcast %shift_right_arithmetic3A_592 : i32 to vector<16xi32>
    %shift_right_arithmetic3A_594 = arith.shrsi %get3A_585, %shift_right_arithmetic3A_593 : vector<16xi32>
    %add3A_595 = arith.addi %mul3A_591, %shift_right_arithmetic3A_594 : vector<16xi32>
    %shift_left3A_596 = arith.constant 10 : i32
    %shift_left3A_597 = vector.broadcast %shift_left3A_596 : i32 to vector<16xi32>
    %shift_left3A_598 = arith.shli %add3A_595, %shift_left3A_597 : vector<16xi32>
    %and3A_599 = arith.constant 7 : i32
    %and3A_600 = vector.broadcast %and3A_599 : i32 to vector<16xi32>
    %and3A_601 = arith.andi %get3A_582, %and3A_600 : vector<16xi32>
    %shift_left3A_602 = arith.constant 7 : i32
    %shift_left3A_603 = vector.broadcast %shift_left3A_602 : i32 to vector<16xi32>
    %shift_left3A_604 = arith.shli %and3A_601, %shift_left3A_603 : vector<16xi32>
    %add3A_605 = arith.addi %shift_left3A_598, %shift_left3A_604 : vector<16xi32>
    %and3A_606 = arith.constant 127 : i32
    %and3A_607 = vector.broadcast %and3A_606 : i32 to vector<16xi32>
    %and3A_608 = arith.andi %get3A_585, %and3A_607 : vector<16xi32>
    %add3A_609 = arith.addi %add3A_605, %and3A_608 : vector<16xi32>
    %swap3A_610 = arith.constant 2 : i32
    %swap3A_611 = arith.index_cast %swap3A_610 : i32 to index
    %swap3A_612 = arith.constant 0 : index
    %swap3A_613 = tpu.vector_load %arg8[%swap3A_611, %swap3A_612] {strides = array<i32>} : memref<4x128xi32, #tpu.memory_space<vmem>>, vector<1x16xi32>,
    %swap3A_614 = vector.shape_cast %swap3A_613 : vector<1x16xi32> to vector<16xi32>
    %swap3A_615 = vector.shape_cast %add3A_609 : vector<16xi32> to vector<1x16xi32>
    tpu.vector_store %arg8[%swap3A_611, %swap3A_612], %swap3A_615 {strides = array<i32>} : memref<4x128xi32, #tpu.memory_space<vmem>>, vector<1x16xi32>,
    %get3A_616 = arith.constant 272 : index
    %get3A_617 = tpu.vector_load %arg6[%get3A_616] {strides = array<i32>} : memref<512xi32, #tpu.memory_space<vmem>>, vector<16xi32>,
    %get3A_618 = vector.shape_cast %get3A_617 : vector<16xi32> to vector<16xi32>
    %get3A_619 = arith.constant 272 : index
    %get3A_620 = tpu.vector_load %arg7[%get3A_619] {strides = array<i32>} : memref<512xi32, #tpu.memory_space<vmem>>, vector<16xi32>,
    %get3A_621 = vector.shape_cast %get3A_620 : vector<16xi32> to vector<16xi32>
    %shift_right_arithmetic3A_622 = arith.constant 3 : i32
    %shift_right_arithmetic3A_623 = vector.broadcast %shift_right_arithmetic3A_622 : i32 to vector<16xi32>
    %shift_right_arithmetic3A_624 = arith.shrsi %get3A_618, %shift_right_arithmetic3A_623 : vector<16xi32>
    %mul3A_625 = arith.constant 32 : i32
    %mul3A_626 = vector.broadcast %mul3A_625 : i32 to vector<16xi32>
    %mul3A_627 = arith.muli %shift_right_arithmetic3A_624, %mul3A_626 : vector<16xi32>
    %shift_right_arithmetic3A_628 = arith.constant 7 : i32
    %shift_right_arithmetic3A_629 = vector.broadcast %shift_right_arithmetic3A_628 : i32 to vector<16xi32>
    %shift_right_arithmetic3A_630 = arith.shrsi %get3A_621, %shift_right_arithmetic3A_629 : vector<16xi32>
    %add3A_631 = arith.addi %mul3A_627, %shift_right_arithmetic3A_630 : vector<16xi32>
    %shift_left3A_632 = arith.constant 10 : i32
    %shift_left3A_633 = vector.broadcast %shift_left3A_632 : i32 to vector<16xi32>
    %shift_left3A_634 = arith.shli %add3A_631, %shift_left3A_633 : vector<16xi32>
    %and3A_635 = arith.constant 7 : i32
    %and3A_636 = vector.broadcast %and3A_635 : i32 to vector<16xi32>
    %and3A_637 = arith.andi %get3A_618, %and3A_636 : vector<16xi32>
    %shift_left3A_638 = arith.constant 7 : i32
    %shift_left3A_639 = vector.broadcast %shift_left3A_638 : i32 to vector<16xi32>
    %shift_left3A_640 = arith.shli %and3A_637, %shift_left3A_639 : vector<16xi32>
    %add3A_641 = arith.addi %shift_left3A_634, %shift_left3A_640 : vector<16xi32>
    %and3A_642 = arith.constant 127 : i32
    %and3A_643 = vector.broadcast %and3A_642 : i32 to vector<16xi32>
    %and3A_644 = arith.andi %get3A_621, %and3A_643 : vector<16xi32>
    %add3A_645 = arith.addi %add3A_641, %and3A_644 : vector<16xi32>
    %swap3A_646 = arith.constant 2 : i32
    %swap3A_647 = arith.index_cast %swap3A_646 : i32 to index
    %swap3A_648 = arith.constant 16 : index
    %swap3A_649 = tpu.vector_load %arg8[%swap3A_647, %swap3A_648] {strides = array<i32>} : memref<4x128xi32, #tpu.memory_space<vmem>>, vector<1x16xi32>,
    %swap3A_650 = vector.shape_cast %swap3A_649 : vector<1x16xi32> to vector<16xi32>
    %swap3A_651 = vector.shape_cast %add3A_645 : vector<16xi32> to vector<1x16xi32>
    tpu.vector_store %arg8[%swap3A_647, %swap3A_648], %swap3A_651 {strides = array<i32>} : memref<4x128xi32, #tpu.memory_space<vmem>>, vector<1x16xi32>,
    %get3A_652 = arith.constant 288 : index
    %get3A_653 = tpu.vector_load %arg6[%get3A_652] {strides = array<i32>} : memref<512xi32, #tpu.memory_space<vmem>>, vector<16xi32>,
    %get3A_654 = vector.shape_cast %get3A_653 : vector<16xi32> to vector<16xi32>
    %get3A_655 = arith.constant 288 : index
    %get3A_656 = tpu.vector_load %arg7[%get3A_655] {strides = array<i32>} : memref<512xi32, #tpu.memory_space<vmem>>, vector<16xi32>,
    %get3A_657 = vector.shape_cast %get3A_656 : vector<16xi32> to vector<16xi32>
    %shift_right_arithmetic3A_658 = arith.constant 3 : i32
    %shift_right_arithmetic3A_659 = vector.broadcast %shift_right_arithmetic3A_658 : i32 to vector<16xi32>
    %shift_right_arithmetic3A_660 = arith.shrsi %get3A_654, %shift_right_arithmetic3A_659 : vector<16xi32>
    %mul3A_661 = arith.constant 32 : i32
    %mul3A_662 = vector.broadcast %mul3A_661 : i32 to vector<16xi32>
    %mul3A_663 = arith.muli %shift_right_arithmetic3A_660, %mul3A_662 : vector<16xi32>
    %shift_right_arithmetic3A_664 = arith.constant 7 : i32
    %shift_right_arithmetic3A_665 = vector.broadcast %shift_right_arithmetic3A_664 : i32 to vector<16xi32>
    %shift_right_arithmetic3A_666 = arith.shrsi %get3A_657, %shift_right_arithmetic3A_665 : vector<16xi32>
    %add3A_667 = arith.addi %mul3A_663, %shift_right_arithmetic3A_666 : vector<16xi32>
    %shift_left3A_668 = arith.constant 10 : i32
    %shift_left3A_669 = vector.broadcast %shift_left3A_668 : i32 to vector<16xi32>
    %shift_left3A_670 = arith.shli %add3A_667, %shift_left3A_669 : vector<16xi32>
    %and3A_671 = arith.constant 7 : i32
    %and3A_672 = vector.broadcast %and3A_671 : i32 to vector<16xi32>
    %and3A_673 = arith.andi %get3A_654, %and3A_672 : vector<16xi32>
    %shift_left3A_674 = arith.constant 7 : i32
    %shift_left3A_675 = vector.broadcast %shift_left3A_674 : i32 to vector<16xi32>
    %shift_left3A_676 = arith.shli %and3A_673, %shift_left3A_675 : vector<16xi32>
    %add3A_677 = arith.addi %shift_left3A_670, %shift_left3A_676 : vector<16xi32>
    %and3A_678 = arith.constant 127 : i32
    %and3A_679 = vector.broadcast %and3A_678 : i32 to vector<16xi32>
    %and3A_680 = arith.andi %get3A_657, %and3A_679 : vector<16xi32>
    %add3A_681 = arith.addi %add3A_677, %and3A_680 : vector<16xi32>
    %swap3A_682 = arith.constant 2 : i32
    %swap3A_683 = arith.index_cast %swap3A_682 : i32 to index
    %swap3A_684 = arith.constant 32 : index
    %swap3A_685 = tpu.vector_load %arg8[%swap3A_683, %swap3A_684] {strides = array<i32>} : memref<4x128xi32, #tpu.memory_space<vmem>>, vector<1x16xi32>,
    %swap3A_686 = vector.shape_cast %swap3A_685 : vector<1x16xi32> to vector<16xi32>
    %swap3A_687 = vector.shape_cast %add3A_681 : vector<16xi32> to vector<1x16xi32>
    tpu.vector_store %arg8[%swap3A_683, %swap3A_684], %swap3A_687 {strides = array<i32>} : memref<4x128xi32, #tpu.memory_space<vmem>>, vector<1x16xi32>,
    %get3A_688 = arith.constant 304 : index
    %get3A_689 = tpu.vector_load %arg6[%get3A_688] {strides = array<i32>} : memref<512xi32, #tpu.memory_space<vmem>>, vector<16xi32>,
    %get3A_690 = vector.shape_cast %get3A_689 : vector<16xi32> to vector<16xi32>
    %get3A_691 = arith.constant 304 : index
    %get3A_692 = tpu.vector_load %arg7[%get3A_691] {strides = array<i32>} : memref<512xi32, #tpu.memory_space<vmem>>, vector<16xi32>,
    %get3A_693 = vector.shape_cast %get3A_692 : vector<16xi32> to vector<16xi32>
    %shift_right_arithmetic3A_694 = arith.constant 3 : i32
    %shift_right_arithmetic3A_695 = vector.broadcast %shift_right_arithmetic3A_694 : i32 to vector<16xi32>
    %shift_right_arithmetic3A_696 = arith.shrsi %get3A_690, %shift_right_arithmetic3A_695 : vector<16xi32>
    %mul3A_697 = arith.constant 32 : i32
    %mul3A_698 = vector.broadcast %mul3A_697 : i32 to vector<16xi32>
    %mul3A_699 = arith.muli %shift_right_arithmetic3A_696, %mul3A_698 : vector<16xi32>
    %shift_right_arithmetic3A_700 = arith.constant 7 : i32
    %shift_right_arithmetic3A_701 = vector.broadcast %shift_right_arithmetic3A_700 : i32 to vector<16xi32>
    %shift_right_arithmetic3A_702 = arith.shrsi %get3A_693, %shift_right_arithmetic3A_701 : vector<16xi32>
    %add3A_703 = arith.addi %mul3A_699, %shift_right_arithmetic3A_702 : vector<16xi32>
    %shift_left3A_704 = arith.constant 10 : i32
    %shift_left3A_705 = vector.broadcast %shift_left3A_704 : i32 to vector<16xi32>
    %shift_left3A_706 = arith.shli %add3A_703, %shift_left3A_705 : vector<16xi32>
    %and3A_707 = arith.constant 7 : i32
    %and3A_708 = vector.broadcast %and3A_707 : i32 to vector<16xi32>
    %and3A_709 = arith.andi %get3A_690, %and3A_708 : vector<16xi32>
    %shift_left3A_710 = arith.constant 7 : i32
    %shift_left3A_711 = vector.broadcast %shift_left3A_710 : i32 to vector<16xi32>
    %shift_left3A_712 = arith.shli %and3A_709, %shift_left3A_711 : vector<16xi32>
    %add3A_713 = arith.addi %shift_left3A_706, %shift_left3A_712 : vector<16xi32>
    %and3A_714 = arith.constant 127 : i32
    %and3A_715 = vector.broadcast %and3A_714 : i32 to vector<16xi32>
    %and3A_716 = arith.andi %get3A_693, %and3A_715 : vector<16xi32>
    %add3A_717 = arith.addi %add3A_713, %and3A_716 : vector<16xi32>
    %swap3A_718 = arith.constant 2 : i32
    %swap3A_719 = arith.index_cast %swap3A_718 : i32 to index
    %swap3A_720 = arith.constant 48 : index
    %swap3A_721 = tpu.vector_load %arg8[%swap3A_719, %swap3A_720] {strides = array<i32>} : memref<4x128xi32, #tpu.memory_space<vmem>>, vector<1x16xi32>,
    %swap3A_722 = vector.shape_cast %swap3A_721 : vector<1x16xi32> to vector<16xi32>
    %swap3A_723 = vector.shape_cast %add3A_717 : vector<16xi32> to vector<1x16xi32>
    tpu.vector_store %arg8[%swap3A_719, %swap3A_720], %swap3A_723 {strides = array<i32>} : memref<4x128xi32, #tpu.memory_space<vmem>>, vector<1x16xi32>,
    %get3A_724 = arith.constant 320 : index
    %get3A_725 = tpu.vector_load %arg6[%get3A_724] {strides = array<i32>} : memref<512xi32, #tpu.memory_space<vmem>>, vector<16xi32>,
    %get3A_726 = vector.shape_cast %get3A_725 : vector<16xi32> to vector<16xi32>
    %get3A_727 = arith.constant 320 : index
    %get3A_728 = tpu.vector_load %arg7[%get3A_727] {strides = array<i32>} : memref<512xi32, #tpu.memory_space<vmem>>, vector<16xi32>,
    %get3A_729 = vector.shape_cast %get3A_728 : vector<16xi32> to vector<16xi32>
    %shift_right_arithmetic3A_730 = arith.constant 3 : i32
    %shift_right_arithmetic3A_731 = vector.broadcast %shift_right_arithmetic3A_730 : i32 to vector<16xi32>
    %shift_right_arithmetic3A_732 = arith.shrsi %get3A_726, %shift_right_arithmetic3A_731 : vector<16xi32>
    %mul3A_733 = arith.constant 32 : i32
    %mul3A_734 = vector.broadcast %mul3A_733 : i32 to vector<16xi32>
    %mul3A_735 = arith.muli %shift_right_arithmetic3A_732, %mul3A_734 : vector<16xi32>
    %shift_right_arithmetic3A_736 = arith.constant 7 : i32
    %shift_right_arithmetic3A_737 = vector.broadcast %shift_right_arithmetic3A_736 : i32 to vector<16xi32>
    %shift_right_arithmetic3A_738 = arith.shrsi %get3A_729, %shift_right_arithmetic3A_737 : vector<16xi32>
    %add3A_739 = arith.addi %mul3A_735, %shift_right_arithmetic3A_738 : vector<16xi32>
    %shift_left3A_740 = arith.constant 10 : i32
    %shift_left3A_741 = vector.broadcast %shift_left3A_740 : i32 to vector<16xi32>
    %shift_left3A_742 = arith.shli %add3A_739, %shift_left3A_741 : vector<16xi32>
    %and3A_743 = arith.constant 7 : i32
    %and3A_744 = vector.broadcast %and3A_743 : i32 to vector<16xi32>
    %and3A_745 = arith.andi %get3A_726, %and3A_744 : vector<16xi32>
    %shift_left3A_746 = arith.constant 7 : i32
    %shift_left3A_747 = vector.broadcast %shift_left3A_746 : i32 to vector<16xi32>
    %shift_left3A_748 = arith.shli %and3A_745, %shift_left3A_747 : vector<16xi32>
    %add3A_749 = arith.addi %shift_left3A_742, %shift_left3A_748 : vector<16xi32>
    %and3A_750 = arith.constant 127 : i32
    %and3A_751 = vector.broadcast %and3A_750 : i32 to vector<16xi32>
    %and3A_752 = arith.andi %get3A_729, %and3A_751 : vector<16xi32>
    %add3A_753 = arith.addi %add3A_749, %and3A_752 : vector<16xi32>
    %swap3A_754 = arith.constant 2 : i32
    %swap3A_755 = arith.index_cast %swap3A_754 : i32 to index
    %swap3A_756 = arith.constant 64 : index
    %swap3A_757 = tpu.vector_load %arg8[%swap3A_755, %swap3A_756] {strides = array<i32>} : memref<4x128xi32, #tpu.memory_space<vmem>>, vector<1x16xi32>,
    %swap3A_758 = vector.shape_cast %swap3A_757 : vector<1x16xi32> to vector<16xi32>
    %swap3A_759 = vector.shape_cast %add3A_753 : vector<16xi32> to vector<1x16xi32>
    tpu.vector_store %arg8[%swap3A_755, %swap3A_756], %swap3A_759 {strides = array<i32>} : memref<4x128xi32, #tpu.memory_space<vmem>>, vector<1x16xi32>,
    %get3A_760 = arith.constant 336 : index
    %get3A_761 = tpu.vector_load %arg6[%get3A_760] {strides = array<i32>} : memref<512xi32, #tpu.memory_space<vmem>>, vector<16xi32>,
    %get3A_762 = vector.shape_cast %get3A_761 : vector<16xi32> to vector<16xi32>
    %get3A_763 = arith.constant 336 : index
    %get3A_764 = tpu.vector_load %arg7[%get3A_763] {strides = array<i32>} : memref<512xi32, #tpu.memory_space<vmem>>, vector<16xi32>,
    %get3A_765 = vector.shape_cast %get3A_764 : vector<16xi32> to vector<16xi32>
    %shift_right_arithmetic3A_766 = arith.constant 3 : i32
    %shift_right_arithmetic3A_767 = vector.broadcast %shift_right_arithmetic3A_766 : i32 to vector<16xi32>
    %shift_right_arithmetic3A_768 = arith.shrsi %get3A_762, %shift_right_arithmetic3A_767 : vector<16xi32>
    %mul3A_769 = arith.constant 32 : i32
    %mul3A_770 = vector.broadcast %mul3A_769 : i32 to vector<16xi32>
    %mul3A_771 = arith.muli %shift_right_arithmetic3A_768, %mul3A_770 : vector<16xi32>
    %shift_right_arithmetic3A_772 = arith.constant 7 : i32
    %shift_right_arithmetic3A_773 = vector.broadcast %shift_right_arithmetic3A_772 : i32 to vector<16xi32>
    %shift_right_arithmetic3A_774 = arith.shrsi %get3A_765, %shift_right_arithmetic3A_773 : vector<16xi32>
    %add3A_775 = arith.addi %mul3A_771, %shift_right_arithmetic3A_774 : vector<16xi32>
    %shift_left3A_776 = arith.constant 10 : i32
    %shift_left3A_777 = vector.broadcast %shift_left3A_776 : i32 to vector<16xi32>
    %shift_left3A_778 = arith.shli %add3A_775, %shift_left3A_777 : vector<16xi32>
    %and3A_779 = arith.constant 7 : i32
    %and3A_780 = vector.broadcast %and3A_779 : i32 to vector<16xi32>
    %and3A_781 = arith.andi %get3A_762, %and3A_780 : vector<16xi32>
    %shift_left3A_782 = arith.constant 7 : i32
    %shift_left3A_783 = vector.broadcast %shift_left3A_782 : i32 to vector<16xi32>
    %shift_left3A_784 = arith.shli %and3A_781, %shift_left3A_783 : vector<16xi32>
    %add3A_785 = arith.addi %shift_left3A_778, %shift_left3A_784 : vector<16xi32>
    %and3A_786 = arith.constant 127 : i32
    %and3A_787 = vector.broadcast %and3A_786 : i32 to vector<16xi32>
    %and3A_788 = arith.andi %get3A_765, %and3A_787 : vector<16xi32>
    %add3A_789 = arith.addi %add3A_785, %and3A_788 : vector<16xi32>
    %swap3A_790 = arith.constant 2 : i32
    %swap3A_791 = arith.index_cast %swap3A_790 : i32 to index
    %swap3A_792 = arith.constant 80 : index
    %swap3A_793 = tpu.vector_load %arg8[%swap3A_791, %swap3A_792] {strides = array<i32>} : memref<4x128xi32, #tpu.memory_space<vmem>>, vector<1x16xi32>,
    %swap3A_794 = vector.shape_cast %swap3A_793 : vector<1x16xi32> to vector<16xi32>
    %swap3A_795 = vector.shape_cast %add3A_789 : vector<16xi32> to vector<1x16xi32>
    tpu.vector_store %arg8[%swap3A_791, %swap3A_792], %swap3A_795 {strides = array<i32>} : memref<4x128xi32, #tpu.memory_space<vmem>>, vector<1x16xi32>,
    %get3A_796 = arith.constant 352 : index
    %get3A_797 = tpu.vector_load %arg6[%get3A_796] {strides = array<i32>} : memref<512xi32, #tpu.memory_space<vmem>>, vector<16xi32>,
    %get3A_798 = vector.shape_cast %get3A_797 : vector<16xi32> to vector<16xi32>
    %get3A_799 = arith.constant 352 : index
    %get3A_800 = tpu.vector_load %arg7[%get3A_799] {strides = array<i32>} : memref<512xi32, #tpu.memory_space<vmem>>, vector<16xi32>,
    %get3A_801 = vector.shape_cast %get3A_800 : vector<16xi32> to vector<16xi32>
    %shift_right_arithmetic3A_802 = arith.constant 3 : i32
    %shift_right_arithmetic3A_803 = vector.broadcast %shift_right_arithmetic3A_802 : i32 to vector<16xi32>
    %shift_right_arithmetic3A_804 = arith.shrsi %get3A_798, %shift_right_arithmetic3A_803 : vector<16xi32>
    %mul3A_805 = arith.constant 32 : i32
    %mul3A_806 = vector.broadcast %mul3A_805 : i32 to vector<16xi32>
    %mul3A_807 = arith.muli %shift_right_arithmetic3A_804, %mul3A_806 : vector<16xi32>
    %shift_right_arithmetic3A_808 = arith.constant 7 : i32
    %shift_right_arithmetic3A_809 = vector.broadcast %shift_right_arithmetic3A_808 : i32 to vector<16xi32>
    %shift_right_arithmetic3A_810 = arith.shrsi %get3A_801, %shift_right_arithmetic3A_809 : vector<16xi32>
    %add3A_811 = arith.addi %mul3A_807, %shift_right_arithmetic3A_810 : vector<16xi32>
    %shift_left3A_812 = arith.constant 10 : i32
    %shift_left3A_813 = vector.broadcast %shift_left3A_812 : i32 to vector<16xi32>
    %shift_left3A_814 = arith.shli %add3A_811, %shift_left3A_813 : vector<16xi32>
    %and3A_815 = arith.constant 7 : i32
    %and3A_816 = vector.broadcast %and3A_815 : i32 to vector<16xi32>
    %and3A_817 = arith.andi %get3A_798, %and3A_816 : vector<16xi32>
    %shift_left3A_818 = arith.constant 7 : i32
    %shift_left3A_819 = vector.broadcast %shift_left3A_818 : i32 to vector<16xi32>
    %shift_left3A_820 = arith.shli %and3A_817, %shift_left3A_819 : vector<16xi32>
    %add3A_821 = arith.addi %shift_left3A_814, %shift_left3A_820 : vector<16xi32>
    %and3A_822 = arith.constant 127 : i32
    %and3A_823 = vector.broadcast %and3A_822 : i32 to vector<16xi32>
    %and3A_824 = arith.andi %get3A_801, %and3A_823 : vector<16xi32>
    %add3A_825 = arith.addi %add3A_821, %and3A_824 : vector<16xi32>
    %swap3A_826 = arith.constant 2 : i32
    %swap3A_827 = arith.index_cast %swap3A_826 : i32 to index
    %swap3A_828 = arith.constant 96 : index
    %swap3A_829 = tpu.vector_load %arg8[%swap3A_827, %swap3A_828] {strides = array<i32>} : memref<4x128xi32, #tpu.memory_space<vmem>>, vector<1x16xi32>,
    %swap3A_830 = vector.shape_cast %swap3A_829 : vector<1x16xi32> to vector<16xi32>
    %swap3A_831 = vector.shape_cast %add3A_825 : vector<16xi32> to vector<1x16xi32>
    tpu.vector_store %arg8[%swap3A_827, %swap3A_828], %swap3A_831 {strides = array<i32>} : memref<4x128xi32, #tpu.memory_space<vmem>>, vector<1x16xi32>,
    %get3A_832 = arith.constant 368 : index
    %get3A_833 = tpu.vector_load %arg6[%get3A_832] {strides = array<i32>} : memref<512xi32, #tpu.memory_space<vmem>>, vector<16xi32>,
    %get3A_834 = vector.shape_cast %get3A_833 : vector<16xi32> to vector<16xi32>
    %get3A_835 = arith.constant 368 : index
    %get3A_836 = tpu.vector_load %arg7[%get3A_835] {strides = array<i32>} : memref<512xi32, #tpu.memory_space<vmem>>, vector<16xi32>,
    %get3A_837 = vector.shape_cast %get3A_836 : vector<16xi32> to vector<16xi32>
    %shift_right_arithmetic3A_838 = arith.constant 3 : i32
    %shift_right_arithmetic3A_839 = vector.broadcast %shift_right_arithmetic3A_838 : i32 to vector<16xi32>
    %shift_right_arithmetic3A_840 = arith.shrsi %get3A_834, %shift_right_arithmetic3A_839 : vector<16xi32>
    %mul3A_841 = arith.constant 32 : i32
    %mul3A_842 = vector.broadcast %mul3A_841 : i32 to vector<16xi32>
    %mul3A_843 = arith.muli %shift_right_arithmetic3A_840, %mul3A_842 : vector<16xi32>
    %shift_right_arithmetic3A_844 = arith.constant 7 : i32
    %shift_right_arithmetic3A_845 = vector.broadcast %shift_right_arithmetic3A_844 : i32 to vector<16xi32>
    %shift_right_arithmetic3A_846 = arith.shrsi %get3A_837, %shift_right_arithmetic3A_845 : vector<16xi32>
    %add3A_847 = arith.addi %mul3A_843, %shift_right_arithmetic3A_846 : vector<16xi32>
    %shift_left3A_848 = arith.constant 10 : i32
    %shift_left3A_849 = vector.broadcast %shift_left3A_848 : i32 to vector<16xi32>
    %shift_left3A_850 = arith.shli %add3A_847, %shift_left3A_849 : vector<16xi32>
    %and3A_851 = arith.constant 7 : i32
    %and3A_852 = vector.broadcast %and3A_851 : i32 to vector<16xi32>
    %and3A_853 = arith.andi %get3A_834, %and3A_852 : vector<16xi32>
    %shift_left3A_854 = arith.constant 7 : i32
    %shift_left3A_855 = vector.broadcast %shift_left3A_854 : i32 to vector<16xi32>
    %shift_left3A_856 = arith.shli %and3A_853, %shift_left3A_855 : vector<16xi32>
    %add3A_857 = arith.addi %shift_left3A_850, %shift_left3A_856 : vector<16xi32>
    %and3A_858 = arith.constant 127 : i32
    %and3A_859 = vector.broadcast %and3A_858 : i32 to vector<16xi32>
    %and3A_860 = arith.andi %get3A_837, %and3A_859 : vector<16xi32>
    %add3A_861 = arith.addi %add3A_857, %and3A_860 : vector<16xi32>
    %swap3A_862 = arith.constant 2 : i32
    %swap3A_863 = arith.index_cast %swap3A_862 : i32 to index
    %swap3A_864 = arith.constant 112 : index
    %swap3A_865 = tpu.vector_load %arg8[%swap3A_863, %swap3A_864] {strides = array<i32>} : memref<4x128xi32, #tpu.memory_space<vmem>>, vector<1x16xi32>,
    %swap3A_866 = vector.shape_cast %swap3A_865 : vector<1x16xi32> to vector<16xi32>
    %swap3A_867 = vector.shape_cast %add3A_861 : vector<16xi32> to vector<1x16xi32>
    tpu.vector_store %arg8[%swap3A_863, %swap3A_864], %swap3A_867 {strides = array<i32>} : memref<4x128xi32, #tpu.memory_space<vmem>>, vector<1x16xi32>,
    %get3A_868 = arith.constant 384 : index
    %get3A_869 = tpu.vector_load %arg6[%get3A_868] {strides = array<i32>} : memref<512xi32, #tpu.memory_space<vmem>>, vector<16xi32>,
    %get3A_870 = vector.shape_cast %get3A_869 : vector<16xi32> to vector<16xi32>
    %get3A_871 = arith.constant 384 : index
    %get3A_872 = tpu.vector_load %arg7[%get3A_871] {strides = array<i32>} : memref<512xi32, #tpu.memory_space<vmem>>, vector<16xi32>,
    %get3A_873 = vector.shape_cast %get3A_872 : vector<16xi32> to vector<16xi32>
    %shift_right_arithmetic3A_874 = arith.constant 3 : i32
    %shift_right_arithmetic3A_875 = vector.broadcast %shift_right_arithmetic3A_874 : i32 to vector<16xi32>
    %shift_right_arithmetic3A_876 = arith.shrsi %get3A_870, %shift_right_arithmetic3A_875 : vector<16xi32>
    %mul3A_877 = arith.constant 32 : i32
    %mul3A_878 = vector.broadcast %mul3A_877 : i32 to vector<16xi32>
    %mul3A_879 = arith.muli %shift_right_arithmetic3A_876, %mul3A_878 : vector<16xi32>
    %shift_right_arithmetic3A_880 = arith.constant 7 : i32
    %shift_right_arithmetic3A_881 = vector.broadcast %shift_right_arithmetic3A_880 : i32 to vector<16xi32>
    %shift_right_arithmetic3A_882 = arith.shrsi %get3A_873, %shift_right_arithmetic3A_881 : vector<16xi32>
    %add3A_883 = arith.addi %mul3A_879, %shift_right_arithmetic3A_882 : vector<16xi32>
    %shift_left3A_884 = arith.constant 10 : i32
    %shift_left3A_885 = vector.broadcast %shift_left3A_884 : i32 to vector<16xi32>
    %shift_left3A_886 = arith.shli %add3A_883, %shift_left3A_885 : vector<16xi32>
    %and3A_887 = arith.constant 7 : i32
    %and3A_888 = vector.broadcast %and3A_887 : i32 to vector<16xi32>
    %and3A_889 = arith.andi %get3A_870, %and3A_888 : vector<16xi32>
    %shift_left3A_890 = arith.constant 7 : i32
    %shift_left3A_891 = vector.broadcast %shift_left3A_890 : i32 to vector<16xi32>
    %shift_left3A_892 = arith.shli %and3A_889, %shift_left3A_891 : vector<16xi32>
    %add3A_893 = arith.addi %shift_left3A_886, %shift_left3A_892 : vector<16xi32>
    %and3A_894 = arith.constant 127 : i32
    %and3A_895 = vector.broadcast %and3A_894 : i32 to vector<16xi32>
    %and3A_896 = arith.andi %get3A_873, %and3A_895 : vector<16xi32>
    %add3A_897 = arith.addi %add3A_893, %and3A_896 : vector<16xi32>
    %swap3A_898 = arith.constant 3 : i32
    %swap3A_899 = arith.index_cast %swap3A_898 : i32 to index
    %swap3A_900 = arith.constant 0 : index
    %swap3A_901 = tpu.vector_load %arg8[%swap3A_899, %swap3A_900] {strides = array<i32>} : memref<4x128xi32, #tpu.memory_space<vmem>>, vector<1x16xi32>,
    %swap3A_902 = vector.shape_cast %swap3A_901 : vector<1x16xi32> to vector<16xi32>
    %swap3A_903 = vector.shape_cast %add3A_897 : vector<16xi32> to vector<1x16xi32>
    tpu.vector_store %arg8[%swap3A_899, %swap3A_900], %swap3A_903 {strides = array<i32>} : memref<4x128xi32, #tpu.memory_space<vmem>>, vector<1x16xi32>,
    %get3A_904 = arith.constant 400 : index
    %get3A_905 = tpu.vector_load %arg6[%get3A_904] {strides = array<i32>} : memref<512xi32, #tpu.memory_space<vmem>>, vector<16xi32>,
    %get3A_906 = vector.shape_cast %get3A_905 : vector<16xi32> to vector<16xi32>
    %get3A_907 = arith.constant 400 : index
    %get3A_908 = tpu.vector_load %arg7[%get3A_907] {strides = array<i32>} : memref<512xi32, #tpu.memory_space<vmem>>, vector<16xi32>,
    %get3A_909 = vector.shape_cast %get3A_908 : vector<16xi32> to vector<16xi32>
    %shift_right_arithmetic3A_910 = arith.constant 3 : i32
    %shift_right_arithmetic3A_911 = vector.broadcast %shift_right_arithmetic3A_910 : i32 to vector<16xi32>
    %shift_right_arithmetic3A_912 = arith.shrsi %get3A_906, %shift_right_arithmetic3A_911 : vector<16xi32>
    %mul3A_913 = arith.constant 32 : i32
    %mul3A_914 = vector.broadcast %mul3A_913 : i32 to vector<16xi32>
    %mul3A_915 = arith.muli %shift_right_arithmetic3A_912, %mul3A_914 : vector<16xi32>
    %shift_right_arithmetic3A_916 = arith.constant 7 : i32
    %shift_right_arithmetic3A_917 = vector.broadcast %shift_right_arithmetic3A_916 : i32 to vector<16xi32>
    %shift_right_arithmetic3A_918 = arith.shrsi %get3A_909, %shift_right_arithmetic3A_917 : vector<16xi32>
    %add3A_919 = arith.addi %mul3A_915, %shift_right_arithmetic3A_918 : vector<16xi32>
    %shift_left3A_920 = arith.constant 10 : i32
    %shift_left3A_921 = vector.broadcast %shift_left3A_920 : i32 to vector<16xi32>
    %shift_left3A_922 = arith.shli %add3A_919, %shift_left3A_921 : vector<16xi32>
    %and3A_923 = arith.constant 7 : i32
    %and3A_924 = vector.broadcast %and3A_923 : i32 to vector<16xi32>
    %and3A_925 = arith.andi %get3A_906, %and3A_924 : vector<16xi32>
    %shift_left3A_926 = arith.constant 7 : i32
    %shift_left3A_927 = vector.broadcast %shift_left3A_926 : i32 to vector<16xi32>
    %shift_left3A_928 = arith.shli %and3A_925, %shift_left3A_927 : vector<16xi32>
    %add3A_929 = arith.addi %shift_left3A_922, %shift_left3A_928 : vector<16xi32>
    %and3A_930 = arith.constant 127 : i32
    %and3A_931 = vector.broadcast %and3A_930 : i32 to vector<16xi32>
    %and3A_932 = arith.andi %get3A_909, %and3A_931 : vector<16xi32>
    %add3A_933 = arith.addi %add3A_929, %and3A_932 : vector<16xi32>
    %swap3A_934 = arith.constant 3 : i32
    %swap3A_935 = arith.index_cast %swap3A_934 : i32 to index
    %swap3A_936 = arith.constant 16 : index
    %swap3A_937 = tpu.vector_load %arg8[%swap3A_935, %swap3A_936] {strides = array<i32>} : memref<4x128xi32, #tpu.memory_space<vmem>>, vector<1x16xi32>,
    %swap3A_938 = vector.shape_cast %swap3A_937 : vector<1x16xi32> to vector<16xi32>
    %swap3A_939 = vector.shape_cast %add3A_933 : vector<16xi32> to vector<1x16xi32>
    tpu.vector_store %arg8[%swap3A_935, %swap3A_936], %swap3A_939 {strides = array<i32>} : memref<4x128xi32, #tpu.memory_space<vmem>>, vector<1x16xi32>,
    %get3A_940 = arith.constant 416 : index
    %get3A_941 = tpu.vector_load %arg6[%get3A_940] {strides = array<i32>} : memref<512xi32, #tpu.memory_space<vmem>>, vector<16xi32>,
    %get3A_942 = vector.shape_cast %get3A_941 : vector<16xi32> to vector<16xi32>
    %get3A_943 = arith.constant 416 : index
    %get3A_944 = tpu.vector_load %arg7[%get3A_943] {strides = array<i32>} : memref<512xi32, #tpu.memory_space<vmem>>, vector<16xi32>,
    %get3A_945 = vector.shape_cast %get3A_944 : vector<16xi32> to vector<16xi32>
    %shift_right_arithmetic3A_946 = arith.constant 3 : i32
    %shift_right_arithmetic3A_947 = vector.broadcast %shift_right_arithmetic3A_946 : i32 to vector<16xi32>
    %shift_right_arithmetic3A_948 = arith.shrsi %get3A_942, %shift_right_arithmetic3A_947 : vector<16xi32>
    %mul3A_949 = arith.constant 32 : i32
    %mul3A_950 = vector.broadcast %mul3A_949 : i32 to vector<16xi32>
    %mul3A_951 = arith.muli %shift_right_arithmetic3A_948, %mul3A_950 : vector<16xi32>
    %shift_right_arithmetic3A_952 = arith.constant 7 : i32
    %shift_right_arithmetic3A_953 = vector.broadcast %shift_right_arithmetic3A_952 : i32 to vector<16xi32>
    %shift_right_arithmetic3A_954 = arith.shrsi %get3A_945, %shift_right_arithmetic3A_953 : vector<16xi32>
    %add3A_955 = arith.addi %mul3A_951, %shift_right_arithmetic3A_954 : vector<16xi32>
    %shift_left3A_956 = arith.constant 10 : i32
    %shift_left3A_957 = vector.broadcast %shift_left3A_956 : i32 to vector<16xi32>
    %shift_left3A_958 = arith.shli %add3A_955, %shift_left3A_957 : vector<16xi32>
    %and3A_959 = arith.constant 7 : i32
    %and3A_960 = vector.broadcast %and3A_959 : i32 to vector<16xi32>
    %and3A_961 = arith.andi %get3A_942, %and3A_960 : vector<16xi32>
    %shift_left3A_962 = arith.constant 7 : i32
    %shift_left3A_963 = vector.broadcast %shift_left3A_962 : i32 to vector<16xi32>
    %shift_left3A_964 = arith.shli %and3A_961, %shift_left3A_963 : vector<16xi32>
    %add3A_965 = arith.addi %shift_left3A_958, %shift_left3A_964 : vector<16xi32>
    %and3A_966 = arith.constant 127 : i32
    %and3A_967 = vector.broadcast %and3A_966 : i32 to vector<16xi32>
    %and3A_968 = arith.andi %get3A_945, %and3A_967 : vector<16xi32>
    %add3A_969 = arith.addi %add3A_965, %and3A_968 : vector<16xi32>
    %swap3A_970 = arith.constant 3 : i32
    %swap3A_971 = arith.index_cast %swap3A_970 : i32 to index
    %swap3A_972 = arith.constant 32 : index
    %swap3A_973 = tpu.vector_load %arg8[%swap3A_971, %swap3A_972] {strides = array<i32>} : memref<4x128xi32, #tpu.memory_space<vmem>>, vector<1x16xi32>,
    %swap3A_974 = vector.shape_cast %swap3A_973 : vector<1x16xi32> to vector<16xi32>
    %swap3A_975 = vector.shape_cast %add3A_969 : vector<16xi32> to vector<1x16xi32>
    tpu.vector_store %arg8[%swap3A_971, %swap3A_972], %swap3A_975 {strides = array<i32>} : memref<4x128xi32, #tpu.memory_space<vmem>>, vector<1x16xi32>,
    %get3A_976 = arith.constant 432 : index
    %get3A_977 = tpu.vector_load %arg6[%get3A_976] {strides = array<i32>} : memref<512xi32, #tpu.memory_space<vmem>>, vector<16xi32>,
    %get3A_978 = vector.shape_cast %get3A_977 : vector<16xi32> to vector<16xi32>
    %get3A_979 = arith.constant 432 : index
    %get3A_980 = tpu.vector_load %arg7[%get3A_979] {strides = array<i32>} : memref<512xi32, #tpu.memory_space<vmem>>, vector<16xi32>,
    %get3A_981 = vector.shape_cast %get3A_980 : vector<16xi32> to vector<16xi32>
    %shift_right_arithmetic3A_982 = arith.constant 3 : i32
    %shift_right_arithmetic3A_983 = vector.broadcast %shift_right_arithmetic3A_982 : i32 to vector<16xi32>
    %shift_right_arithmetic3A_984 = arith.shrsi %get3A_978, %shift_right_arithmetic3A_983 : vector<16xi32>
    %mul3A_985 = arith.constant 32 : i32
    %mul3A_986 = vector.broadcast %mul3A_985 : i32 to vector<16xi32>
    %mul3A_987 = arith.muli %shift_right_arithmetic3A_984, %mul3A_986 : vector<16xi32>
    %shift_right_arithmetic3A_988 = arith.constant 7 : i32
    %shift_right_arithmetic3A_989 = vector.broadcast %shift_right_arithmetic3A_988 : i32 to vector<16xi32>
    %shift_right_arithmetic3A_990 = arith.shrsi %get3A_981, %shift_right_arithmetic3A_989 : vector<16xi32>
    %add3A_991 = arith.addi %mul3A_987, %shift_right_arithmetic3A_990 : vector<16xi32>
    %shift_left3A_992 = arith.constant 10 : i32
    %shift_left3A_993 = vector.broadcast %shift_left3A_992 : i32 to vector<16xi32>
    %shift_left3A_994 = arith.shli %add3A_991, %shift_left3A_993 : vector<16xi32>
    %and3A_995 = arith.constant 7 : i32
    %and3A_996 = vector.broadcast %and3A_995 : i32 to vector<16xi32>
    %and3A_997 = arith.andi %get3A_978, %and3A_996 : vector<16xi32>
    %shift_left3A_998 = arith.constant 7 : i32
    %shift_left3A_999 = vector.broadcast %shift_left3A_998 : i32 to vector<16xi32>
    %shift_left3A_1000 = arith.shli %and3A_997, %shift_left3A_999 : vector<16xi32>
    %add3A_1001 = arith.addi %shift_left3A_994, %shift_left3A_1000 : vector<16xi32>
    %and3A_1002 = arith.constant 127 : i32
    %and3A_1003 = vector.broadcast %and3A_1002 : i32 to vector<16xi32>
    %and3A_1004 = arith.andi %get3A_981, %and3A_1003 : vector<16xi32>
    %add3A_1005 = arith.addi %add3A_1001, %and3A_1004 : vector<16xi32>
    %swap3A_1006 = arith.constant 3 : i32
    %swap3A_1007 = arith.index_cast %swap3A_1006 : i32 to index
    %swap3A_1008 = arith.constant 48 : index
    %swap3A_1009 = tpu.vector_load %arg8[%swap3A_1007, %swap3A_1008] {strides = array<i32>} : memref<4x128xi32, #tpu.memory_space<vmem>>, vector<1x16xi32>,
    %swap3A_1010 = vector.shape_cast %swap3A_1009 : vector<1x16xi32> to vector<16xi32>
    %swap3A_1011 = vector.shape_cast %add3A_1005 : vector<16xi32> to vector<1x16xi32>
    tpu.vector_store %arg8[%swap3A_1007, %swap3A_1008], %swap3A_1011 {strides = array<i32>} : memref<4x128xi32, #tpu.memory_space<vmem>>, vector<1x16xi32>,
    %get3A_1012 = arith.constant 448 : index
    %get3A_1013 = tpu.vector_load %arg6[%get3A_1012] {strides = array<i32>} : memref<512xi32, #tpu.memory_space<vmem>>, vector<16xi32>,
    %get3A_1014 = vector.shape_cast %get3A_1013 : vector<16xi32> to vector<16xi32>
    %get3A_1015 = arith.constant 448 : index
    %get3A_1016 = tpu.vector_load %arg7[%get3A_1015] {strides = array<i32>} : memref<512xi32, #tpu.memory_space<vmem>>, vector<16xi32>,
    %get3A_1017 = vector.shape_cast %get3A_1016 : vector<16xi32> to vector<16xi32>
    %shift_right_arithmetic3A_1018 = arith.constant 3 : i32
    %shift_right_arithmetic3A_1019 = vector.broadcast %shift_right_arithmetic3A_1018 : i32 to vector<16xi32>
    %shift_right_arithmetic3A_1020 = arith.shrsi %get3A_1014, %shift_right_arithmetic3A_1019 : vector<16xi32>
    %mul3A_1021 = arith.constant 32 : i32
    %mul3A_1022 = vector.broadcast %mul3A_1021 : i32 to vector<16xi32>
    %mul3A_1023 = arith.muli %shift_right_arithmetic3A_1020, %mul3A_1022 : vector<16xi32>
    %shift_right_arithmetic3A_1024 = arith.constant 7 : i32
    %shift_right_arithmetic3A_1025 = vector.broadcast %shift_right_arithmetic3A_1024 : i32 to vector<16xi32>
    %shift_right_arithmetic3A_1026 = arith.shrsi %get3A_1017, %shift_right_arithmetic3A_1025 : vector<16xi32>
    %add3A_1027 = arith.addi %mul3A_1023, %shift_right_arithmetic3A_1026 : vector<16xi32>
    %shift_left3A_1028 = arith.constant 10 : i32
    %shift_left3A_1029 = vector.broadcast %shift_left3A_1028 : i32 to vector<16xi32>
    %shift_left3A_1030 = arith.shli %add3A_1027, %shift_left3A_1029 : vector<16xi32>
    %and3A_1031 = arith.constant 7 : i32
    %and3A_1032 = vector.broadcast %and3A_1031 : i32 to vector<16xi32>
    %and3A_1033 = arith.andi %get3A_1014, %and3A_1032 : vector<16xi32>
    %shift_left3A_1034 = arith.constant 7 : i32
    %shift_left3A_1035 = vector.broadcast %shift_left3A_1034 : i32 to vector<16xi32>
    %shift_left3A_1036 = arith.shli %and3A_1033, %shift_left3A_1035 : vector<16xi32>
    %add3A_1037 = arith.addi %shift_left3A_1030, %shift_left3A_1036 : vector<16xi32>
    %and3A_1038 = arith.constant 127 : i32
    %and3A_1039 = vector.broadcast %and3A_1038 : i32 to vector<16xi32>
    %and3A_1040 = arith.andi %get3A_1017, %and3A_1039 : vector<16xi32>
    %add3A_1041 = arith.addi %add3A_1037, %and3A_1040 : vector<16xi32>
    %swap3A_1042 = arith.constant 3 : i32
    %swap3A_1043 = arith.index_cast %swap3A_1042 : i32 to index
    %swap3A_1044 = arith.constant 64 : index
    %swap3A_1045 = tpu.vector_load %arg8[%swap3A_1043, %swap3A_1044] {strides = array<i32>} : memref<4x128xi32, #tpu.memory_space<vmem>>, vector<1x16xi32>,
    %swap3A_1046 = vector.shape_cast %swap3A_1045 : vector<1x16xi32> to vector<16xi32>
    %swap3A_1047 = vector.shape_cast %add3A_1041 : vector<16xi32> to vector<1x16xi32>
    tpu.vector_store %arg8[%swap3A_1043, %swap3A_1044], %swap3A_1047 {strides = array<i32>} : memref<4x128xi32, #tpu.memory_space<vmem>>, vector<1x16xi32>,
    %get3A_1048 = arith.constant 464 : index
    %get3A_1049 = tpu.vector_load %arg6[%get3A_1048] {strides = array<i32>} : memref<512xi32, #tpu.memory_space<vmem>>, vector<16xi32>,
    %get3A_1050 = vector.shape_cast %get3A_1049 : vector<16xi32> to vector<16xi32>
    %get3A_1051 = arith.constant 464 : index
    %get3A_1052 = tpu.vector_load %arg7[%get3A_1051] {strides = array<i32>} : memref<512xi32, #tpu.memory_space<vmem>>, vector<16xi32>,
    %get3A_1053 = vector.shape_cast %get3A_1052 : vector<16xi32> to vector<16xi32>
    %shift_right_arithmetic3A_1054 = arith.constant 3 : i32
    %shift_right_arithmetic3A_1055 = vector.broadcast %shift_right_arithmetic3A_1054 : i32 to vector<16xi32>
    %shift_right_arithmetic3A_1056 = arith.shrsi %get3A_1050, %shift_right_arithmetic3A_1055 : vector<16xi32>
    %mul3A_1057 = arith.constant 32 : i32
    %mul3A_1058 = vector.broadcast %mul3A_1057 : i32 to vector<16xi32>
    %mul3A_1059 = arith.muli %shift_right_arithmetic3A_1056, %mul3A_1058 : vector<16xi32>
    %shift_right_arithmetic3A_1060 = arith.constant 7 : i32
    %shift_right_arithmetic3A_1061 = vector.broadcast %shift_right_arithmetic3A_1060 : i32 to vector<16xi32>
    %shift_right_arithmetic3A_1062 = arith.shrsi %get3A_1053, %shift_right_arithmetic3A_1061 : vector<16xi32>
    %add3A_1063 = arith.addi %mul3A_1059, %shift_right_arithmetic3A_1062 : vector<16xi32>
    %shift_left3A_1064 = arith.constant 10 : i32
    %shift_left3A_1065 = vector.broadcast %shift_left3A_1064 : i32 to vector<16xi32>
    %shift_left3A_1066 = arith.shli %add3A_1063, %shift_left3A_1065 : vector<16xi32>
    %and3A_1067 = arith.constant 7 : i32
    %and3A_1068 = vector.broadcast %and3A_1067 : i32 to vector<16xi32>
    %and3A_1069 = arith.andi %get3A_1050, %and3A_1068 : vector<16xi32>
    %shift_left3A_1070 = arith.constant 7 : i32
    %shift_left3A_1071 = vector.broadcast %shift_left3A_1070 : i32 to vector<16xi32>
    %shift_left3A_1072 = arith.shli %and3A_1069, %shift_left3A_1071 : vector<16xi32>
    %add3A_1073 = arith.addi %shift_left3A_1066, %shift_left3A_1072 : vector<16xi32>
    %and3A_1074 = arith.constant 127 : i32
    %and3A_1075 = vector.broadcast %and3A_1074 : i32 to vector<16xi32>
    %and3A_1076 = arith.andi %get3A_1053, %and3A_1075 : vector<16xi32>
    %add3A_1077 = arith.addi %add3A_1073, %and3A_1076 : vector<16xi32>
    %swap3A_1078 = arith.constant 3 : i32
    %swap3A_1079 = arith.index_cast %swap3A_1078 : i32 to index
    %swap3A_1080 = arith.constant 80 : index
    %swap3A_1081 = tpu.vector_load %arg8[%swap3A_1079, %swap3A_1080] {strides = array<i32>} : memref<4x128xi32, #tpu.memory_space<vmem>>, vector<1x16xi32>,
    %swap3A_1082 = vector.shape_cast %swap3A_1081 : vector<1x16xi32> to vector<16xi32>
    %swap3A_1083 = vector.shape_cast %add3A_1077 : vector<16xi32> to vector<1x16xi32>
    tpu.vector_store %arg8[%swap3A_1079, %swap3A_1080], %swap3A_1083 {strides = array<i32>} : memref<4x128xi32, #tpu.memory_space<vmem>>, vector<1x16xi32>,
    %get3A_1084 = arith.constant 480 : index
    %get3A_1085 = tpu.vector_load %arg6[%get3A_1084] {strides = array<i32>} : memref<512xi32, #tpu.memory_space<vmem>>, vector<16xi32>,
    %get3A_1086 = vector.shape_cast %get3A_1085 : vector<16xi32> to vector<16xi32>
    %get3A_1087 = arith.constant 480 : index
    %get3A_1088 = tpu.vector_load %arg7[%get3A_1087] {strides = array<i32>} : memref<512xi32, #tpu.memory_space<vmem>>, vector<16xi32>,
    %get3A_1089 = vector.shape_cast %get3A_1088 : vector<16xi32> to vector<16xi32>
    %shift_right_arithmetic3A_1090 = arith.constant 3 : i32
    %shift_right_arithmetic3A_1091 = vector.broadcast %shift_right_arithmetic3A_1090 : i32 to vector<16xi32>
    %shift_right_arithmetic3A_1092 = arith.shrsi %get3A_1086, %shift_right_arithmetic3A_1091 : vector<16xi32>
    %mul3A_1093 = arith.constant 32 : i32
    %mul3A_1094 = vector.broadcast %mul3A_1093 : i32 to vector<16xi32>
    %mul3A_1095 = arith.muli %shift_right_arithmetic3A_1092, %mul3A_1094 : vector<16xi32>
    %shift_right_arithmetic3A_1096 = arith.constant 7 : i32
    %shift_right_arithmetic3A_1097 = vector.broadcast %shift_right_arithmetic3A_1096 : i32 to vector<16xi32>
    %shift_right_arithmetic3A_1098 = arith.shrsi %get3A_1089, %shift_right_arithmetic3A_1097 : vector<16xi32>
    %add3A_1099 = arith.addi %mul3A_1095, %shift_right_arithmetic3A_1098 : vector<16xi32>
    %shift_left3A_1100 = arith.constant 10 : i32
    %shift_left3A_1101 = vector.broadcast %shift_left3A_1100 : i32 to vector<16xi32>
    %shift_left3A_1102 = arith.shli %add3A_1099, %shift_left3A_1101 : vector<16xi32>
    %and3A_1103 = arith.constant 7 : i32
    %and3A_1104 = vector.broadcast %and3A_1103 : i32 to vector<16xi32>
    %and3A_1105 = arith.andi %get3A_1086, %and3A_1104 : vector<16xi32>
    %shift_left3A_1106 = arith.constant 7 : i32
    %shift_left3A_1107 = vector.broadcast %shift_left3A_1106 : i32 to vector<16xi32>
    %shift_left3A_1108 = arith.shli %and3A_1105, %shift_left3A_1107 : vector<16xi32>
    %add3A_1109 = arith.addi %shift_left3A_1102, %shift_left3A_1108 : vector<16xi32>
    %and3A_1110 = arith.constant 127 : i32
    %and3A_1111 = vector.broadcast %and3A_1110 : i32 to vector<16xi32>
    %and3A_1112 = arith.andi %get3A_1089, %and3A_1111 : vector<16xi32>
    %add3A_1113 = arith.addi %add3A_1109, %and3A_1112 : vector<16xi32>
    %swap3A_1114 = arith.constant 3 : i32
    %swap3A_1115 = arith.index_cast %swap3A_1114 : i32 to index
    %swap3A_1116 = arith.constant 96 : index
    %swap3A_1117 = tpu.vector_load %arg8[%swap3A_1115, %swap3A_1116] {strides = array<i32>} : memref<4x128xi32, #tpu.memory_space<vmem>>, vector<1x16xi32>,
    %swap3A_1118 = vector.shape_cast %swap3A_1117 : vector<1x16xi32> to vector<16xi32>
    %swap3A_1119 = vector.shape_cast %add3A_1113 : vector<16xi32> to vector<1x16xi32>
    tpu.vector_store %arg8[%swap3A_1115, %swap3A_1116], %swap3A_1119 {strides = array<i32>} : memref<4x128xi32, #tpu.memory_space<vmem>>, vector<1x16xi32>,
    %get3A_1120 = arith.constant 496 : index
    %get3A_1121 = tpu.vector_load %arg6[%get3A_1120] {strides = array<i32>} : memref<512xi32, #tpu.memory_space<vmem>>, vector<16xi32>,
    %get3A_1122 = vector.shape_cast %get3A_1121 : vector<16xi32> to vector<16xi32>
    %get3A_1123 = arith.constant 496 : index
    %get3A_1124 = tpu.vector_load %arg7[%get3A_1123] {strides = array<i32>} : memref<512xi32, #tpu.memory_space<vmem>>, vector<16xi32>,
    %get3A_1125 = vector.shape_cast %get3A_1124 : vector<16xi32> to vector<16xi32>
    %shift_right_arithmetic3A_1126 = arith.constant 3 : i32
    %shift_right_arithmetic3A_1127 = vector.broadcast %shift_right_arithmetic3A_1126 : i32 to vector<16xi32>
    %shift_right_arithmetic3A_1128 = arith.shrsi %get3A_1122, %shift_right_arithmetic3A_1127 : vector<16xi32>
    %mul3A_1129 = arith.constant 32 : i32
    %mul3A_1130 = vector.broadcast %mul3A_1129 : i32 to vector<16xi32>
    %mul3A_1131 = arith.muli %shift_right_arithmetic3A_1128, %mul3A_1130 : vector<16xi32>
    %shift_right_arithmetic3A_1132 = arith.constant 7 : i32
    %shift_right_arithmetic3A_1133 = vector.broadcast %shift_right_arithmetic3A_1132 : i32 to vector<16xi32>
    %shift_right_arithmetic3A_1134 = arith.shrsi %get3A_1125, %shift_right_arithmetic3A_1133 : vector<16xi32>
    %add3A_1135 = arith.addi %mul3A_1131, %shift_right_arithmetic3A_1134 : vector<16xi32>
    %shift_left3A_1136 = arith.constant 10 : i32
    %shift_left3A_1137 = vector.broadcast %shift_left3A_1136 : i32 to vector<16xi32>
    %shift_left3A_1138 = arith.shli %add3A_1135, %shift_left3A_1137 : vector<16xi32>
    %and3A_1139 = arith.constant 7 : i32
    %and3A_1140 = vector.broadcast %and3A_1139 : i32 to vector<16xi32>
    %and3A_1141 = arith.andi %get3A_1122, %and3A_1140 : vector<16xi32>
    %shift_left3A_1142 = arith.constant 7 : i32
    %shift_left3A_1143 = vector.broadcast %shift_left3A_1142 : i32 to vector<16xi32>
    %shift_left3A_1144 = arith.shli %and3A_1141, %shift_left3A_1143 : vector<16xi32>
    %add3A_1145 = arith.addi %shift_left3A_1138, %shift_left3A_1144 : vector<16xi32>
    %and3A_1146 = arith.constant 127 : i32
    %and3A_1147 = vector.broadcast %and3A_1146 : i32 to vector<16xi32>
    %and3A_1148 = arith.andi %get3A_1125, %and3A_1147 : vector<16xi32>
    %add3A_1149 = arith.addi %add3A_1145, %and3A_1148 : vector<16xi32>
    %swap3A_1150 = arith.constant 3 : i32
    %swap3A_1151 = arith.index_cast %swap3A_1150 : i32 to index
    %swap3A_1152 = arith.constant 112 : index
    %swap3A_1153 = tpu.vector_load %arg8[%swap3A_1151, %swap3A_1152] {strides = array<i32>} : memref<4x128xi32, #tpu.memory_space<vmem>>, vector<1x16xi32>,
    %swap3A_1154 = vector.shape_cast %swap3A_1153 : vector<1x16xi32> to vector<16xi32>
    %swap3A_1155 = vector.shape_cast %add3A_1149 : vector<16xi32> to vector<1x16xi32>
    tpu.vector_store %arg8[%swap3A_1151, %swap3A_1152], %swap3A_1155 {strides = array<i32>} : memref<4x128xi32, #tpu.memory_space<vmem>>, vector<1x16xi32>,
    %dma_start3A_1156 = arith.constant 0 : i32
    %dma_start3A_1157 = arith.constant 0 : i32
    %dma_start3A_1158 = arith.constant 0 : i32
    %dma_start3A_1159 = tpu.memref_slice %arg9[%dma_start3A_1157, %dma_start3A_1158] : memref<4x128xf32, #tpu.memory_space<vmem>> -> memref<1x128xf32, #tpu.memory_space<vmem>>
    %dma_start3A_1160 = tpu.memref_squeeze %dma_start3A_1159 : memref<1x128xf32, #tpu.memory_space<vmem>> -> memref<128xf32, #tpu.memory_space<vmem>>
    %dma_start3A_1161 = arith.constant 0 : i32
    %dma_start3A_1162 = tpu.memref_slice %arg8[%dma_start3A_1156, %dma_start3A_1161] : memref<4x128xi32, #tpu.memory_space<vmem>> -> memref<1x128xi32, #tpu.memory_space<vmem>>
    %dma_start3A_1163 = tpu.memref_squeeze %dma_start3A_1162 : memref<1x128xi32, #tpu.memory_space<vmem>> -> memref<128xi32, #tpu.memory_space<vmem>>
    %dma_start3A_1164 = arith.constant 0 : i32
    %dma_start3A_1165 = tpu.memref_slice %arg4[%dma_start3A_1164] : memref<16777216xf32, #tpu.memory_space<hbm>> -> memref<16777216xf32, #tpu.memory_space<hbm>>
    tpu.enqueue_indirect_dma source(%dma_start3A_1165 : memref<16777216xf32, #tpu.memory_space<hbm>>) target(%dma_start3A_1160 : memref<128xf32, #tpu.memory_space<vmem>>) offsets(%dma_start3A_1163 : memref<128xi32, #tpu.memory_space<vmem>>) semaphore(%arg10 : memref<!tpu.dma_semaphore, #tpu.memory_space<semaphore_mem>>)
    %dma_start3A_1166 = arith.constant 1 : i32
    %dma_start3A_1167 = arith.constant 1 : i32
    %dma_start3A_1168 = arith.constant 0 : i32
    %dma_start3A_1169 = tpu.memref_slice %arg9[%dma_start3A_1167, %dma_start3A_1168] : memref<4x128xf32, #tpu.memory_space<vmem>> -> memref<1x128xf32, #tpu.memory_space<vmem>>
    %dma_start3A_1170 = tpu.memref_squeeze %dma_start3A_1169 : memref<1x128xf32, #tpu.memory_space<vmem>> -> memref<128xf32, #tpu.memory_space<vmem>>
    %dma_start3A_1171 = arith.constant 0 : i32
    %dma_start3A_1172 = tpu.memref_slice %arg8[%dma_start3A_1166, %dma_start3A_1171] : memref<4x128xi32, #tpu.memory_space<vmem>> -> memref<1x128xi32, #tpu.memory_space<vmem>>
    %dma_start3A_1173 = tpu.memref_squeeze %dma_start3A_1172 : memref<1x128xi32, #tpu.memory_space<vmem>> -> memref<128xi32, #tpu.memory_space<vmem>>
    %dma_start3A_1174 = arith.constant 0 : i32
    %dma_start3A_1175 = tpu.memref_slice %arg4[%dma_start3A_1174] : memref<16777216xf32, #tpu.memory_space<hbm>> -> memref<16777216xf32, #tpu.memory_space<hbm>>
    tpu.enqueue_indirect_dma source(%dma_start3A_1175 : memref<16777216xf32, #tpu.memory_space<hbm>>) target(%dma_start3A_1170 : memref<128xf32, #tpu.memory_space<vmem>>) offsets(%dma_start3A_1173 : memref<128xi32, #tpu.memory_space<vmem>>) semaphore(%arg10 : memref<!tpu.dma_semaphore, #tpu.memory_space<semaphore_mem>>)
    %dma_start3A_1176 = arith.constant 2 : i32
    %dma_start3A_1177 = arith.constant 2 : i32
    %dma_start3A_1178 = arith.constant 0 : i32
    %dma_start3A_1179 = tpu.memref_slice %arg9[%dma_start3A_1177, %dma_start3A_1178] : memref<4x128xf32, #tpu.memory_space<vmem>> -> memref<1x128xf32, #tpu.memory_space<vmem>>
    %dma_start3A_1180 = tpu.memref_squeeze %dma_start3A_1179 : memref<1x128xf32, #tpu.memory_space<vmem>> -> memref<128xf32, #tpu.memory_space<vmem>>
    %dma_start3A_1181 = arith.constant 0 : i32
    %dma_start3A_1182 = tpu.memref_slice %arg8[%dma_start3A_1176, %dma_start3A_1181] : memref<4x128xi32, #tpu.memory_space<vmem>> -> memref<1x128xi32, #tpu.memory_space<vmem>>
    %dma_start3A_1183 = tpu.memref_squeeze %dma_start3A_1182 : memref<1x128xi32, #tpu.memory_space<vmem>> -> memref<128xi32, #tpu.memory_space<vmem>>
    %dma_start3A_1184 = arith.constant 0 : i32
    %dma_start3A_1185 = tpu.memref_slice %arg4[%dma_start3A_1184] : memref<16777216xf32, #tpu.memory_space<hbm>> -> memref<16777216xf32, #tpu.memory_space<hbm>>
    tpu.enqueue_indirect_dma source(%dma_start3A_1185 : memref<16777216xf32, #tpu.memory_space<hbm>>) target(%dma_start3A_1180 : memref<128xf32, #tpu.memory_space<vmem>>) offsets(%dma_start3A_1183 : memref<128xi32, #tpu.memory_space<vmem>>) semaphore(%arg10 : memref<!tpu.dma_semaphore, #tpu.memory_space<semaphore_mem>>)
    %dma_start3A_1186 = arith.constant 3 : i32
    %dma_start3A_1187 = arith.constant 3 : i32
    %dma_start3A_1188 = arith.constant 0 : i32
    %dma_start3A_1189 = tpu.memref_slice %arg9[%dma_start3A_1187, %dma_start3A_1188] : memref<4x128xf32, #tpu.memory_space<vmem>> -> memref<1x128xf32, #tpu.memory_space<vmem>>
    %dma_start3A_1190 = tpu.memref_squeeze %dma_start3A_1189 : memref<1x128xf32, #tpu.memory_space<vmem>> -> memref<128xf32, #tpu.memory_space<vmem>>
    %dma_start3A_1191 = arith.constant 0 : i32
    %dma_start3A_1192 = tpu.memref_slice %arg8[%dma_start3A_1186, %dma_start3A_1191] : memref<4x128xi32, #tpu.memory_space<vmem>> -> memref<1x128xi32, #tpu.memory_space<vmem>>
    %dma_start3A_1193 = tpu.memref_squeeze %dma_start3A_1192 : memref<1x128xi32, #tpu.memory_space<vmem>> -> memref<128xi32, #tpu.memory_space<vmem>>
    %dma_start3A_1194 = arith.constant 0 : i32
    %dma_start3A_1195 = tpu.memref_slice %arg4[%dma_start3A_1194] : memref<16777216xf32, #tpu.memory_space<hbm>> -> memref<16777216xf32, #tpu.memory_space<hbm>>
    tpu.enqueue_indirect_dma source(%dma_start3A_1195 : memref<16777216xf32, #tpu.memory_space<hbm>>) target(%dma_start3A_1190 : memref<128xf32, #tpu.memory_space<vmem>>) offsets(%dma_start3A_1193 : memref<128xi32, #tpu.memory_space<vmem>>) semaphore(%arg10 : memref<!tpu.dma_semaphore, #tpu.memory_space<semaphore_mem>>)
    %dma_wait3A_1196 = arith.constant 0 : i32
    %dma_wait3A_1197 = arith.constant 0 : i32
    %dma_wait3A_1198 = arith.constant 0 : i32
    %dma_wait3A_1199 = tpu.memref_slice %arg9[%dma_wait3A_1197, %dma_wait3A_1198] : memref<4x128xf32, #tpu.memory_space<vmem>> -> memref<1x128xf32, #tpu.memory_space<vmem>>
    %dma_wait3A_1200 = tpu.memref_squeeze %dma_wait3A_1199 : memref<1x128xf32, #tpu.memory_space<vmem>> -> memref<128xf32, #tpu.memory_space<vmem>>
    %dma_wait3A_1201 = arith.constant 0 : i32
    %dma_wait3A_1202 = tpu.memref_slice %arg8[%dma_wait3A_1196, %dma_wait3A_1201] : memref<4x128xi32, #tpu.memory_space<vmem>> -> memref<1x128xi32, #tpu.memory_space<vmem>>
    %dma_wait3A_1203 = tpu.memref_squeeze %dma_wait3A_1202 : memref<1x128xi32, #tpu.memory_space<vmem>> -> memref<128xi32, #tpu.memory_space<vmem>>
    %dma_wait3A_1204 = arith.constant 0 : i32
    %dma_wait3A_1205 = tpu.memref_slice %arg4[%dma_wait3A_1204] : memref<16777216xf32, #tpu.memory_space<hbm>> -> memref<16777216xf32, #tpu.memory_space<hbm>>
    tpu.wait_indirect_dma semaphore(%arg10 : memref<!tpu.dma_semaphore, #tpu.memory_space<semaphore_mem>>) src(%dma_wait3A_1205 : memref<16777216xf32, #tpu.memory_space<hbm>>) dst(%dma_wait3A_1200 : memref<128xf32, #tpu.memory_space<vmem>>)
    %dma_wait3A_1206 = arith.constant 1 : i32
    %dma_wait3A_1207 = arith.constant 1 : i32
    %dma_wait3A_1208 = arith.constant 0 : i32
    %dma_wait3A_1209 = tpu.memref_slice %arg9[%dma_wait3A_1207, %dma_wait3A_1208] : memref<4x128xf32, #tpu.memory_space<vmem>> -> memref<1x128xf32, #tpu.memory_space<vmem>>
    %dma_wait3A_1210 = tpu.memref_squeeze %dma_wait3A_1209 : memref<1x128xf32, #tpu.memory_space<vmem>> -> memref<128xf32, #tpu.memory_space<vmem>>
    %dma_wait3A_1211 = arith.constant 0 : i32
    %dma_wait3A_1212 = tpu.memref_slice %arg8[%dma_wait3A_1206, %dma_wait3A_1211] : memref<4x128xi32, #tpu.memory_space<vmem>> -> memref<1x128xi32, #tpu.memory_space<vmem>>
    %dma_wait3A_1213 = tpu.memref_squeeze %dma_wait3A_1212 : memref<1x128xi32, #tpu.memory_space<vmem>> -> memref<128xi32, #tpu.memory_space<vmem>>
    %dma_wait3A_1214 = arith.constant 0 : i32
    %dma_wait3A_1215 = tpu.memref_slice %arg4[%dma_wait3A_1214] : memref<16777216xf32, #tpu.memory_space<hbm>> -> memref<16777216xf32, #tpu.memory_space<hbm>>
    tpu.wait_indirect_dma semaphore(%arg10 : memref<!tpu.dma_semaphore, #tpu.memory_space<semaphore_mem>>) src(%dma_wait3A_1215 : memref<16777216xf32, #tpu.memory_space<hbm>>) dst(%dma_wait3A_1210 : memref<128xf32, #tpu.memory_space<vmem>>)
    %dma_wait3A_1216 = arith.constant 2 : i32
    %dma_wait3A_1217 = arith.constant 2 : i32
    %dma_wait3A_1218 = arith.constant 0 : i32
    %dma_wait3A_1219 = tpu.memref_slice %arg9[%dma_wait3A_1217, %dma_wait3A_1218] : memref<4x128xf32, #tpu.memory_space<vmem>> -> memref<1x128xf32, #tpu.memory_space<vmem>>
    %dma_wait3A_1220 = tpu.memref_squeeze %dma_wait3A_1219 : memref<1x128xf32, #tpu.memory_space<vmem>> -> memref<128xf32, #tpu.memory_space<vmem>>
    %dma_wait3A_1221 = arith.constant 0 : i32
    %dma_wait3A_1222 = tpu.memref_slice %arg8[%dma_wait3A_1216, %dma_wait3A_1221] : memref<4x128xi32, #tpu.memory_space<vmem>> -> memref<1x128xi32, #tpu.memory_space<vmem>>
    %dma_wait3A_1223 = tpu.memref_squeeze %dma_wait3A_1222 : memref<1x128xi32, #tpu.memory_space<vmem>> -> memref<128xi32, #tpu.memory_space<vmem>>
    %dma_wait3A_1224 = arith.constant 0 : i32
    %dma_wait3A_1225 = tpu.memref_slice %arg4[%dma_wait3A_1224] : memref<16777216xf32, #tpu.memory_space<hbm>> -> memref<16777216xf32, #tpu.memory_space<hbm>>
    tpu.wait_indirect_dma semaphore(%arg10 : memref<!tpu.dma_semaphore, #tpu.memory_space<semaphore_mem>>) src(%dma_wait3A_1225 : memref<16777216xf32, #tpu.memory_space<hbm>>) dst(%dma_wait3A_1220 : memref<128xf32, #tpu.memory_space<vmem>>)
    %dma_wait3A_1226 = arith.constant 3 : i32
    %dma_wait3A_1227 = arith.constant 3 : i32
    %dma_wait3A_1228 = arith.constant 0 : i32
    %dma_wait3A_1229 = tpu.memref_slice %arg9[%dma_wait3A_1227, %dma_wait3A_1228] : memref<4x128xf32, #tpu.memory_space<vmem>> -> memref<1x128xf32, #tpu.memory_space<vmem>>
    %dma_wait3A_1230 = tpu.memref_squeeze %dma_wait3A_1229 : memref<1x128xf32, #tpu.memory_space<vmem>> -> memref<128xf32, #tpu.memory_space<vmem>>
    %dma_wait3A_1231 = arith.constant 0 : i32
    %dma_wait3A_1232 = tpu.memref_slice %arg8[%dma_wait3A_1226, %dma_wait3A_1231] : memref<4x128xi32, #tpu.memory_space<vmem>> -> memref<1x128xi32, #tpu.memory_space<vmem>>
    %dma_wait3A_1233 = tpu.memref_squeeze %dma_wait3A_1232 : memref<1x128xi32, #tpu.memory_space<vmem>> -> memref<128xi32, #tpu.memory_space<vmem>>
    %dma_wait3A_1234 = arith.constant 0 : i32
    %dma_wait3A_1235 = tpu.memref_slice %arg4[%dma_wait3A_1234] : memref<16777216xf32, #tpu.memory_space<hbm>> -> memref<16777216xf32, #tpu.memory_space<hbm>>
    tpu.wait_indirect_dma semaphore(%arg10 : memref<!tpu.dma_semaphore, #tpu.memory_space<semaphore_mem>>) src(%dma_wait3A_1235 : memref<16777216xf32, #tpu.memory_space<hbm>>) dst(%dma_wait3A_1230 : memref<128xf32, #tpu.memory_space<vmem>>)
    %add3A_1236 = arith.constant 0 : i32
    %add3A_1237 = arith.addi %mul3A_2, %add3A_1236 : i32
    %run_scoped3A = arith.constant 0 : i32
    "tpu.region"() ({
      %run_scoped3A_1247 = tpu.sem_alloc : memref<!tpu.dma_semaphore, #tpu.memory_space<semaphore_mem>>
      %dma_start3A_1248 = arith.constant 0 : i32
      %dma_start3A_1249 = tpu.memref_slice %arg9[%run_scoped3A, %dma_start3A_1248] : memref<4x128xf32, #tpu.memory_space<vmem>> -> memref<1x128xf32, #tpu.memory_space<vmem>>
      %dma_start3A_1250 = tpu.memref_squeeze %dma_start3A_1249 : memref<1x128xf32, #tpu.memory_space<vmem>> -> memref<128xf32, #tpu.memory_space<vmem>>
      %dma_start3A_1251 = tpu.memref_slice %arg5[%add3A_1237] : memref<16384xf32, #tpu.memory_space<hbm>> -> memref<128xf32, #tpu.memory_space<hbm>>
      %dma_start3A_1252 = tpu.memref_slice %arg5[%add3A_1237] : memref<16384xf32, #tpu.memory_space<hbm>> -> memref<128xf32, #tpu.memory_space<hbm>>
      %dma_start3A_1253 = arith.constant 0 : i32
      %dma_start3A_1254 = tpu.memref_slice %arg9[%run_scoped3A, %dma_start3A_1253] : memref<4x128xf32, #tpu.memory_space<vmem>> -> memref<1x128xf32, #tpu.memory_space<vmem>>
      %dma_start3A_1255 = tpu.memref_squeeze %dma_start3A_1254 : memref<1x128xf32, #tpu.memory_space<vmem>> -> memref<128xf32, #tpu.memory_space<vmem>>
      tpu.enqueue_dma source(%dma_start3A_1255 : memref<128xf32, #tpu.memory_space<vmem>>) target(%dma_start3A_1252 : memref<128xf32, #tpu.memory_space<hbm>>) target_semaphore(%run_scoped3A_1247 : memref<!tpu.dma_semaphore, #tpu.memory_space<semaphore_mem>>)
      %dma_wait3A_1256 = arith.constant 0 : i32
      %dma_wait3A_1257 = tpu.memref_slice %arg9[%run_scoped3A, %dma_wait3A_1256] : memref<4x128xf32, #tpu.memory_space<vmem>> -> memref<1x128xf32, #tpu.memory_space<vmem>>
      %dma_wait3A_1258 = tpu.memref_squeeze %dma_wait3A_1257 : memref<1x128xf32, #tpu.memory_space<vmem>> -> memref<128xf32, #tpu.memory_space<vmem>>
      %dma_wait3A_1259 = tpu.memref_slice %arg5[%add3A_1237] : memref<16384xf32, #tpu.memory_space<hbm>> -> memref<128xf32, #tpu.memory_space<hbm>>
      %dma_wait3A_1260 = tpu.memref_slice %arg5[%add3A_1237] : memref<16384xf32, #tpu.memory_space<hbm>> -> memref<128xf32, #tpu.memory_space<hbm>>
      %dma_wait3A_1261 = arith.constant 0 : i32
      %dma_wait3A_1262 = tpu.memref_slice %arg9[%run_scoped3A, %dma_wait3A_1261] : memref<4x128xf32, #tpu.memory_space<vmem>> -> memref<1x128xf32, #tpu.memory_space<vmem>>
      %dma_wait3A_1263 = tpu.memref_squeeze %dma_wait3A_1262 : memref<1x128xf32, #tpu.memory_space<vmem>> -> memref<128xf32, #tpu.memory_space<vmem>>
      tpu.wait_dma2 semaphore(%run_scoped3A_1247 : memref<!tpu.dma_semaphore, #tpu.memory_space<semaphore_mem>>) src(%dma_wait3A_1263 : memref<128xf32, #tpu.memory_space<vmem>>) dst(%dma_wait3A_1260 : memref<128xf32, #tpu.memory_space<hbm>>)
      tpu.yield
    }) : () -> ()
    %add3A_1238 = arith.constant 128 : i32
    %add3A_1239 = arith.addi %mul3A_2, %add3A_1238 : i32
    %run_scoped3A_1240 = arith.constant 1 : i32
    "tpu.region"() ({
      %run_scoped3A_1247 = tpu.sem_alloc : memref<!tpu.dma_semaphore, #tpu.memory_space<semaphore_mem>>
      %dma_start3A_1248 = arith.constant 0 : i32
      %dma_start3A_1249 = tpu.memref_slice %arg9[%run_scoped3A_1240, %dma_start3A_1248] : memref<4x128xf32, #tpu.memory_space<vmem>> -> memref<1x128xf32, #tpu.memory_space<vmem>>
      %dma_start3A_1250 = tpu.memref_squeeze %dma_start3A_1249 : memref<1x128xf32, #tpu.memory_space<vmem>> -> memref<128xf32, #tpu.memory_space<vmem>>
      %dma_start3A_1251 = tpu.memref_slice %arg5[%add3A_1239] : memref<16384xf32, #tpu.memory_space<hbm>> -> memref<128xf32, #tpu.memory_space<hbm>>
      %dma_start3A_1252 = tpu.memref_slice %arg5[%add3A_1239] : memref<16384xf32, #tpu.memory_space<hbm>> -> memref<128xf32, #tpu.memory_space<hbm>>
      %dma_start3A_1253 = arith.constant 0 : i32
      %dma_start3A_1254 = tpu.memref_slice %arg9[%run_scoped3A_1240, %dma_start3A_1253] : memref<4x128xf32, #tpu.memory_space<vmem>> -> memref<1x128xf32, #tpu.memory_space<vmem>>
      %dma_start3A_1255 = tpu.memref_squeeze %dma_start3A_1254 : memref<1x128xf32, #tpu.memory_space<vmem>> -> memref<128xf32, #tpu.memory_space<vmem>>
      tpu.enqueue_dma source(%dma_start3A_1255 : memref<128xf32, #tpu.memory_space<vmem>>) target(%dma_start3A_1252 : memref<128xf32, #tpu.memory_space<hbm>>) target_semaphore(%run_scoped3A_1247 : memref<!tpu.dma_semaphore, #tpu.memory_space<semaphore_mem>>)
      %dma_wait3A_1256 = arith.constant 0 : i32
      %dma_wait3A_1257 = tpu.memref_slice %arg9[%run_scoped3A_1240, %dma_wait3A_1256] : memref<4x128xf32, #tpu.memory_space<vmem>> -> memref<1x128xf32, #tpu.memory_space<vmem>>
      %dma_wait3A_1258 = tpu.memref_squeeze %dma_wait3A_1257 : memref<1x128xf32, #tpu.memory_space<vmem>> -> memref<128xf32, #tpu.memory_space<vmem>>
      %dma_wait3A_1259 = tpu.memref_slice %arg5[%add3A_1239] : memref<16384xf32, #tpu.memory_space<hbm>> -> memref<128xf32, #tpu.memory_space<hbm>>
      %dma_wait3A_1260 = tpu.memref_slice %arg5[%add3A_1239] : memref<16384xf32, #tpu.memory_space<hbm>> -> memref<128xf32, #tpu.memory_space<hbm>>
      %dma_wait3A_1261 = arith.constant 0 : i32
      %dma_wait3A_1262 = tpu.memref_slice %arg9[%run_scoped3A_1240, %dma_wait3A_1261] : memref<4x128xf32, #tpu.memory_space<vmem>> -> memref<1x128xf32, #tpu.memory_space<vmem>>
      %dma_wait3A_1263 = tpu.memref_squeeze %dma_wait3A_1262 : memref<1x128xf32, #tpu.memory_space<vmem>> -> memref<128xf32, #tpu.memory_space<vmem>>
      tpu.wait_dma2 semaphore(%run_scoped3A_1247 : memref<!tpu.dma_semaphore, #tpu.memory_space<semaphore_mem>>) src(%dma_wait3A_1263 : memref<128xf32, #tpu.memory_space<vmem>>) dst(%dma_wait3A_1260 : memref<128xf32, #tpu.memory_space<hbm>>)
      tpu.yield
    }) : () -> ()
    %add3A_1241 = arith.constant 256 : i32
    %add3A_1242 = arith.addi %mul3A_2, %add3A_1241 : i32
    %run_scoped3A_1243 = arith.constant 2 : i32
    "tpu.region"() ({
      %run_scoped3A_1247 = tpu.sem_alloc : memref<!tpu.dma_semaphore, #tpu.memory_space<semaphore_mem>>
      %dma_start3A_1248 = arith.constant 0 : i32
      %dma_start3A_1249 = tpu.memref_slice %arg9[%run_scoped3A_1243, %dma_start3A_1248] : memref<4x128xf32, #tpu.memory_space<vmem>> -> memref<1x128xf32, #tpu.memory_space<vmem>>
      %dma_start3A_1250 = tpu.memref_squeeze %dma_start3A_1249 : memref<1x128xf32, #tpu.memory_space<vmem>> -> memref<128xf32, #tpu.memory_space<vmem>>
      %dma_start3A_1251 = tpu.memref_slice %arg5[%add3A_1242] : memref<16384xf32, #tpu.memory_space<hbm>> -> memref<128xf32, #tpu.memory_space<hbm>>
      %dma_start3A_1252 = tpu.memref_slice %arg5[%add3A_1242] : memref<16384xf32, #tpu.memory_space<hbm>> -> memref<128xf32, #tpu.memory_space<hbm>>
      %dma_start3A_1253 = arith.constant 0 : i32
      %dma_start3A_1254 = tpu.memref_slice %arg9[%run_scoped3A_1243, %dma_start3A_1253] : memref<4x128xf32, #tpu.memory_space<vmem>> -> memref<1x128xf32, #tpu.memory_space<vmem>>
      %dma_start3A_1255 = tpu.memref_squeeze %dma_start3A_1254 : memref<1x128xf32, #tpu.memory_space<vmem>> -> memref<128xf32, #tpu.memory_space<vmem>>
      tpu.enqueue_dma source(%dma_start3A_1255 : memref<128xf32, #tpu.memory_space<vmem>>) target(%dma_start3A_1252 : memref<128xf32, #tpu.memory_space<hbm>>) target_semaphore(%run_scoped3A_1247 : memref<!tpu.dma_semaphore, #tpu.memory_space<semaphore_mem>>)
      %dma_wait3A_1256 = arith.constant 0 : i32
      %dma_wait3A_1257 = tpu.memref_slice %arg9[%run_scoped3A_1243, %dma_wait3A_1256] : memref<4x128xf32, #tpu.memory_space<vmem>> -> memref<1x128xf32, #tpu.memory_space<vmem>>
      %dma_wait3A_1258 = tpu.memref_squeeze %dma_wait3A_1257 : memref<1x128xf32, #tpu.memory_space<vmem>> -> memref<128xf32, #tpu.memory_space<vmem>>
      %dma_wait3A_1259 = tpu.memref_slice %arg5[%add3A_1242] : memref<16384xf32, #tpu.memory_space<hbm>> -> memref<128xf32, #tpu.memory_space<hbm>>
      %dma_wait3A_1260 = tpu.memref_slice %arg5[%add3A_1242] : memref<16384xf32, #tpu.memory_space<hbm>> -> memref<128xf32, #tpu.memory_space<hbm>>
      %dma_wait3A_1261 = arith.constant 0 : i32
      %dma_wait3A_1262 = tpu.memref_slice %arg9[%run_scoped3A_1243, %dma_wait3A_1261] : memref<4x128xf32, #tpu.memory_space<vmem>> -> memref<1x128xf32, #tpu.memory_space<vmem>>
      %dma_wait3A_1263 = tpu.memref_squeeze %dma_wait3A_1262 : memref<1x128xf32, #tpu.memory_space<vmem>> -> memref<128xf32, #tpu.memory_space<vmem>>
      tpu.wait_dma2 semaphore(%run_scoped3A_1247 : memref<!tpu.dma_semaphore, #tpu.memory_space<semaphore_mem>>) src(%dma_wait3A_1263 : memref<128xf32, #tpu.memory_space<vmem>>) dst(%dma_wait3A_1260 : memref<128xf32, #tpu.memory_space<hbm>>)
      tpu.yield
    }) : () -> ()
    %add3A_1244 = arith.constant 384 : i32
    %add3A_1245 = arith.addi %mul3A_2, %add3A_1244 : i32
    %run_scoped3A_1246 = arith.constant 3 : i32
    "tpu.region"() ({
      %run_scoped3A_1247 = tpu.sem_alloc : memref<!tpu.dma_semaphore, #tpu.memory_space<semaphore_mem>>
      %dma_start3A_1248 = arith.constant 0 : i32
      %dma_start3A_1249 = tpu.memref_slice %arg9[%run_scoped3A_1246, %dma_start3A_1248] : memref<4x128xf32, #tpu.memory_space<vmem>> -> memref<1x128xf32, #tpu.memory_space<vmem>>
      %dma_start3A_1250 = tpu.memref_squeeze %dma_start3A_1249 : memref<1x128xf32, #tpu.memory_space<vmem>> -> memref<128xf32, #tpu.memory_space<vmem>>
      %dma_start3A_1251 = tpu.memref_slice %arg5[%add3A_1245] : memref<16384xf32, #tpu.memory_space<hbm>> -> memref<128xf32, #tpu.memory_space<hbm>>
      %dma_start3A_1252 = tpu.memref_slice %arg5[%add3A_1245] : memref<16384xf32, #tpu.memory_space<hbm>> -> memref<128xf32, #tpu.memory_space<hbm>>
      %dma_start3A_1253 = arith.constant 0 : i32
      %dma_start3A_1254 = tpu.memref_slice %arg9[%run_scoped3A_1246, %dma_start3A_1253] : memref<4x128xf32, #tpu.memory_space<vmem>> -> memref<1x128xf32, #tpu.memory_space<vmem>>
      %dma_start3A_1255 = tpu.memref_squeeze %dma_start3A_1254 : memref<1x128xf32, #tpu.memory_space<vmem>> -> memref<128xf32, #tpu.memory_space<vmem>>
      tpu.enqueue_dma source(%dma_start3A_1255 : memref<128xf32, #tpu.memory_space<vmem>>) target(%dma_start3A_1252 : memref<128xf32, #tpu.memory_space<hbm>>) target_semaphore(%run_scoped3A_1247 : memref<!tpu.dma_semaphore, #tpu.memory_space<semaphore_mem>>)
      %dma_wait3A_1256 = arith.constant 0 : i32
      %dma_wait3A_1257 = tpu.memref_slice %arg9[%run_scoped3A_1246, %dma_wait3A_1256] : memref<4x128xf32, #tpu.memory_space<vmem>> -> memref<1x128xf32, #tpu.memory_space<vmem>>
      %dma_wait3A_1258 = tpu.memref_squeeze %dma_wait3A_1257 : memref<1x128xf32, #tpu.memory_space<vmem>> -> memref<128xf32, #tpu.memory_space<vmem>>
      %dma_wait3A_1259 = tpu.memref_slice %arg5[%add3A_1245] : memref<16384xf32, #tpu.memory_space<hbm>> -> memref<128xf32, #tpu.memory_space<hbm>>
      %dma_wait3A_1260 = tpu.memref_slice %arg5[%add3A_1245] : memref<16384xf32, #tpu.memory_space<hbm>> -> memref<128xf32, #tpu.memory_space<hbm>>
      %dma_wait3A_1261 = arith.constant 0 : i32
      %dma_wait3A_1262 = tpu.memref_slice %arg9[%run_scoped3A_1246, %dma_wait3A_1261] : memref<4x128xf32, #tpu.memory_space<vmem>> -> memref<1x128xf32, #tpu.memory_space<vmem>>
      %dma_wait3A_1263 = tpu.memref_squeeze %dma_wait3A_1262 : memref<1x128xf32, #tpu.memory_space<vmem>> -> memref<128xf32, #tpu.memory_space<vmem>>
      tpu.wait_dma2 semaphore(%run_scoped3A_1247 : memref<!tpu.dma_semaphore, #tpu.memory_space<semaphore_mem>>) src(%dma_wait3A_1263 : memref<128xf32, #tpu.memory_space<vmem>>) dst(%dma_wait3A_1260 : memref<128xf32, #tpu.memory_space<hbm>>)
      tpu.yield
    }) : () -> ()
    return
  }
}

module attributes {stable_mosaic.version = 14 : i64} {
  func.func @_colstats_body(%arg0: i32, %arg1: memref<512x4096xf32, #tpu.memory_space<vmem>>, %arg2: memref<1x4096xf32, #tpu.memory_space<vmem>>, %arg3: memref<8x4096xf32, #tpu.memory_space<vmem>>, %arg4: memref<8x4096xf32, #tpu.memory_space<vmem>>) attributes {dimension_semantics = [#tpu.dimension_semantics<parallel>], iteration_bounds = array<i64: 8>, scalar_prefetch = 0 : i64, scratch_operands = 2 : i64, tpu.core_type = #tpu.core_type<tc>, window_params = [{transform_indices = @transform_0, window_bounds = array<i64: 512, 4096>}, {pipeline_mode = #tpu.pipeline_mode<synchronous>, transform_indices = @transform_1, window_bounds = array<i64: 1, 4096>}]} {
    %get3A = arith.constant 0 : index
    %get3A_0 = arith.constant 0 : index
    %get3A_1 = vector.load %arg1[%get3A, %get3A_0] : memref<512x4096xf32, #tpu.memory_space<vmem>>, vector<512x4096xf32>
    %reduce_max3A = arith.constant dense<0xFF800000> : vector<4096xf32>
    %reduce_max3A_2 = vector.multi_reduction <maximumf>, %get3A_1, %reduce_max3A [0] : vector<512x4096xf32> to vector<4096xf32>
    %broadcast_in_dim3A = vector.shape_cast %reduce_max3A_2 : vector<4096xf32> to vector<1x4096xf32>
    %ne3A = arith.constant 0.000000e+00 : f32
    %ne3A_3 = vector.broadcast %ne3A : f32 to vector<512x4096xf32>
    %ne3A_4 = arith.cmpf one, %get3A_1, %ne3A_3 : vector<512x4096xf32>
    %sub3A = vector.broadcast %broadcast_in_dim3A : vector<1x4096xf32> to vector<512x4096xf32>
    %sub3A_5 = arith.subf %get3A_1, %sub3A : vector<512x4096xf32>
    %exp3A = math.exp %sub3A_5 : vector<512x4096xf32>
    %jit3A = arith.constant 0.000000e+00 : f32
    %broadcast_in_dim3A_6 = vector.broadcast %jit3A : f32 to vector<512x4096xf32>
    %select_n3A = arith.select %ne3A_4, %exp3A, %broadcast_in_dim3A_6 : vector<512x4096xi1>, vector<512x4096xf32>
    %reduce_sum3A = arith.constant dense<0.000000e+00> : vector<4096xf32>
    %reduce_sum3A_7 = vector.multi_reduction <add>, %select_n3A, %reduce_sum3A [0] : vector<512x4096xf32> to vector<4096xf32>
    %broadcast_in_dim3A_8 = vector.shape_cast %reduce_sum3A_7 : vector<4096xf32> to vector<1x4096xf32>
    %swap3A = arith.index_cast %arg0 : i32 to index
    %swap3A_9 = arith.constant 0 : index
    %swap3A_10 = vector.load %arg3[%swap3A, %swap3A_9] : memref<8x4096xf32, #tpu.memory_space<vmem>>, vector<1x4096xf32>
    tpu.vector_store %arg3[%swap3A, %swap3A_9], %broadcast_in_dim3A {strides = array<i32>} : memref<8x4096xf32, #tpu.memory_space<vmem>>, vector<1x4096xf32>,
    %swap3A_11 = arith.index_cast %arg0 : i32 to index
    %swap3A_12 = arith.constant 0 : index
    %swap3A_13 = vector.load %arg4[%swap3A_11, %swap3A_12] : memref<8x4096xf32, #tpu.memory_space<vmem>>, vector<1x4096xf32>
    tpu.vector_store %arg4[%swap3A_11, %swap3A_12], %broadcast_in_dim3A_8 {strides = array<i32>} : memref<8x4096xf32, #tpu.memory_space<vmem>>, vector<1x4096xf32>,
    %eq3A = arith.constant 7 : i32
    %eq3A_14 = arith.cmpi eq, %arg0, %eq3A : i32
    %convert_element_type3A = arith.extui %eq3A_14 : i1 to i32
    %cond3A = arith.constant 0 : i32
    %cond3A_15 = arith.cmpi ne, %convert_element_type3A, %cond3A : i32
    scf.if %cond3A_15 {
      %get3A_16 = arith.constant 0 : index
      %get3A_17 = arith.constant 0 : index
      %get3A_18 = vector.load %arg3[%get3A_16, %get3A_17] : memref<8x4096xf32, #tpu.memory_space<vmem>>, vector<8x4096xf32>
      %get3A_19 = arith.constant 0 : index
      %get3A_20 = arith.constant 0 : index
      %get3A_21 = vector.load %arg4[%get3A_19, %get3A_20] : memref<8x4096xf32, #tpu.memory_space<vmem>>, vector<8x4096xf32>
      %reduce_max3A_22 = arith.constant dense<0xFF800000> : vector<4096xf32>
      %reduce_max3A_23 = vector.multi_reduction <maximumf>, %get3A_18, %reduce_max3A_22 [0] : vector<8x4096xf32> to vector<4096xf32>
      %broadcast_in_dim3A_24 = vector.shape_cast %reduce_max3A_23 : vector<4096xf32> to vector<1x4096xf32>
      %sub3A_25 = vector.broadcast %broadcast_in_dim3A_24 : vector<1x4096xf32> to vector<8x4096xf32>
      %sub3A_26 = arith.subf %get3A_18, %sub3A_25 : vector<8x4096xf32>
      %exp3A_27 = math.exp %sub3A_26 : vector<8x4096xf32>
      %mul3A = arith.mulf %get3A_21, %exp3A_27 : vector<8x4096xf32>
      %reduce_sum3A_28 = arith.constant dense<0.000000e+00> : vector<4096xf32>
      %reduce_sum3A_29 = vector.multi_reduction <add>, %mul3A, %reduce_sum3A_28 [0] : vector<8x4096xf32> to vector<4096xf32>
      %broadcast_in_dim3A_30 = vector.shape_cast %reduce_sum3A_29 : vector<4096xf32> to vector<1x4096xf32>
      %log3A = math.log %broadcast_in_dim3A_30 : vector<1x4096xf32>
      %add3A = arith.addf %broadcast_in_dim3A_24, %log3A : vector<1x4096xf32>
      %swap3A_31 = arith.constant 0 : index
      %swap3A_32 = arith.constant 0 : index
      %swap3A_33 = vector.load %arg2[%swap3A_31, %swap3A_32] : memref<1x4096xf32, #tpu.memory_space<vmem>>, vector<1x4096xf32>
      tpu.vector_store %arg2[%swap3A_31, %swap3A_32], %add3A {strides = array<i32>} : memref<1x4096xf32, #tpu.memory_space<vmem>>, vector<1x4096xf32>,
    } else {
    }
    return
  }
  func.func @transform_0(%arg0: i32) -> (i32, i32) {
    %c0_i32 = arith.constant 0 : i32
    %c0_i32_0 = arith.constant 0 : i32
    return %arg0, %c0_i32 : i32, i32
  }
  func.func @transform_1(%arg0: i32) -> (i32, i32) {
    %c0_i32 = arith.constant 0 : i32
    %c0_i32_0 = arith.constant 0 : i32
    %c0_i32_1 = arith.constant 0 : i32
    return %c0_i32, %c0_i32_0 : i32, i32
  }
}

</mosaic_0001>

<sc_bundles>
// kernel: kernel.5.cloned.1.call-start
scs
__scs_entry_jumppad:
0x0: {  	(pc) =	sbr.rel $0x88, $3  }
0x1: {  	(tag) =	ssettag $0x0;
	lr =	simm.s32 $0x1  }
0x2: {  	[smem:$0x3F9E] =	sst lr;
	_ =	strace $0xD0000000  }
0x3: {  	_ = 	snop  }
0x4: {  	_ = 	snop  }
0x5: {  	_ = 	snop  }
0x6: {  	_ = 	snop  }
0x7: {  	_ = 	snop  }
__scs_overlays_trampoline_lowered:
0x8: {  	[smem:$0x3FAD] =	sst s0  }
0x9: {  	[smem:$0x3FAE] =	sst s1  }
0xa: {  	[smem:$0x3FAF] =	sst s2  }
0xb: {  	[smem:$0x3FB0] =	sst s3  }
0xc: {  	[smem:$0x3FB1] =	sst s4  }
0xd: {  	[smem:$0x3FB2] =	sst s5  }
0xe: {  	[smem:$0x3FB3] =	sst s6  }
0xf: {  	[smem:$0x3FB4] =	sst s7  }
0x10: {  	[smem:$0x3FB5] =	sst s8  }
0x11: {  	[smem:$0x3FB6] =	sst s9;
	s0 =	simm.s32 @!p0 $0x0  }
0x12: {  	s1 =	sld [smem:$0x3F9C];
	s0 =	simm.s32 @p0 $0x1  }
0x13: {  	[smem:$0x3FB7] =	sst s0;
	s0 =	simm.s32 @!p1 $0x0  }
0x14: {  	s2 =	sld [smem:$0x3F9B];
	s0 =	simm.s32 @p1 $0x1  }
0x15: {  	[smem:$0x3FB8] =	sst s0;
	s0 =	simm.s32 @!p2 $0x0  }
0x16: {  	s3 =	sld [smem:$0x3FDB];
	s0 =	simm.s32 @p2 $0x1  }
0x17: {  	s4 =	simm.s32 $0x1BF5;
	[smem:$0x3FBA] =	sst s0  }
0x18: {  	s0 =	sld [smem:$0x3F9D];
	_ =	swait.ge [sflag:s4], $0x0  }
0x19: {  	s7 =	sld [smem:$0x3F9E]  }
0x1a: {  	s8 =	sadd.s32 $0xFFFFE003, lr  }
0x1b: {  	s9 =	sadd.s32 $0xFFFFFEF7, lr;
	s5 =	simm.s32 $0xFFFFFFFF;
	p2 =	slt.u32 s8, $0xFFFFF086  }
0x1c: {  	p1 =	slt.u32 s9, $0xF7A;
	s5 =	simm.s32 @!p2 $0x0  }
0x1d: {  	s5 =	simm.s32 @p1 $0x1;
	p0 =	seq.s32 s7, s2  }
0x1e: {  	s7 =	smul.u32 @!p0 $0xF7A, s2;
	p2 =	seq.s32 @!p0 s5, $0x0  }
0x1f: {  	s9 =	smul.u32 $0xF7A, s1;
	s8 =	simm.s32 @!p0 $0x1BF5;
	p2 =	por !p2, p0  }
0x20: {  	[sflag:s8] =	ssyncset.s32 @!p0 $0xFFFFF086;
	s6 =	sadd.s32 @!p0 s3, s7;
	s7 =	simm.s32 @!p0 $0x108  }
0x21: {  	s3 =	sadd.s32 s3, s9;
	s6 =	sadd.s32 @!p0 $0x88, s6;
	s7 =	simm.s32 @p2 $0x1082  }
0x22: {  	[simem:s7], [sflag:s8] =	dma.local @!p0 [hbm:s6], $0xF7A  }
0x23: {  	s9 =	sor.u32 $0xD0000000, s2;
	s6 =	simm.s32 $0x108;
	_ =	swait.ge @!p0 [sflag:s8], $0x0  }
0x24: {  	s3 =	sadd.s32 $0x88, s3;
	s6 =	simm.s32 @!p1 $0x1082;
	[sflag:s4] =	ssyncset.s32 $0xFFFFF086  }
0x25: {  	[simem:s6], [sflag:s4] =	dma.local [hbm:s3], $0xF7A  }
0x26: {  	[smem:$0x3F9E] =	sst s1;
	(tag) =	ssettag s2;
	_ =	strace s9  }
0x27: {  	s1 =	sld [smem:$0x3FAE]  }
0x28: {  	s2 =	sld [smem:$0x3FAF]  }
0x29: {  	s4 =	sld [smem:$0x3FB1]  }
0x2a: {  	p0 =	seq.s32 s5, $0x0;
	s5 =	sld [smem:$0x3FB2]  }
0x2b: {  	s6 =	sld [smem:$0x3FB3]  }
0x2c: {  	s7 =	sld [smem:$0x3FB4]  }
0x2d: {  	s3 =	simm.s32 $0x108;
	s8 =	sld [smem:$0x3FB5]  }
0x2e: {  	s3 =	simm.s32 @!p0 $0x1082;
	s9 =	sld [smem:$0x3FB6]  }
0x2f: {  	lr =	sadd.s32 s0, s3;
	s0 =	sld [smem:$0x3FAD]  }
0x30: {  	s3 =	sld [smem:$0x3FB0]  }
0x31: {  	[smem:$0x3FB9] =	sst s10  }
0x32: {  	s10 =	sld [smem:$0x3FB7];
	_ =	sdelay $0x3  }
0x33: {  	p0 =	seq.s32 s10, $0x1;
	s10 =	sld [smem:$0x3FB9];
	_ =	sdelay $0x3  }
0x34: {  	[smem:$0x3FB9] =	sst s10  }
0x35: {  	s10 =	sld [smem:$0x3FB8];
	_ =	sdelay $0x3  }
0x36: {  	p1 =	seq.s32 s10, $0x1;
	s10 =	sld [smem:$0x3FB9];
	_ =	sdelay $0x3  }
0x37: {  	[smem:$0x3FB9] =	sst s10  }
0x38: {  	s10 =	sld [smem:$0x3FBA]  }
0x39: {  	_ = 	snop;
	(pc) =	sbr.ind lr, $3  }
0x3a: {  	_ = 	snop  }
0x3b: {  	_ = 	snop  }
0x3c: {  	p2 =	seq.s32 s10, $0x1;
	s10 =	sld [smem:$0x3FB9]  }
0x3d: {  	_ =	shalt  }
0x3e: {  	_ =	shalt  }
0x3f: {  	_ =	shalt  }
0x40: {  	_ =	shalt  }
0x41: {  	_ =	shalt  }
0x42: {  	_ =	shalt  }
0x43: {  	_ =	shalt  }
0x44: {  	_ =	shalt  }
0x45: {  	_ =	shalt  }
0x46: {  	_ =	shalt  }
0x47: {  	_ =	shalt  }
0x48: {  	_ =	shalt  }
0x49: {  	_ =	shalt  }
0x4a: {  	_ =	shalt  }
0x4b: {  	_ =	shalt  }
0x4c: {  	_ =	shalt  }
0x4d: {  	_ =	shalt  }
0x4e: {  	_ =	shalt  }
0x4f: {  	_ =	shalt  }
0x50: {  	_ =	shalt  }
0x51: {  	_ =	shalt  }
0x52: {  	_ =	shalt  }
0x53: {  	_ =	shalt  }
0x54: {  	_ =	shalt  }
0x55: {  	_ =	shalt  }
0x56: {  	_ =	shalt  }
0x57: {  	_ =	shalt  }
0x58: {  	_ =	shalt  }
0x59: {  	_ =	shalt  }
0x5a: {  	_ =	shalt  }
0x5b: {  	_ =	shalt  }
0x5c: {  	_ =	shalt  }
0x5d: {  	_ =	shalt  }
0x5e: {  	_ =	shalt  }
0x5f: {  	_ =	shalt  }
0x60: {  	_ =	shalt  }
0x61: {  	_ =	shalt  }
0x62: {  	_ =	shalt  }
0x63: {  	_ =	shalt  }
0x64: {  	_ =	shalt  }
0x65: {  	_ =	shalt  }
0x66: {  	_ =	shalt  }
0x67: {  	_ =	shalt  }
0x68: {  	_ =	shalt  }
0x69: {  	_ =	shalt  }
0x6a: {  	_ =	shalt  }
0x6b: {  	_ =	shalt  }
0x6c: {  	_ =	shalt  }
0x6d: {  	_ =	shalt  }
0x6e: {  	_ =	shalt  }
0x6f: {  	_ =	shalt  }
0x70: {  	_ =	shalt  }
0x71: {  	_ =	shalt  }
0x72: {  	_ =	shalt  }
0x73: {  	_ =	shalt  }
0x74: {  	_ =	shalt  }
0x75: {  	_ =	shalt  }
0x76: {  	_ =	shalt  }
0x77: {  	_ =	shalt  }
0x78: {  	_ =	shalt  }
0x79: {  	_ =	shalt  }
0x7a: {  	_ =	shalt  }
0x7b: {  	_ =	shalt  }
0x7c: {  	_ =	shalt  }
0x7d: {  	_ =	shalt  }
0x7e: {  	_ =	shalt  }
0x7f: {  	_ =	shalt  }
0x80: {  	_ =	shalt  }
0x81: {  	_ =	shalt  }
0x82: {  	_ =	shalt  }
0x83: {  	_ =	shalt  }
0x84: {  	_ =	shalt  }
0x85: {  	_ =	shalt  }
0x86: {  	_ =	shalt  }
0x87: {  	_ =	shalt  }
.Lfunc_end0:
.L_simem_size_0:
called_computation_lowered:
.L_overlay_start_0:
0x88: {  	s2 =	sld [smem:$0x3FD9]  }
0x89: {  	s3 =	sld [smem:$0x3FFE];
	_ =	sdelay $0x1  }
0x8a: {  	s1 =	srdreg.scid  }
0x8b: {  	s0 =	sand.u32 $0x1, s1  }
0x8c: {  	s17 =	sshll.u32 s0, $0xA;
	s2 =	sadd.s32 s3, s2  }
0x8d: {  	s2 =	sadd.s32 s2, s17  }
0x8e: {  	[smem:$0x3FC5] =	sst s2  }
0x8f: {  	_ = 	snop  }
0x90: {  	s2 =	sld [smem:$0x3FC9]  }
0x91: {  	s18 =	sld [smem:$0x3FC8]  }
0x92: {  	s4 =	sld [smem:$0x3FC7];
	(tm) =	ssettm $0x1  }
0x93: {  	s5 =	sld [smem:$0x3FFB];
	_ =	sdelay $0x3  }
0x94: {  	_ =	strace s5  }
0x95: {  	s5 =	sld [smem:$0x3FFC];
	_ =	sdelay $0x3  }
0x96: {  	_ =	strace s5  }
0x97: {  	s5 =	sld [smem:$0x3FFD];
	_ =	sdelay $0x3  }
0x98: {  	_ =	strace s5  }
0x99: {  	_ =	strace $0x8FFFFFFF  }
0x9a: {  	s19 =	sld [smem:$0x3FDB];
	_ =	sdelay $0x1  }
0x9b: {  	s6 =	simm.s32 $_scs_section_size  }
0x9c: {  	s7 =	simm.s32 $_size__tile_overlayer_lowered;
	s8 =	simm.s32 $_tile_overlayer_lowered  }
0x9d: {  	s22 =	simm.s32 $0x1BFF;
	s21 =	sshll.u32 s8, $0x1;
	s5 =	sadd.s32 s6, s19  }
0x9e: {  	s9 =	simm.s32 $0x0;
	s20 =	sshll.u32 s7, $0x1;
	s7 =	sadd.s32 s21, s5  }
0x9f: {  	[timem:s9], [sflag:s22] =	dma.local [hbm:s7], s20  }
0xa0: {  	_ =	swait.ge [sflag:s22], s20  }
0xa1: {  	s6 =	ssub.s32 $0x0, s20;
	[sflag:s22] =	ssyncset.done $0x0  }
0xa2: {  	[sflag:s22] =	ssyncadd.s32 s6;
	_ =	sdelay $0x1  }
0xa3: {  	s23 =	simm.s32 $0x1B8B  }
0xa4: {  	_ =	swait.ge [sflag:s23], $0x1  }
0xa5: {  	[sflag:s23] =	ssyncset.done $0x0  }
0xa6: {  	s25 =	simm.s32 $0x1B8E;
	s24 =	sld [smem:$0x3FFE];
	[sflag:s23] =	ssyncadd.s32 $0xFFFFFFFF  }
0xa7: {  	s26 =	simm.s32 $execute0_lowered;
	[smem:$0x3FD2] =	sst s25  }
0xa8: {  	s7 =	sshll.u32 s26, $0x1;
	_ =	strace $0x80000046;
	[dreg:$0x1] =	wrdreg $0xFFFFFFFF  }
0xa9: {  	s28 =	simm.s32 $_size_execute0_lowered;
	s5 =	sadd.s32 s5, s7;
	[dreg:$0x0] =	wrdreg $0x0  }
0xaa: {  	s7 =	sshll.u32 s28, $0x1;
	[dreg:$0x2] =	wrdreg s5  }
0xab: {  	[dreg:$0x3] =	wrdreg s7  }
0xac: {  	[dreg:$0x4] =	wrdreg $0xC0  }
0xad: {  	_ =	task [dreg:s9], $0x5FFFF  }
0xae: {  	[dreg:$0x1] =	wrdreg $0xFFFFFFFF  }
0xaf: {  	[dreg:$0x0] =	wrdreg $0x60  }
0xb0: {  	[dreg:$0x2] =	wrdreg s2  }
0xb1: {  	[dreg:$0x3] =	wrdreg s18  }
0xb2: {  	[dreg:$0x4] =	wrdreg s4  }
0xb3: {  	[dreg:$0x5] =	wrdreg s24  }
0xb4: {  	[dreg:$0x6] =	wrdreg $0x9  }
0xb5: {  	_ =	task.clear_ibuf [dreg:s9], $0x7FFFF;
	_ =	strace $0x90000046  }
0xb6: {  	s29 =	simm.s32 $0x9;
	_ =	strace $0x80000048  }
0xb7: {  	_ =	swait.ge [sflag:s29], $0x1  }
0xb8: {  	[sflag:s29] =	ssyncadd.s32 $0xFFFFFFFF  }
0xb9: {  	_ =	strace $0x90000048  }
0xba: {  	_ =	sfence  }
0xbb: {  	s30 =	sld [smem:$0x0];
	_ =	sdelay $0x2  }
0xbc: {  	s31 =	sshll.u32 s1, $0xD;
	s1 =	sshrl.u32 s1, $0x2  }
0xbd: {  	s3 =	sand.u32 $0x4000, s31;
	s1 =	sadd.s32 s1, s30  }
0xbe: {  	s0 =	sor.u32 s3, s0;
	s1 =	sshll.u32 s1, $0x11  }
0xbf: {  	s0 =	sor.u32 s1, s0  }
0xc0: {  	s0 =	sadd.s32 $0x8F2B, s0  }
0xc1: {  	[sflag:s0] =	ssyncadd.remote.s32 $0x1  }
0xc2: {  	_ =	sfence.sel $0xFFFF  }
0xc3: {  	[dreg:$0x0] =	wrdreg $0xFFFFFFFF;
	(pc) =	sbr.abs _section_cstart, $3  }
0xc4: {  	[dreg:$0x1] =	wrdreg $0xFFFFFFFF  }
0xc5: {  	_ =	task.clear_ibuf [dreg:s9], $0x2FFFF;
	_ =	strace $0x9FFFFFFF  }
0xc6: {  	(tm) =	ssettm $0x7FFFFFFF  }
0xc7: {  	_ =	shalt  }
tec
execute0_lowered:
.L_overlay_start_1:
0x0: {  	(tag) =	ssettag $0x1  }
0x1: {  	s4 =	rddreg [dreg:$0x0]  }
0x2: {  	s5 =	rddreg [dreg:$0x1]  }
0x3: {  	s1 =	rddreg [dreg:$0x2]  }
0x4: {  	s6 =	rddreg [dreg:$0x3]  }
0x5: {  	s0 =	rddreg [dreg:$0x4];
	s3 =	simm.s32 $0x0;
	s7 =	srdreg.scid  }
0x6: {  	s2 =	stileid.u32;
	s12 =	simm.s32 $0x1;
	s13 =	simm.s32 $0x80  }
0x7: {  	s14 =	simm.s32 $0x400;
	s15 =	simm.s32 $0x600;
	s16 =	simm.s32 $0x480  }
0x8: {  	s17 =	simm.s32 $0x680;
	s18 =	simm.s32 $0x500;
	s19 =	simm.s32 $0x700  }
0x9: {  	s20 =	simm.s32 $0x580;
	s21 =	simm.s32 $0x780;
	s7 =	sand.u32 $0x1, s7  }
0xa: {  	s22 =	simm.s32 $0x2;
	s8 =	sshll.u32 s2, $0x7;
	s9 =	sshll.u32 s7, $0x6  }
0xb: {  	[smem:$0x7FF] =	sst s3;
	s7 =	ssub.s32 $0x2, s7;
	s8 =	sor.u32 s9, s8  }
0xc: {  	_ =	strace $0x80000047;
	s31 =	sshrl.u32 s7, $0x1;
	s10 =	sadd.s32 s8, s6  }
0xd: {  	s11 =	ssub.s32 s7, s31;
	s4 =	sadd.s32 s4, s8;
	s5 =	sadd.s32 s5, s8  }
0xe: {  	s6 =	sadd.s32 $0xA00, s10;
	s7 =	sadd.s32 $0xA10, s10;
	s8 =	sadd.s32 $0xA20, s10  }
0xf: {  	s9 =	sadd.s32 $0xA30, s10;
	s10 =	smax.u32 s11, $0x1;
	s11 =	simm.s32 $0x200  }
.LBB2_1:
0x10: {  	[tilespmem:s3], [sflag:$0x1] =	stream.linear.gather [hbm4b:s4+s3], $0x200, $0x38;
	[tilespmem:$0x800] =	vst v63  }
0x11: {  	_ = 	snop  }
0x12: {  	[tilespmem:s11], [sflag:$0x1] =	stream.linear.gather [hbm4b:s5+s3], $0x200, $0x38;
	[tilespmem:$0x800] =	vst v63  }
0x13: {  	_ =	swait.ge [sflag:s12], $0x200  }
0x14: {  	[sflag:s12] =	ssyncset.done $0x0  }
0x15: {  	[sflag:s12] =	ssyncadd.s32 $0xFFFFFE00  }
0x16: {  	_ =	swait.ge [sflag:s12], $0x200  }
0x17: {  	[sflag:s12] =	ssyncset.done $0x0  }
0x18: {  	[sflag:s12] =	ssyncadd.s32 $0xFFFFFE00  }
0x19: {  	v0 =	vld [tilespmem:$0x0]  }
0x1a: {  	v1 =	vld [tilespmem:$0x200]  }
0x1b: {  	v2 =	vld [tilespmem:$0x10]  }
0x1c: {  	v3 =	vld [tilespmem:$0x210]  }
0x1d: {  	v6 =	vld [tilespmem:$0x20]  }
0x1e: {  	v54 =	vld [tilespmem:$0x220]  }
0x1f: {  	v56 =	vld [tilespmem:$0x30]  }
0x20: {  	v59 =	vld [tilespmem:$0x230]  }
0x21: {  	v60 =	vld [tilespmem:$0x40]  }
0x22: {  	v63 =	vld [tilespmem:$0x240]  }
0x23: {  	v12 =	vld [tilespmem:$0x50]  }
0x24: {  	v17 =	vld [tilespmem:$0x250]  }
0x25: {  	v22 =	vld [tilespmem:$0x60]  }
0x26: {  	v25 =	vld [tilespmem:$0x260]  }
0x27: {  	v28 =	vld [tilespmem:$0x70];
	v4 =	vshll.u32 v0, $0x2  }
0x28: {  	v30 =	vld [tilespmem:$0x270];
	v5 =	vshrl.u32 v1, $0x7;
	v0 =	vshll.u32 v0, $0x7;
	v7 =	vshll.u32 v2, $0x2  }
0x29: {  	v14 =	vld [tilespmem:$0x80];
	v8 =	vshrl.u32 v3, $0x7;
	v1 =	vand.u32 $0x7F, v1;
	v58 =	vshll.u32 v6, $0x2  }
0x2a: {  	v37 =	vld [tilespmem:$0x90];
	v2 =	vshll.u32 v2, $0x7;
	v9 =	vshrl.u32 v54, $0x7;
	v6 =	vshll.u32 v6, $0x7  }
0x2b: {  	v41 =	vld [tilespmem:$0xA0];
	v3 =	vand.u32 $0x7F, v3;
	v15 =	vshll.u32 v56, $0x2;
	v11 =	vshrl.u32 v59, $0x7  }
0x2c: {  	v43 =	vld [tilespmem:$0x2A0];
	v18 =	vshll.u32 v56, $0x7;
	v19 =	vshll.u32 v60, $0x2;
	v20 =	vshrl.u32 v63, $0x7  }
0x2d: {  	v40 =	vld [tilespmem:$0x290];
	v21 =	vand.u32 $0x7F, v59;
	v24 =	vshll.u32 v12, $0x2;
	v26 =	vshrl.u32 v17, $0x7  }
0x2e: {  	v27 =	vshll.u32 v12, $0x7;
	v31 =	vshll.u32 v22, $0x2;
	v13 =	vshrl.u32 v25, $0x7  }
0x2f: {  	v34 =	vshll.u32 v28, $0x2;
	v35 =	vshrl.u32 v30, $0x7;
	v36 =	vand.u32 $0x7F, v25  }
0x30: {  	v33 =	vld [tilespmem:$0x280];
	v39 =	vshll.u32 v14, $0x2;
	v12 =	vshll.u32 v28, $0x7;
	v14 =	vshll.u32 v14, $0x7  }
0x31: {  	v44 =	vshll.u32 v37, $0x2;
	v47 =	vshll.u32 v41, $0x2;
	v48 =	vshrl.u32 v43, $0x7  }
0x32: {  	v49 =	vand.u32 $0x7F, v40;
	v4 =	vand.u32 $0x3FFFE0, v4;
	v0 =	vand.u32 $0x380, v0  }
0x33: {  	v7 =	vand.u32 $0x3FFFE0, v7;
	v2 =	vand.u32 $0x380, v2;
	v62 =	vand.u32 $0x380, v6  }
0x34: {  	v46 =	vld [tilespmem:$0x2B0];
	v10 =	vand.u32 $0x3FFFE0, v15;
	v29 =	vand.u32 $0x380, v27;
	v6 =	vand.u32 $0x7F, v63  }
0x35: {  	v15 =	vshrl.u32 v33, $0x7;
	v12 =	vand.u32 $0x380, v12;
	v42 =	vand.u32 $0x380, v14  }
0x36: {  	v53 =	vld [tilespmem:$0x2C0];
	v14 =	vand.u32 $0x7F, v43;
	v4 =	vadd.s32 v5, v4;
	v55 =	vadd.s32 v8, v7  }
0x37: {  	v5 =	vand.u32 $0x7F, v54;
	v16 =	vadd.s32 v11, v10;
	v7 =	vand.u32 $0x3FFFE0, v19  }
0x38: {  	v50 =	vld [tilespmem:$0xC0];
	v8 =	vshll.u32 v22, $0x7;
	v11 =	vand.u32 $0x7F, v30;
	v10 =	vshll.u32 v37, $0x7  }
0x39: {  	v59 =	vld [tilespmem:$0x2E0];
	v19 =	vand.u32 $0x7F, v46;
	v4 =	vshll.u32 v4, $0xA;
	v57 =	vshll.u32 v55, $0xA  }
0x3a: {  	v7 =	vadd.s32 v20, v7;
	v8 =	vand.u32 $0x380, v8;
	v10 =	vand.u32 $0x380, v10  }
0x3b: {  	v20 =	vshrl.u32 v53, $0x7;
	v0 =	vor.u32 v0, v4;
	v4 =	vand.u32 $0x3FFFE0, v58  }
0x3c: {  	v54 =	vld [tilespmem:$0xD0];
	v23 =	vshll.u32 v7, $0xA;
	v7 =	vand.u32 $0x3FFFE0, v24;
	v0 =	vor.u32 v1, v0  }
0x3d: {  	v56 =	vld [tilespmem:$0x2D0];
	v4 =	vadd.s32 v9, v4;
	v1 =	vor.u32 v2, v57;
	v9 =	vshll.u32 v60, $0x7  }
0x3e: {  	v7 =	vadd.s32 v26, v7;
	v57 =	vshll.u32 v50, $0x2;
	v22 =	vand.u32 $0x7F, v59  }
0x3f: {  	v61 =	vshll.u32 v4, $0xA;
	v2 =	vor.u32 v3, v1;
	v3 =	vshll.u32 v16, $0xA  }
0x40: {  	v9 =	vand.u32 $0x380, v9;
	v7 =	vshll.u32 v7, $0xA;
	v16 =	vshrl.u32 v40, $0x7  }
0x41: {  	v28 =	vld [tilespmem:$0x2F0];
	v4 =	vor.u32 v62, v61;
	v7 =	vor.u32 v29, v7;
	v60 =	vshll.u32 v54, $0x2  }
0x42: {  	v61 =	vshrl.u32 v56, $0x7;
	v62 =	vand.u32 $0x7F, v53;
	v29 =	vshrl.u32 v59, $0x7  }
0x43: {  	v63 =	vld [tilespmem:$0xF0];
	v1 =	vor.u32 v5, v4;
	v5 =	vand.u32 $0x380, v18;
	v4 =	vand.u32 $0x7F, v17  }
0x44: {  	v18 =	vshrl.u32 v46, $0x7;
	v3 =	vor.u32 v5, v3;
	v5 =	vor.u32 v9, v23  }
0x45: {  	v9 =	vand.u32 $0x3FFFE0, v31;
	v4 =	vor.u32 v4, v7;
	v7 =	vand.u32 $0x7F, v33  }
0x46: {  	v23 =	vshrl.u32 v28, $0x7;
	v3 =	vor.u32 v21, v3;
	v5 =	vor.u32 v6, v5  }
0x47: {  	v17 =	vld [tilespmem:$0xB0];
	v32 =	vadd.s32 v13, v9;
	v9 =	vand.u32 $0x3FFFE0, v34;
	v13 =	vshll.u32 v50, $0x7  }
0x48: {  	v34 =	vshll.u32 v63, $0x2;
	v6 =	vshll.u32 v32, $0xA;
	v9 =	vadd.s32 v35, v9  }
0x49: {  	v13 =	vand.u32 $0x380, v13;
	v6 =	vor.u32 v8, v6;
	v38 =	vshll.u32 v9, $0xA  }
0x4a: {  	v31 =	vld [tilespmem:$0x100];
	v9 =	vand.u32 $0x3FFFE0, v39;
	v39 =	vand.u32 $0x7F, v28;
	v6 =	vor.u32 v36, v6  }
0x4b: {  	v33 =	vld [tilespmem:$0x300];
	v9 =	vadd.s32 v15, v9;
	v8 =	vor.u32 v12, v38;
	v12 =	vand.u32 $0x3FFFE0, v44  }
0x4c: {  	v21 =	vld [tilespmem:$0xE0];
	v52 =	vshll.u32 v17, $0x2;
	v15 =	vshll.u32 v41, $0x7;
	v17 =	vshll.u32 v17, $0x7  }
0x4d: {  	v24 =	vld [tilespmem:$0x110];
	v9 =	vshll.u32 v9, $0xA;
	v8 =	vor.u32 v11, v8;
	v45 =	vadd.s32 v16, v12  }
0x4e: {  	v12 =	vand.u32 $0x3FFFE0, v47;
	v15 =	vand.u32 $0x380, v15;
	v55 =	vand.u32 $0x380, v17  }
0x4f: {  	v17 =	vand.u32 $0x7F, v56;
	v16 =	vshll.u32 v63, $0x7;
	v37 =	vshll.u32 v31, $0x2  }
0x50: {  	v46 =	vld [tilespmem:$0x130];
	v38 =	vshrl.u32 v33, $0x7;
	v9 =	vor.u32 v42, v9;
	v12 =	vadd.s32 v48, v12  }
0x51: {  	v27 =	vshll.u32 v21, $0x2;
	v30 =	vshll.u32 v21, $0x7;
	v16 =	vand.u32 $0x380, v16  }
0x52: {  	v43 =	vld [tilespmem:$0x320];
	v42 =	vshll.u32 v24, $0x2;
	v21 =	vshll.u32 v31, $0x7;
	v7 =	vor.u32 v7, v9  }
0x53: {  	v9 =	vshll.u32 v45, $0xA;
	v51 =	vshll.u32 v12, $0xA;
	v12 =	vand.u32 $0x3FFFE0, v52  }
0x54: {  	v32 =	vand.u32 $0x380, v30;
	v21 =	vand.u32 $0x380, v21;
	v45 =	vshll.u32 v24, $0x7  }
0x55: {  	v36 =	vld [tilespmem:$0x310];
	v52 =	vshll.u32 v46, $0x2;
	v24 =	vshll.u32 v46, $0x7;
	v9 =	vor.u32 v10, v9  }
0x56: {  	v40 =	vld [tilespmem:$0x120];
	v12 =	vadd.s32 v18, v12;
	v10 =	vor.u32 v15, v51;
	v15 =	vand.u32 $0x3FFFE0, v57  }
0x57: {  	v18 =	vshll.u32 v54, $0x7;
	v47 =	vand.u32 $0x380, v45;
	v54 =	vand.u32 $0x7F, v43  }
0x58: {  	v24 =	vand.u32 $0x380, v24;
	v9 =	vor.u32 v49, v9;
	v12 =	vshll.u32 v12, $0xA  }
0x59: {  	v48 =	vld [tilespmem:$0x330];
	v11 =	vor.u32 v14, v10;
	v58 =	vadd.s32 v20, v15;
	v15 =	vand.u32 $0x3FFFE0, v60  }
0x5a: {  	v18 =	vand.u32 $0x380, v18;
	v44 =	vshrl.u32 v36, $0x7;
	v20 =	vand.u32 $0x7F, v33  }
0x5b: {  	v49 =	vshll.u32 v40, $0x2;
	v25 =	vand.u32 $0x7F, v36;
	v12 =	vor.u32 v55, v12  }
0x5c: {  	v15 =	vadd.s32 v61, v15;
	v10 =	vor.u32 v19, v12;
	v12 =	vshll.u32 v58, $0xA  }
0x5d: {  	v51 =	vld [tilespmem:$0x340];
	v26 =	vshll.u32 v15, $0xA;
	v15 =	vand.u32 $0x3FFFE0, v27;
	v19 =	vshll.u32 v40, $0x7  }
0x5e: {  	v33 =	vld [tilespmem:$0x370];
	v53 =	vshrl.u32 v48, $0x7;
	v12 =	vor.u32 v13, v12;
	v15 =	vadd.s32 v29, v15  }
0x5f: {  	v55 =	vld [tilespmem:$0x150];
	v13 =	vor.u32 v18, v26;
	v18 =	vand.u32 $0x3FFFE0, v34;
	v26 =	vshrl.u32 v43, $0x7  }
0x60: {  	v61 =	vld [tilespmem:$0x160];
	v19 =	vand.u32 $0x380, v19;
	v12 =	vor.u32 v62, v12;
	v15 =	vshll.u32 v15, $0xA  }
0x61: {  	v63 =	vld [tilespmem:$0x360];
	v14 =	vor.u32 v17, v13;
	v35 =	vadd.s32 v23, v18;
	v18 =	vand.u32 $0x3FFFE0, v37  }
0x62: {  	v27 =	vld [tilespmem:$0x140];
	v59 =	vshrl.u32 v51, $0x7;
	v23 =	vand.u32 $0x7F, v48;
	v15 =	vor.u32 v32, v15  }
0x63: {  	v58 =	vld [tilespmem:$0x350];
	v18 =	vadd.s32 v38, v18;
	v30 =	vshrl.u32 v33, $0x7;
	v13 =	vor.u32 v22, v15  }
0x64: {  	v15 =	vshll.u32 v35, $0xA;
	v41 =	vshll.u32 v18, $0xA;
	v18 =	vand.u32 $0x3FFFE0, v42  }
0x65: {  	v40 =	vld [tilespmem:$0x380];
	v31 =	vshll.u32 v55, $0x2;
	v22 =	vshll.u32 v55, $0x7;
	v34 =	vshll.u32 v61, $0x2  }
0x66: {  	v35 =	vshrl.u32 v63, $0x7;
	v15 =	vor.u32 v16, v15;
	v18 =	vadd.s32 v44, v18  }
0x67: {  	v29 =	vld [tilespmem:$0x170];
	v16 =	vor.u32 v21, v41;
	v21 =	vand.u32 $0x3FFFE0, v49;
	v57 =	vshll.u32 v27, $0x2  }
0x68: {  	v60 =	vshll.u32 v27, $0x7;
	v28 =	vshrl.u32 v58, $0x7;
	v22 =	vand.u32 $0x380, v22  }
0x69: {  	v43 =	vld [tilespmem:$0x190];
	v36 =	vand.u32 $0x7F, v58;
	v27 =	vshll.u32 v61, $0x7;
	v49 =	vand.u32 $0x7F, v33  }
0x6a: {  	v37 =	vld [tilespmem:$0x180];
	v58 =	vand.u32 $0x7F, v40;
	v15 =	vor.u32 v39, v15;
	v18 =	vshll.u32 v18, $0xA  }
0x6b: {  	v17 =	vor.u32 v20, v16;
	v50 =	vadd.s32 v26, v21;
	v21 =	vand.u32 $0x3FFFE0, v52  }
0x6c: {  	v62 =	vand.u32 $0x380, v60;
	v20 =	vand.u32 $0x7F, v51;
	v39 =	vshll.u32 v29, $0x2  }
0x6d: {  	v46 =	vld [tilespmem:$0x390];
	v41 =	vand.u32 $0x380, v27;
	v42 =	vshll.u32 v29, $0x7;
	v18 =	vor.u32 v47, v18  }
0x6e: {  	v21 =	vadd.s32 v53, v21;
	v45 =	vand.u32 $0x380, v42;
	v47 =	vand.u32 $0x7F, v63  }
0x6f: {  	v48 =	vshll.u32 v37, $0x2;
	v55 =	vshll.u32 v37, $0x7;
	v63 =	vshll.u32 v43, $0x7  }
0x70: {  	v16 =	vor.u32 v25, v18;
	v18 =	vshll.u32 v50, $0xA;
	v56 =	vshll.u32 v21, $0xA  }
0x71: {  	[tilespmem:$0x450] =	vst v4;
	v33 =	vld [tilespmem:$0x3D0];
	v21 =	vand.u32 $0x3FFFE0, v57;
	v50 =	vshrl.u32 v40, $0x7;
	v4 =	vand.u32 $0x380, v55  }
0x72: {  	[tilespmem:$0x470] =	vst v8;
	v51 =	vld [tilespmem:$0x1A0];
	v57 =	vshrl.u32 v46, $0x7;
	v8 =	vand.u32 $0x380, v63;
	v18 =	vor.u32 v19, v18  }
0x73: {  	v27 =	vld [tilespmem:$0x3C0];
	v21 =	vadd.s32 v59, v21;
	v19 =	vor.u32 v24, v56;
	v24 =	vand.u32 $0x3FFFE0, v31  }
0x74: {  	v56 =	vshll.u32 v43, $0x2;
	v18 =	vor.u32 v54, v18;
	v21 =	vshll.u32 v21, $0xA  }
0x75: {  	v19 =	vor.u32 v23, v19;
	v32 =	vadd.s32 v28, v24;
	v24 =	vand.u32 $0x3FFFE0, v34  }
0x76: {  	[tilespmem:$0x440] =	vst v5;
	v5 =	vand.u32 $0x3FFFE0, v56;
	v28 =	vand.u32 $0x7F, v46;
	v42 =	vshrl.u32 v33, $0x7  }
0x77: {  	[tilespmem:$0x400] =	vst v0;
	v25 =	vld [tilespmem:$0x1C0];
	v21 =	vor.u32 v62, v21;
	v24 =	vadd.s32 v35, v24;
	v5 =	vadd.s32 v57, v5  }
0x78: {  	[tilespmem:$0x410] =	vst v2;
	v61 =	vshll.u32 v51, $0x2;
	v23 =	vshll.u32 v51, $0x7;
	v35 =	vshrl.u32 v27, $0x7  }
0x79: {  	[tilespmem:$0x420] =	vst v1;
	v59 =	vld [tilespmem:$0x1B0];
	v20 =	vor.u32 v20, v21;
	v21 =	vshll.u32 v32, $0xA;
	v38 =	vshll.u32 v24, $0xA  }
0x7a: {  	[tilespmem:$0x430] =	vst v3;
	v31 =	vld [tilespmem:$0x1D0];
	v24 =	vand.u32 $0x3FFFE0, v39;
	v60 =	vshll.u32 v5, $0xA;
	v5 =	vand.u32 $0x3FFFE0, v61  }
0x7b: {  	[tilespmem:$0x460] =	vst v6;
	v26 =	vand.u32 $0x380, v23;
	v21 =	vor.u32 v22, v21;
	v24 =	vadd.s32 v30, v24  }
0x7c: {  	[tilespmem:$0x480] =	vst v7;
	v54 =	vld [tilespmem:$0x3A0];
	v0 =	vor.u32 v41, v38;
	v22 =	vand.u32 $0x3FFFE0, v48;
	v34 =	vshll.u32 v25, $0x2  }
0x7d: {  	[tilespmem:$0x4A0] =	vst v11;
	v11 =	vshll.u32 v25, $0x7;
	v21 =	vor.u32 v36, v21;
	v44 =	vshll.u32 v24, $0xA  }
0x7e: {  	[tilespmem:$0x490] =	vst v9;
	v46 =	vld [tilespmem:$0x3F0];
	v0 =	vor.u32 v47, v0;
	v53 =	vadd.s32 v50, v22;
	v29 =	vshll.u32 v59, $0x2  }
0x7f: {  	[tilespmem:$0x4B0] =	vst v10;
	v62 =	vld [tilespmem:$0x3B0];
	v6 =	vshll.u32 v59, $0x7;
	v10 =	vand.u32 $0x3FFFE0, v34;
	v40 =	vshll.u32 v31, $0x2  }
0x80: {  	[tilespmem:$0x4C0] =	vst v12;
	v11 =	vand.u32 $0x380, v11;
	v43 =	vshll.u32 v31, $0x7;
	v47 =	vand.u32 $0x7F, v27  }
0x81: {  	[tilespmem:$0x4D0] =	vst v14;
	v2 =	vor.u32 v45, v44;
	v22 =	vshrl.u32 v54, $0x7;
	v3 =	vand.u32 $0x7F, v54  }
0x82: {  	[tilespmem:$0x4E0] =	vst v13;
	v6 =	vand.u32 $0x380, v6;
	v37 =	vadd.s32 v35, v10;
	v7 =	vand.u32 $0x3FFFE0, v40  }
0x83: {  	[tilespmem:$0x4F0] =	vst v15;
	v45 =	vand.u32 $0x380, v43;
	v57 =	vshrl.u32 v46, $0x7;
	v52 =	vor.u32 v49, v2  }
0x84: {  	[tilespmem:$0x500] =	vst v17;
	v38 =	vld [tilespmem:$0x1E0];
	v2 =	vshll.u32 v53, $0xA;
	v5 =	vadd.s32 v22, v5;
	v30 =	vshrl.u32 v62, $0x7  }
0x85: {  	[tilespmem:$0x510] =	vst v16;
	v41 =	vld [tilespmem:$0x3E0];
	v36 =	vand.u32 $0x7F, v62;
	v39 =	vshll.u32 v37, $0xA;
	v7 =	vadd.s32 v42, v7  }
0x86: {  	[tilespmem:$0x520] =	vst v18;
	v49 =	vand.u32 $0x7F, v33;
	v2 =	vor.u32 v4, v2;
	v4 =	vor.u32 v8, v60  }
0x87: {  	[tilespmem:$0x530] =	vst v19;
	v5 =	vshll.u32 v5, $0xA;
	v8 =	vand.u32 $0x3FFFE0, v29;
	v7 =	vshll.u32 v7, $0xA  }
0x88: {  	[tilespmem:$0x540] =	vst v20;
	v44 =	vld [tilespmem:$0x1F0];
	v2 =	vor.u32 v58, v2;
	v5 =	vor.u32 v26, v5;
	v4 =	vor.u32 v28, v4  }
0x89: {  	[tilespmem:$0x550] =	vst v21;
	v32 =	vadd.s32 v30, v8;
	v7 =	vor.u32 v45, v7;
	v48 =	vshll.u32 v38, $0x2  }
0x8a: {  	[tilespmem:$0x560] =	vst v0;
	v51 =	vshrl.u32 v41, $0x7;
	v53 =	vshll.u32 v38, $0x7;
	v60 =	vand.u32 $0x7F, v41  }
0x8b: {  	[tilespmem:$0x570] =	vst v52;
	v3 =	vor.u32 v3, v5;
	v5 =	vshll.u32 v32, $0xA;
	v50 =	vand.u32 $0x3FFFE0, v48  }
0x8c: {  	[tilespmem:$0x580] =	vst v2;
	v1 =	vor.u32 v49, v7;
	v55 =	vand.u32 $0x380, v53;
	v5 =	vor.u32 v6, v5  }
0x8d: {  	[tilespmem:$0x590] =	vst v4;
	v6 =	vor.u32 v11, v39;
	v52 =	vadd.s32 v51, v50;
	v54 =	vshll.u32 v44, $0x2  }
0x8e: {  	[tilespmem:$0x5A0] =	vst v3;
	v59 =	vshll.u32 v44, $0x7;
	v5 =	vor.u32 v36, v5;
	v56 =	vand.u32 $0x3FFFE0, v54  }
0x8f: {  	[tilespmem:$0x5D0] =	vst v1;
	v0 =	vor.u32 v47, v6;
	v2 =	vshll.u32 v52, $0xA;
	v58 =	vadd.s32 v57, v56  }
0x90: {  	v4 =	vand.u32 $0x380, v59;
	[tilespmem:$0x5B0] =	vst v5;
	v2 =	vor.u32 v55, v2;
	v3 =	vshll.u32 v58, $0xA  }
0x91: {  	v62 =	vand.u32 $0x7F, v46;
	[tilespmem:$0x5C0] =	vst v0;
	v0 =	vor.u32 v60, v2;
	v61 =	vor.u32 v4, v3  }
0x92: {  	[tilespmem:$0x5E0] =	vst v0;
	v63 =	vor.u32 v62, v61  }
0x93: {  	[tilespmem:$0x5F0] =	vst v63  }
0x94: {  	[tilespmem:s15], [sflag:$0x1] =	stream.indirect.gather [hbm4b:s1+s13], $0x1, s14, s13, $0xb8;
	[tilespmem:$0x800] =	vst v63  }
0x95: {  	_ = 	snop  }
0x96: {  	[tilespmem:s17], [sflag:$0x1] =	stream.indirect.gather [hbm4b:s1+s13], $0x1, s16, s13, $0xb8;
	[tilespmem:$0x800] =	vst v63  }
0x97: {  	_ = 	snop  }
0x98: {  	[tilespmem:s19], [sflag:$0x1] =	stream.indirect.gather [hbm4b:s1+s13], $0x1, s18, s13, $0xb8;
	[tilespmem:$0x800] =	vst v63  }
0x99: {  	_ = 	snop  }
0x9a: {  	[tilespmem:s21], [sflag:$0x1] =	stream.indirect.gather [hbm4b:s1+s13], $0x1, s20, s13, $0xb8;
	[tilespmem:$0x800] =	vst v63  }
0x9b: {  	_ =	swait.ge [sflag:s12], $0x80  }
0x9c: {  	[sflag:s12] =	ssyncset.done $0x0  }
0x9d: {  	[sflag:s12] =	ssyncadd.s32 $0xFFFFFF80  }
0x9e: {  	_ =	swait.ge [sflag:s12], $0x80  }
0x9f: {  	[sflag:s12] =	ssyncset.done $0x0  }
0xa0: {  	[sflag:s12] =	ssyncadd.s32 $0xFFFFFF80  }
0xa1: {  	_ =	swait.ge [sflag:s12], $0x80  }
0xa2: {  	[sflag:s12] =	ssyncset.done $0x0  }
0xa3: {  	[sflag:s12] =	ssyncadd.s32 $0xFFFFFF80  }
0xa4: {  	_ =	swait.ge [sflag:s12], $0x80  }
0xa5: {  	[sflag:s12] =	ssyncset.done $0x0  }
0xa6: {  	[sflag:s12] =	ssyncadd.s32 $0xFFFFFF80  }
0xa7: {  	[hbm4b:s6+s3] =	stream.linear.scatter [tilespmem:s15], [sflag:$0x2], $0x80, $0x38;
	[tilespmem:$0x800] =	vst v63  }
0xa8: {  	_ =	swait.ge [sflag:s22], $0x80  }
0xa9: {  	[sflag:s22] =	ssyncset.done $0x0  }
0xaa: {  	[sflag:s22] =	ssyncadd.s32 $0xFFFFFF80  }
0xab: {  	[hbm4b:s7+s3] =	stream.linear.scatter [tilespmem:s17], [sflag:$0x2], $0x80, $0x38;
	[tilespmem:$0x800] =	vst v63  }
0xac: {  	_ =	swait.ge [sflag:s22], $0x80  }
0xad: {  	[sflag:s22] =	ssyncset.done $0x0  }
0xae: {  	[sflag:s22] =	ssyncadd.s32 $0xFFFFFF80  }
0xaf: {  	[hbm4b:s8+s3] =	stream.linear.scatter [tilespmem:s19], [sflag:$0x2], $0x80, $0x38;
	[tilespmem:$0x800] =	vst v63  }
0xb0: {  	_ =	swait.ge [sflag:s22], $0x80  }
0xb1: {  	p0 =	sne.s32 s10, $0x1;
	[sflag:s22] =	ssyncset.done $0x0  }
.Ltmp0:
0xb2: {  	[sflag:s22] =	ssyncadd.s32 $0xFFFFFF80;
	(pc) =	sbr.rel @p0 .LBB2_1-.Ltmp0, $4  }
0xb3: {  	[hbm4b:s9+s3] =	stream.linear.scatter [tilespmem:s21], [sflag:$0x2], $0x80, $0x38;
	[tilespmem:$0x800] =	vst v63  }
0xb4: {  	_ =	swait.ge [sflag:s22], $0x80  }
0xb5: {  	[sflag:s22] =	ssyncset.done $0x0  }
0xb6: {  	s10 =	sadd.s32 $0xFFFFFFFF, s10;
	[sflag:s22] =	ssyncadd.s32 $0xFFFFFF80  }
0xb7: {  	_ =	sfence.sel $0x180000  }
0xb8: {  	[bflag:$0x0] =	sbarrier.arrive $0xFFFF  }
0xb9: {  	p0 =	sne.s32 s2, $0x0;
	_ =	strace $0x90000047  }
0xba: {  	s0 =	sadd.s32 @!p0 $0x100000, s0;
	[bflag:$0x2] =	sbarrier.arrive $0xFFFF  }
0xbb: {  	[sflag:s0] =	ssyncadd.tile.s32 @!p0 $0x1;
	_ =	shalt  }
.Lfunc_end2:
_tile_overlayer_lowered:
.L_overlay_start_2:
0xbc: {  	(tag) =	ssettag $0x2  }
0xbd: {  	s0 =	rddreg [dreg:$0x0];
	s2 =	stileid.u32  }
0xbe: {  	s1 =	rddreg [dreg:$0x1];
	p0 =	sne.s32 s2, $0x0  }
0xbf: {  	s3 =	rddreg [dreg:$0x2];
	[bflag:$0x3] =	sbarrier.arrive $0xFFFF;
	s2 =	simm.s32 @!p0 $0x1C02  }
0xc0: {  	[timem:s3], [sflag:s2] =	dma.local @!p0 [hbm:s0], s1  }
0xc1: {  	s0 =	simm.s32 @!p0 $0x2  }
0xc2: {  	_ =	swait.ge @!p0 [sflag:s0], s1  }
0xc3: {  	s1 =	ssub.s32 @!p0 $0x0, s1;
	[sflag:s0] =	ssyncset.done @!p0 $0x0  }
0xc4: {  	[sflag:s0] =	ssyncadd.s32 @!p0 s1  }
0xc5: {  	[bflag:$0x3] =	sbarrier.arrive $0xFFFF  }
0xc6: {  	_ =	shalt  }

// kernel: kernel.8.cloned.1.call-start
scs
__scs_entry_jumppad:
0x0: {  	(pc) =	sbr.rel $0x88, $3  }
0x1: {  	(tag) =	ssettag $0x0;
	lr =	simm.s32 $0x1  }
0x2: {  	[smem:$0x3F9E] =	sst lr;
	_ =	strace $0xD0000000  }
0x3: {  	_ = 	snop  }
0x4: {  	_ = 	snop  }
0x5: {  	_ = 	snop  }
0x6: {  	_ = 	snop  }
0x7: {  	_ = 	snop  }
__scs_overlays_trampoline_lowered:
0x8: {  	[smem:$0x3FAD] =	sst s0  }
0x9: {  	[smem:$0x3FAE] =	sst s1  }
0xa: {  	[smem:$0x3FAF] =	sst s2  }
0xb: {  	[smem:$0x3FB0] =	sst s3  }
0xc: {  	[smem:$0x3FB1] =	sst s4  }
0xd: {  	[smem:$0x3FB2] =	sst s5  }
0xe: {  	[smem:$0x3FB3] =	sst s6  }
0xf: {  	[smem:$0x3FB4] =	sst s7  }
0x10: {  	[smem:$0x3FB5] =	sst s8  }
0x11: {  	[smem:$0x3FB6] =	sst s9;
	s0 =	simm.s32 @!p0 $0x0  }
0x12: {  	s1 =	sld [smem:$0x3F9C];
	s0 =	simm.s32 @p0 $0x1  }
0x13: {  	[smem:$0x3FB7] =	sst s0;
	s0 =	simm.s32 @!p1 $0x0  }
0x14: {  	s2 =	sld [smem:$0x3F9B];
	s0 =	simm.s32 @p1 $0x1  }
0x15: {  	[smem:$0x3FB8] =	sst s0;
	s0 =	simm.s32 @!p2 $0x0  }
0x16: {  	s3 =	sld [smem:$0x3FDB];
	s0 =	simm.s32 @p2 $0x1  }
0x17: {  	s4 =	simm.s32 $0x1BF5;
	[smem:$0x3FBA] =	sst s0  }
0x18: {  	s0 =	sld [smem:$0x3F9D];
	_ =	swait.ge [sflag:s4], $0x0  }
0x19: {  	s7 =	sld [smem:$0x3F9E]  }
0x1a: {  	s8 =	sadd.s32 $0xFFFFE003, lr  }
0x1b: {  	s9 =	sadd.s32 $0xFFFFFEF7, lr;
	s5 =	simm.s32 $0xFFFFFFFF;
	p2 =	slt.u32 s8, $0xFFFFF086  }
0x1c: {  	p1 =	slt.u32 s9, $0xF7A;
	s5 =	simm.s32 @!p2 $0x0  }
0x1d: {  	s5 =	simm.s32 @p1 $0x1;
	p0 =	seq.s32 s7, s2  }
0x1e: {  	s7 =	smul.u32 @!p0 $0xF7A, s2;
	p2 =	seq.s32 @!p0 s5, $0x0  }
0x1f: {  	s9 =	smul.u32 $0xF7A, s1;
	s8 =	simm.s32 @!p0 $0x1BF5;
	p2 =	por !p2, p0  }
0x20: {  	[sflag:s8] =	ssyncset.s32 @!p0 $0xFFFFF086;
	s6 =	sadd.s32 @!p0 s3, s7;
	s7 =	simm.s32 @!p0 $0x108  }
0x21: {  	s3 =	sadd.s32 s3, s9;
	s6 =	sadd.s32 @!p0 $0x88, s6;
	s7 =	simm.s32 @p2 $0x1082  }
0x22: {  	[simem:s7], [sflag:s8] =	dma.local @!p0 [hbm:s6], $0xF7A  }
0x23: {  	s9 =	sor.u32 $0xD0000000, s2;
	s6 =	simm.s32 $0x108;
	_ =	swait.ge @!p0 [sflag:s8], $0x0  }
0x24: {  	s3 =	sadd.s32 $0x88, s3;
	s6 =	simm.s32 @!p1 $0x1082;
	[sflag:s4] =	ssyncset.s32 $0xFFFFF086  }
0x25: {  	[simem:s6], [sflag:s4] =	dma.local [hbm:s3], $0xF7A  }
0x26: {  	[smem:$0x3F9E] =	sst s1;
	(tag) =	ssettag s2;
	_ =	strace s9  }
0x27: {  	s1 =	sld [smem:$0x3FAE]  }
0x28: {  	s2 =	sld [smem:$0x3FAF]  }
0x29: {  	s4 =	sld [smem:$0x3FB1]  }
0x2a: {  	p0 =	seq.s32 s5, $0x0;
	s5 =	sld [smem:$0x3FB2]  }
0x2b: {  	s6 =	sld [smem:$0x3FB3]  }
0x2c: {  	s7 =	sld [smem:$0x3FB4]  }
0x2d: {  	s3 =	simm.s32 $0x108;
	s8 =	sld [smem:$0x3FB5]  }
0x2e: {  	s3 =	simm.s32 @!p0 $0x1082;
	s9 =	sld [smem:$0x3FB6]  }
0x2f: {  	lr =	sadd.s32 s0, s3;
	s0 =	sld [smem:$0x3FAD]  }
0x30: {  	s3 =	sld [smem:$0x3FB0]  }
0x31: {  	[smem:$0x3FB9] =	sst s10  }
0x32: {  	s10 =	sld [smem:$0x3FB7];
	_ =	sdelay $0x3  }
0x33: {  	p0 =	seq.s32 s10, $0x1;
	s10 =	sld [smem:$0x3FB9];
	_ =	sdelay $0x3  }
0x34: {  	[smem:$0x3FB9] =	sst s10  }
0x35: {  	s10 =	sld [smem:$0x3FB8];
	_ =	sdelay $0x3  }
0x36: {  	p1 =	seq.s32 s10, $0x1;
	s10 =	sld [smem:$0x3FB9];
	_ =	sdelay $0x3  }
0x37: {  	[smem:$0x3FB9] =	sst s10  }
0x38: {  	s10 =	sld [smem:$0x3FBA]  }
0x39: {  	_ = 	snop;
	(pc) =	sbr.ind lr, $3  }
0x3a: {  	_ = 	snop  }
0x3b: {  	_ = 	snop  }
0x3c: {  	p2 =	seq.s32 s10, $0x1;
	s10 =	sld [smem:$0x3FB9]  }
0x3d: {  	_ =	shalt  }
0x3e: {  	_ =	shalt  }
0x3f: {  	_ =	shalt  }
0x40: {  	_ =	shalt  }
0x41: {  	_ =	shalt  }
0x42: {  	_ =	shalt  }
0x43: {  	_ =	shalt  }
0x44: {  	_ =	shalt  }
0x45: {  	_ =	shalt  }
0x46: {  	_ =	shalt  }
0x47: {  	_ =	shalt  }
0x48: {  	_ =	shalt  }
0x49: {  	_ =	shalt  }
0x4a: {  	_ =	shalt  }
0x4b: {  	_ =	shalt  }
0x4c: {  	_ =	shalt  }
0x4d: {  	_ =	shalt  }
0x4e: {  	_ =	shalt  }
0x4f: {  	_ =	shalt  }
0x50: {  	_ =	shalt  }
0x51: {  	_ =	shalt  }
0x52: {  	_ =	shalt  }
0x53: {  	_ =	shalt  }
0x54: {  	_ =	shalt  }
0x55: {  	_ =	shalt  }
0x56: {  	_ =	shalt  }
0x57: {  	_ =	shalt  }
0x58: {  	_ =	shalt  }
0x59: {  	_ =	shalt  }
0x5a: {  	_ =	shalt  }
0x5b: {  	_ =	shalt  }
0x5c: {  	_ =	shalt  }
0x5d: {  	_ =	shalt  }
0x5e: {  	_ =	shalt  }
0x5f: {  	_ =	shalt  }
0x60: {  	_ =	shalt  }
0x61: {  	_ =	shalt  }
0x62: {  	_ =	shalt  }
0x63: {  	_ =	shalt  }
0x64: {  	_ =	shalt  }
0x65: {  	_ =	shalt  }
0x66: {  	_ =	shalt  }
0x67: {  	_ =	shalt  }
0x68: {  	_ =	shalt  }
0x69: {  	_ =	shalt  }
0x6a: {  	_ =	shalt  }
0x6b: {  	_ =	shalt  }
0x6c: {  	_ =	shalt  }
0x6d: {  	_ =	shalt  }
0x6e: {  	_ =	shalt  }
0x6f: {  	_ =	shalt  }
0x70: {  	_ =	shalt  }
0x71: {  	_ =	shalt  }
0x72: {  	_ =	shalt  }
0x73: {  	_ =	shalt  }
0x74: {  	_ =	shalt  }
0x75: {  	_ =	shalt  }
0x76: {  	_ =	shalt  }
0x77: {  	_ =	shalt  }
0x78: {  	_ =	shalt  }
0x79: {  	_ =	shalt  }
0x7a: {  	_ =	shalt  }
0x7b: {  	_ =	shalt  }
0x7c: {  	_ =	shalt  }
0x7d: {  	_ =	shalt  }
0x7e: {  	_ =	shalt  }
0x7f: {  	_ =	shalt  }
0x80: {  	_ =	shalt  }
0x81: {  	_ =	shalt  }
0x82: {  	_ =	shalt  }
0x83: {  	_ =	shalt  }
0x84: {  	_ =	shalt  }
0x85: {  	_ =	shalt  }
0x86: {  	_ =	shalt  }
0x87: {  	_ =	shalt  }
.Lfunc_end0:
.L_simem_size_0:
called_computation.1_lowered:
.L_overlay_start_0:
0x88: {  	s2 =	sld [smem:$0x3FD9]  }
0x89: {  	s3 =	sld [smem:$0x3FFE];
	_ =	sdelay $0x1  }
0x8a: {  	s1 =	srdreg.scid  }
0x8b: {  	s0 =	sand.u32 $0x1, s1  }
0x8c: {  	s17 =	sshll.u32 s0, $0xA;
	s2 =	sadd.s32 s3, s2  }
0x8d: {  	s2 =	sadd.s32 s2, s17  }
0x8e: {  	[smem:$0x3FC5] =	sst s2  }
0x8f: {  	_ = 	snop  }
0x90: {  	s2 =	sld [smem:$0x3FC8]  }
0x91: {  	s18 =	sld [smem:$0x3FD0];
	(tm) =	ssettm $0x1  }
0x92: {  	s4 =	sld [smem:$0x3FFB];
	_ =	sdelay $0x3  }
0x93: {  	_ =	strace s4  }
0x94: {  	s4 =	sld [smem:$0x3FFC];
	_ =	sdelay $0x3  }
0x95: {  	_ =	strace s4  }
0x96: {  	s4 =	sld [smem:$0x3FFD];
	_ =	sdelay $0x3  }
0x97: {  	_ =	strace s4  }
0x98: {  	_ =	strace $0x8FFFFFFF  }
0x99: {  	s19 =	sld [smem:$0x3FDB];
	_ =	sdelay $0x1  }
0x9a: {  	s5 =	simm.s32 $_scs_section_size  }
0x9b: {  	s6 =	simm.s32 $_size__tile_overlayer_lowered;
	s7 =	simm.s32 $_tile_overlayer_lowered  }
0x9c: {  	s22 =	simm.s32 $0x1BFF;
	s21 =	sshll.u32 s7, $0x1;
	s4 =	sadd.s32 s5, s19  }
0x9d: {  	s8 =	simm.s32 $0x0;
	s20 =	sshll.u32 s6, $0x1;
	s6 =	sadd.s32 s21, s4  }
0x9e: {  	[timem:s8], [sflag:s22] =	dma.local [hbm:s6], s20  }
0x9f: {  	_ =	swait.ge [sflag:s22], s20  }
0xa0: {  	s5 =	ssub.s32 $0x0, s20;
	[sflag:s22] =	ssyncset.done $0x0  }
0xa1: {  	[sflag:s22] =	ssyncadd.s32 s5;
	_ =	sdelay $0x1  }
0xa2: {  	s23 =	simm.s32 $0x1B8B  }
0xa3: {  	_ =	swait.ge [sflag:s23], $0x1  }
0xa4: {  	[sflag:s23] =	ssyncset.done $0x0  }
0xa5: {  	s25 =	simm.s32 $0x1B8E;
	s24 =	sld [smem:$0x3FFE];
	[sflag:s23] =	ssyncadd.s32 $0xFFFFFFFF  }
0xa6: {  	s26 =	simm.s32 $execute0_lowered;
	[smem:$0x3FD2] =	sst s25  }
0xa7: {  	s6 =	sshll.u32 s26, $0x1;
	_ =	strace $0x80000049;
	[dreg:$0x1] =	wrdreg $0xFFFFFFFF  }
0xa8: {  	s28 =	simm.s32 $_size_execute0_lowered;
	s4 =	sadd.s32 s4, s6;
	[dreg:$0x0] =	wrdreg $0x0  }
0xa9: {  	s6 =	sshll.u32 s28, $0x1;
	[dreg:$0x2] =	wrdreg s4  }
0xaa: {  	[dreg:$0x3] =	wrdreg s6  }
0xab: {  	[dreg:$0x4] =	wrdreg $0xC0  }
0xac: {  	_ =	task [dreg:s8], $0x5FFFF  }
0xad: {  	[dreg:$0x1] =	wrdreg $0xFFFFFFFF  }
0xae: {  	[dreg:$0x0] =	wrdreg $0x60  }
0xaf: {  	[dreg:$0x2] =	wrdreg s2  }
0xb0: {  	[dreg:$0x3] =	wrdreg s24  }
0xb1: {  	[dreg:$0x4] =	wrdreg s18  }
0xb2: {  	[dreg:$0x5] =	wrdreg $0x9  }
0xb3: {  	_ =	task.clear_ibuf [dreg:s8], $0x6FFFF;
	_ =	strace $0x90000049  }
0xb4: {  	s29 =	simm.s32 $0x9;
	_ =	strace $0x8000004B  }
0xb5: {  	_ =	swait.ge [sflag:s29], $0x1  }
0xb6: {  	[sflag:s29] =	ssyncadd.s32 $0xFFFFFFFF  }
0xb7: {  	_ =	strace $0x9000004B  }
0xb8: {  	_ =	sfence  }
0xb9: {  	s30 =	sld [smem:$0x0];
	_ =	sdelay $0x2  }
0xba: {  	s31 =	sshll.u32 s1, $0xD;
	s1 =	sshrl.u32 s1, $0x2  }
0xbb: {  	s3 =	sand.u32 $0x4000, s31;
	s1 =	sadd.s32 s1, s30  }
0xbc: {  	s0 =	sor.u32 s3, s0;
	s1 =	sshll.u32 s1, $0x11  }
0xbd: {  	s0 =	sor.u32 s1, s0  }
0xbe: {  	s0 =	sadd.s32 $0x8F2B, s0  }
0xbf: {  	[sflag:s0] =	ssyncadd.remote.s32 $0x1  }
0xc0: {  	_ =	sfence.sel $0xFFFF  }
0xc1: {  	[dreg:$0x0] =	wrdreg $0xFFFFFFFF;
	(pc) =	sbr.abs _section_cstart, $3  }
0xc2: {  	[dreg:$0x1] =	wrdreg $0xFFFFFFFF  }
0xc3: {  	_ =	task.clear_ibuf [dreg:s8], $0x2FFFF;
	_ =	strace $0x9FFFFFFF  }
0xc4: {  	(tm) =	ssettm $0x7FFFFFFF  }
0xc5: {  	_ =	shalt  }
tec
execute0_lowered:
.L_overlay_start_1:
0x0: {  	(tag) =	ssettag $0x1  }
0x1: {  	s0 =	rddreg [dreg:$0x0]  }
0x2: {  	s3 =	rddreg [dreg:$0x1]  }
0x3: {  	s11 =	rddreg [dreg:$0x2]  }
0x4: {  	s2 =	srdreg.scid;
	s1 =	stileid.u32  }
0x5: {  	s14 =	simm.s32 $0x280;
	s15 =	simm.s32 $0x300;
	s16 =	simm.s32 $0x380  }
0x6: {  	s17 =	simm.s32 $0x1;
	s18 =	simm.s32 $0x80;
	s19 =	simm.s32 $0x400  }
0x7: {  	s20 =	simm.s32 $0x480;
	s21 =	simm.s32 $0x500;
	s22 =	simm.s32 $0x580  }
0x8: {  	s23 =	simm.s32 $0x2;
	s24 =	simm.s32 $0x600;
	s25 =	simm.s32 $0x3  }
0x9: {  	s28 =	simm.s32 $0x4;
	s29 =	simm.s32 $0x700;
	s30 =	simm.s32 $0x5  }
0xa: {  	s31 =	simm.s32 $0x780;
	s4 =	sand.u32 $0x1, s2;
	s2 =	simm.s32 $0x0  }
0xb: {  	s5 =	sshll.u32 s1, $0x7;
	s6 =	sshll.u32 s4, $0x6;
	[smem:$0x7FF] =	sst s2  }
0xc: {  	s4 =	ssub.s32 $0x2, s4;
	s8 =	sor.u32 s6, s5;
	_ =	strace $0x8000004A  }
0xd: {  	s26 =	sshrl.u32 s4, $0x1;
	s7 =	sadd.s32 s8, s3;
	s3 =	sadd.s32 $0x1200, s3  }
0xe: {  	s6 =	sadd.s32 s0, s8;
	s12 =	ssub.s32 s4, s26;
	s9 =	sor.u32 $0x10, s8  }
0xf: {  	s10 =	sor.u32 $0x20, s8;
	s13 =	sor.u32 $0x30, s8;
	s8 =	sadd.s32 s11, s8  }
0x10: {  	s26 =	simm.s32 $0x680;
	[dreg:$0x4] =	wrdreg s6;
	s4 =	sadd.s32 s0, s9  }
0x11: {  	s5 =	sadd.s32 s0, s10;
	s6 =	sadd.s32 s0, s13;
	s7 =	sadd.s32 $0xA00, s7  }
0x12: {  	s9 =	sadd.s32 s11, s9;
	s10 =	sadd.s32 s11, s10;
	s11 =	sadd.s32 s11, s13  }
0x13: {  	s12 =	smax.u32 s12, $0x1;
	s13 =	simm.s32 $0x200;
	s0 =	simm.s32 $0x6  }
.LBB2_1:
0x14: {  	s1 =	rddreg [dreg:$0x4]  }
0x15: {  	[tilespmem:s13], [sflag:$0x1] =	stream.linear.gather [hbm4b:s1+s2], $0x80, $0x38;
	[tilespmem:$0x800] =	vst v63  }
0x16: {  	_ = 	snop  }
0x17: {  	[tilespmem:s14], [sflag:$0x1] =	stream.linear.gather [hbm4b:s4+s2], $0x80, $0x38;
	[tilespmem:$0x800] =	vst v63  }
0x18: {  	_ = 	snop  }
0x19: {  	[tilespmem:s15], [sflag:$0x1] =	stream.linear.gather [hbm4b:s5+s2], $0x80, $0x38;
	[tilespmem:$0x800] =	vst v63  }
0x1a: {  	_ = 	snop  }
0x1b: {  	[tilespmem:s16], [sflag:$0x1] =	stream.linear.gather [hbm4b:s6+s2], $0x80, $0x38;
	[tilespmem:$0x800] =	vst v63  }
0x1c: {  	_ = 	snop  }
0x1d: {  	[tilespmem:s2], [sflag:$0x1] =	stream.linear.gather [hbm4b:s7+s2], $0x200, $0x38;
	[tilespmem:$0x800] =	vst v63  }
0x1e: {  	_ =	swait.ge [sflag:s17], $0x80  }
0x1f: {  	[sflag:s17] =	ssyncset.done $0x0  }
0x20: {  	[sflag:s17] =	ssyncadd.s32 $0xFFFFFF80  }
0x21: {  	_ =	swait.ge [sflag:s17], $0x80  }
0x22: {  	[sflag:s17] =	ssyncset.done $0x0  }
0x23: {  	[sflag:s17] =	ssyncadd.s32 $0xFFFFFF80  }
0x24: {  	_ =	swait.ge [sflag:s17], $0x80  }
0x25: {  	[sflag:s17] =	ssyncset.done $0x0  }
0x26: {  	[sflag:s17] =	ssyncadd.s32 $0xFFFFFF80  }
0x27: {  	_ =	swait.ge [sflag:s17], $0x80  }
0x28: {  	[sflag:s17] =	ssyncset.done $0x0  }
0x29: {  	[sflag:s17] =	ssyncadd.s32 $0xFFFFFF80  }
0x2a: {  	_ =	swait.ge [sflag:s17], $0x200  }
0x2b: {  	[sflag:s17] =	ssyncset.done $0x0  }
0x2c: {  	[sflag:s17] =	ssyncadd.s32 $0xFFFFFE00  }
0x2d: {  	[tilespmem:s19], [sflag:$0x2] =	stream.indirect.gather [hbm4b:s3+s18], $0x1, s13, s18, $0xb8;
	[tilespmem:$0x800] =	vst v63  }
0x2e: {  	_ = 	snop  }
0x2f: {  	[tilespmem:s20], [sflag:$0x3] =	stream.indirect.gather [hbm4b:s3+s18], $0x1, s14, s18, $0xb8;
	[tilespmem:$0x800] =	vst v63  }
0x30: {  	_ = 	snop  }
0x31: {  	[tilespmem:s21], [sflag:$0x4] =	stream.indirect.gather [hbm4b:s3+s18], $0x1, s15, s18, $0xb8;
	[tilespmem:$0x800] =	vst v63  }
0x32: {  	_ = 	snop  }
0x33: {  	[tilespmem:s22], [sflag:$0x5] =	stream.indirect.gather [hbm4b:s3+s18], $0x1, s16, s18, $0xb8;
	[tilespmem:$0x800] =	vst v63  }
0x34: {  	_ =	swait.ge [sflag:s23], $0x80  }
0x35: {  	[sflag:s23] =	ssyncset.done $0x0  }
0x36: {  	[sflag:s23] =	ssyncadd.s32 $0xFFFFFF80  }
0x37: {  	v0 =	vld [tilespmem:$0x0]  }
0x38: {  	v1 =	vld [tilespmem:$0x400]  }
0x39: {  	v2 =	vld [tilespmem:$0x10]  }
0x3a: {  	v3 =	vld [tilespmem:$0x410]  }
0x3b: {  	v4 =	vld [tilespmem:$0x20]  }
0x3c: {  	v5 =	vld [tilespmem:$0x420]  }
0x3d: {  	v6 =	vld [tilespmem:$0x30]  }
0x3e: {  	v7 =	vld [tilespmem:$0x430]  }
0x3f: {  	v8 =	vld [tilespmem:$0x40]  }
0x40: {  	v9 =	vld [tilespmem:$0x440]  }
0x41: {  	v10 =	vld [tilespmem:$0x50]  }
0x42: {  	v11 =	vld [tilespmem:$0x450];
	v1 =	vsub.f32 v0, v1  }
0x43: {  	v12 =	vld [tilespmem:$0x60]  }
0x44: {  	v13 =	vld [tilespmem:$0x460];
	v1 =	vmul.f32 $1.442695020e+00, v1  }
0x45: {  	v14 =	vld [tilespmem:$0x70];
	v3 =	vsub.f32 v2, v3  }
0x46: {  	v36 =	vld [tilespmem:$0x470];
	v5 =	vsub.f32 v4, v5;
	(erf) = vpow2.f32 v1  }
0x47: {  	v35 =	vsub.f32 v6, v7;
	v3 =	vmul.f32 $1.442695020e+00, v3  }
0x48: {  	v37 =	vsub.f32 v8, v9;
	v34 =	vmul.f32 $1.442695020e+00, v5  }
0x49: {  	v39 =	vsub.f32 v10, v11;
	v38 =	vmul.f32 $1.442695020e+00, v35;
	(erf) = vpow2.f32 v3  }
0x4a: {  	v41 =	vsub.f32 v12, v13;
	v3 =	vmul.f32 $1.442695020e+00, v37;
	(erf) = vpow2.f32 v34  }
0x4b: {  	v42 =	vsub.f32 v14, v36;
	v40 =	vmul.f32 $1.442695020e+00, v39;
	(erf) = vpow2.f32 v38  }
0x4c: {  	v43 =	vmul.f32 $1.442695020e+00, v41;
	(erf) = vpow2.f32 v3  }
0x4d: {  	vm0 =	vlt.f32 v0, $0.0e+00;
	v44 =	vmul.f32 $1.442695020e+00, v42;
	(erf) = vpow2.f32 v40  }
0x4e: {  	vm1 =	vgt.f32 v0, $0.0e+00;
	vm12 =	vlt.f32 v2, $0.0e+00;
	(erf) = vpow2.f32 v43  }
0x4f: {  	vm2 =	vgt.f32 v2, $0.0e+00;
	vm13 =	vlt.f32 v4, $0.0e+00;
	v45 =	vpop (erf);
	(erf) = vpow2.f32 v44  }
0x50: {  	vm3 =	vgt.f32 v4, $0.0e+00;
	vm15 =	vlt.f32 v6, $0.0e+00;
	vm4 =	vgt.f32 v6, $0.0e+00  }
0x51: {  	vm5 =	vlt.f32 v8, $0.0e+00;
	vm6 =	vgt.f32 v8, $0.0e+00;
	vm0 =	vmor vm1, vm0  }
0x52: {  	vm7 =	vlt.f32 v10, $0.0e+00;
	vm1 =	vmor vm2, vm12;
	v46 =	vpop (erf);
	v1 =	vnsel vm0, $0x0, v45  }
0x53: {  	vm8 =	vgt.f32 v10, $0.0e+00;
	vm14 =	vmor vm3, vm13;
	v0 =	vnsel vm1, $0x0, v46;
	v47 =	vpop (erf);
	[tilespmem:$0x600] =	vst v1  }
0x54: {  	vm10 =	vlt.f32 v12, $0.0e+00;
	vm0 =	vmor vm4, vm15;
	v2 =	vnsel vm14, $0x0, v47;
	v48 =	vpop (erf);
	[tilespmem:$0x610] =	vst v0  }
0x55: {  	vm11 =	vgt.f32 v12, $0.0e+00;
	vm1 =	vmor vm6, vm5;
	v49 =	vpop (erf);
	[tilespmem:$0x620] =	vst v2;
	v1 =	vnsel vm0, $0x0, v48  }
0x56: {  	vm9 =	vmor vm8, vm7;
	vm12 =	vlt.f32 v14, $0.0e+00;
	v0 =	vnsel vm1, $0x0, v49;
	v50 =	vpop (erf);
	[tilespmem:$0x630] =	vst v1  }
0x57: {  	vm13 =	vgt.f32 v14, $0.0e+00;
	vm0 =	vmor vm11, vm10;
	v51 =	vnsel vm9, $0x0, v50;
	[tilespmem:$0x640] =	vst v0;
	v52 =	vpop (erf)  }
0x58: {  	vm14 =	vmor vm13, vm12;
	[tilespmem:$0x650] =	vst v51;
	v0 =	vnsel vm0, $0x0, v52;
	v53 =	vpop (erf)  }
0x59: {  	[tilespmem:$0x660] =	vst v0;
	v54 =	vnsel vm14, $0x0, v53  }
0x5a: {  	[tilespmem:$0x670] =	vst v54  }
0x5b: {  	[hbm4b:s8+s2] =	stream.linear.scatter [tilespmem:s24], [sflag:$0x6], $0x80, $0x38;
	[tilespmem:$0x800] =	vst v63  }
0x5c: {  	_ =	swait.ge [sflag:s25], $0x80  }
0x5d: {  	[sflag:s25] =	ssyncset.done $0x0  }
0x5e: {  	[sflag:s25] =	ssyncadd.s32 $0xFFFFFF80  }
0x5f: {  	v55 =	vld [tilespmem:$0x80]  }
0x60: {  	v56 =	vld [tilespmem:$0x480]  }
0x61: {  	v57 =	vld [tilespmem:$0x90]  }
0x62: {  	v58 =	vld [tilespmem:$0x490]  }
0x63: {  	v59 =	vld [tilespmem:$0xA0]  }
0x64: {  	v60 =	vld [tilespmem:$0x4A0]  }
0x65: {  	v61 =	vld [tilespmem:$0xB0]  }
0x66: {  	v62 =	vld [tilespmem:$0x4B0]  }
0x67: {  	v63 =	vld [tilespmem:$0xC0]  }
0x68: {  	v16 =	vld [tilespmem:$0x4C0]  }
0x69: {  	v17 =	vld [tilespmem:$0xD0]  }
0x6a: {  	v18 =	vld [tilespmem:$0x4D0];
	v1 =	vsub.f32 v55, v56  }
0x6b: {  	v19 =	vld [tilespmem:$0xE0]  }
0x6c: {  	v20 =	vld [tilespmem:$0x4E0];
	v1 =	vmul.f32 $1.442695020e+00, v1  }
0x6d: {  	v21 =	vld [tilespmem:$0xF0];
	v3 =	vsub.f32 v57, v58  }
0x6e: {  	v24 =	vld [tilespmem:$0x4F0];
	v5 =	vsub.f32 v59, v60;
	(erf) = vpow2.f32 v1  }
0x6f: {  	v23 =	vsub.f32 v61, v62;
	v3 =	vmul.f32 $1.442695020e+00, v3  }
0x70: {  	v25 =	vsub.f32 v63, v16;
	v22 =	vmul.f32 $1.442695020e+00, v5  }
0x71: {  	v27 =	vsub.f32 v17, v18;
	v26 =	vmul.f32 $1.442695020e+00, v23;
	(erf) = vpow2.f32 v3  }
0x72: {  	v29 =	vsub.f32 v19, v20;
	v3 =	vmul.f32 $1.442695020e+00, v25;
	(erf) = vpow2.f32 v22  }
0x73: {  	v30 =	vsub.f32 v21, v24;
	v28 =	vmul.f32 $1.442695020e+00, v27;
	(erf) = vpow2.f32 v26  }
0x74: {  	v31 =	vmul.f32 $1.442695020e+00, v29;
	(erf) = vpow2.f32 v3  }
0x75: {  	vm15 =	vlt.f32 v55, $0.0e+00;
	v32 =	vmul.f32 $1.442695020e+00, v30;
	(erf) = vpow2.f32 v28  }
0x76: {  	vm4 =	vgt.f32 v55, $0.0e+00;
	vm5 =	vlt.f32 v57, $0.0e+00;
	(erf) = vpow2.f32 v31  }
0x77: {  	vm6 =	vgt.f32 v57, $0.0e+00;
	vm7 =	vlt.f32 v59, $0.0e+00;
	v33 =	vpop (erf);
	(erf) = vpow2.f32 v32  }
0x78: {  	vm8 =	vgt.f32 v59, $0.0e+00;
	vm10 =	vlt.f32 v61, $0.0e+00;
	vm11 =	vgt.f32 v61, $0.0e+00  }
0x79: {  	vm12 =	vlt.f32 v63, $0.0e+00;
	vm13 =	vgt.f32 v63, $0.0e+00;
	vm0 =	vmor vm4, vm15  }
0x7a: {  	vm14 =	vlt.f32 v17, $0.0e+00;
	vm1 =	vmor vm6, vm5;
	v34 =	vpop (erf);
	v1 =	vnsel vm0, $0x0, v33  }
0x7b: {  	vm9 =	vmor vm8, vm7;
	vm15 =	vgt.f32 v17, $0.0e+00;
	v0 =	vnsel vm1, $0x0, v34;
	v35 =	vpop (erf);
	[tilespmem:$0x680] =	vst v1  }
0x7c: {  	vm6 =	vlt.f32 v19, $0.0e+00;
	vm0 =	vmor vm11, vm10;
	v2 =	vnsel vm9, $0x0, v35;
	v36 =	vpop (erf);
	[tilespmem:$0x690] =	vst v0  }
0x7d: {  	vm7 =	vgt.f32 v19, $0.0e+00;
	vm1 =	vmor vm13, vm12;
	v37 =	vpop (erf);
	[tilespmem:$0x6A0] =	vst v2;
	v1 =	vnsel vm0, $0x0, v36  }
0x7e: {  	vm8 =	vlt.f32 v21, $0.0e+00;
	vm5 =	vmor vm15, vm14;
	v0 =	vnsel vm1, $0x0, v37;
	v38 =	vpop (erf);
	[tilespmem:$0x6B0] =	vst v1  }
0x7f: {  	vm9 =	vgt.f32 v21, $0.0e+00;
	vm0 =	vmor vm7, vm6;
	v39 =	vnsel vm5, $0x0, v38;
	[tilespmem:$0x6C0] =	vst v0;
	v40 =	vpop (erf)  }
0x80: {  	vm10 =	vmor vm9, vm8;
	[tilespmem:$0x6D0] =	vst v39;
	v0 =	vnsel vm0, $0x0, v40;
	v41 =	vpop (erf)  }
0x81: {  	[tilespmem:$0x6E0] =	vst v0;
	v42 =	vnsel vm10, $0x0, v41  }
0x82: {  	[tilespmem:$0x6F0] =	vst v42  }
0x83: {  	[hbm4b:s9+s2] =	stream.linear.scatter [tilespmem:s26], [sflag:$0x6], $0x80, $0x38;
	[tilespmem:$0x800] =	vst v63  }
0x84: {  	_ =	swait.ge [sflag:s28], $0x80  }
0x85: {  	[sflag:s28] =	ssyncset.done $0x0  }
0x86: {  	[sflag:s28] =	ssyncadd.s32 $0xFFFFFF80  }
0x87: {  	v43 =	vld [tilespmem:$0x100]  }
0x88: {  	v44 =	vld [tilespmem:$0x500]  }
0x89: {  	v45 =	vld [tilespmem:$0x110]  }
0x8a: {  	v46 =	vld [tilespmem:$0x510]  }
0x8b: {  	v47 =	vld [tilespmem:$0x120]  }
0x8c: {  	v48 =	vld [tilespmem:$0x520]  }
0x8d: {  	v49 =	vld [tilespmem:$0x130]  }
0x8e: {  	v50 =	vld [tilespmem:$0x530]  }
0x8f: {  	v51 =	vld [tilespmem:$0x140]  }
0x90: {  	v52 =	vld [tilespmem:$0x540]  }
0x91: {  	v53 =	vld [tilespmem:$0x150]  }
0x92: {  	v54 =	vld [tilespmem:$0x550];
	v1 =	vsub.f32 v43, v44  }
0x93: {  	v55 =	vld [tilespmem:$0x160]  }
0x94: {  	v56 =	vld [tilespmem:$0x560];
	v1 =	vmul.f32 $1.442695020e+00, v1  }
0x95: {  	v57 =	vld [tilespmem:$0x170];
	v3 =	vsub.f32 v45, v46  }
0x96: {  	v60 =	vld [tilespmem:$0x570];
	v5 =	vsub.f32 v47, v48;
	(erf) = vpow2.f32 v1  }
0x97: {  	v59 =	vsub.f32 v49, v50;
	v3 =	vmul.f32 $1.442695020e+00, v3  }
0x98: {  	v61 =	vsub.f32 v51, v52;
	v58 =	vmul.f32 $1.442695020e+00, v5  }
0x99: {  	v63 =	vsub.f32 v53, v54;
	v62 =	vmul.f32 $1.442695020e+00, v59;
	(erf) = vpow2.f32 v3  }
0x9a: {  	v11 =	vsub.f32 v55, v56;
	v3 =	vmul.f32 $1.442695020e+00, v61;
	(erf) = vpow2.f32 v58  }
0x9b: {  	v13 =	vsub.f32 v57, v60;
	v9 =	vmul.f32 $1.442695020e+00, v63;
	(erf) = vpow2.f32 v62  }
0x9c: {  	v15 =	vmul.f32 $1.442695020e+00, v11;
	(erf) = vpow2.f32 v3  }
0x9d: {  	vm11 =	vlt.f32 v43, $0.0e+00;
	v16 =	vmul.f32 $1.442695020e+00, v13;
	(erf) = vpow2.f32 v9  }
0x9e: {  	vm12 =	vgt.f32 v43, $0.0e+00;
	vm13 =	vlt.f32 v45, $0.0e+00;
	(erf) = vpow2.f32 v15  }
0x9f: {  	vm14 =	vgt.f32 v45, $0.0e+00;
	vm15 =	vlt.f32 v47, $0.0e+00;
	v17 =	vpop (erf);
	(erf) = vpow2.f32 v16  }
0xa0: {  	vm6 =	vgt.f32 v47, $0.0e+00;
	vm8 =	vlt.f32 v49, $0.0e+00;
	vm9 =	vgt.f32 v49, $0.0e+00  }
0xa1: {  	vm10 =	vlt.f32 v51, $0.0e+00;
	vm4 =	vgt.f32 v55, $0.0e+00;
	vm0 =	vmor vm12, vm11  }
0xa2: {  	vm5 =	vlt.f32 v57, $0.0e+00;
	vm1 =	vmor vm14, vm13;
	v18 =	vpop (erf);
	v1 =	vnsel vm0, $0x0, v17  }
0xa3: {  	vm7 =	vmor vm6, vm15;
	vm11 =	vgt.f32 v51, $0.0e+00;
	v0 =	vnsel vm1, $0x0, v18;
	v19 =	vpop (erf);
	[tilespmem:$0x700] =	vst v1  }
0xa4: {  	vm12 =	vlt.f32 v53, $0.0e+00;
	vm0 =	vmor vm9, vm8;
	v2 =	vnsel vm7, $0x0, v19;
	v20 =	vpop (erf);
	[tilespmem:$0x710] =	vst v0  }
0xa5: {  	vm13 =	vgt.f32 v53, $0.0e+00;
	vm1 =	vmor vm11, vm10;
	v21 =	vpop (erf);
	[tilespmem:$0x720] =	vst v2;
	v1 =	vnsel vm0, $0x0, v20  }
0xa6: {  	vm15 =	vlt.f32 v55, $0.0e+00;
	vm14 =	vmor vm13, vm12;
	v0 =	vnsel vm1, $0x0, v21;
	v22 =	vpop (erf);
	[tilespmem:$0x730] =	vst v1  }
0xa7: {  	vm6 =	vgt.f32 v57, $0.0e+00;
	vm0 =	vmor vm4, vm15;
	v23 =	vnsel vm14, $0x0, v22;
	[tilespmem:$0x740] =	vst v0;
	v24 =	vpop (erf)  }
0xa8: {  	vm7 =	vmor vm6, vm5;
	[tilespmem:$0x750] =	vst v23;
	v0 =	vnsel vm0, $0x0, v24;
	v25 =	vpop (erf)  }
0xa9: {  	[tilespmem:$0x760] =	vst v0;
	v26 =	vnsel vm7, $0x0, v25  }
0xaa: {  	[tilespmem:$0x770] =	vst v26  }
0xab: {  	[hbm4b:s10+s2] =	stream.linear.scatter [tilespmem:s29], [sflag:$0x6], $0x80, $0x38;
	[tilespmem:$0x800] =	vst v63  }
0xac: {  	_ =	swait.ge [sflag:s30], $0x80  }
0xad: {  	[sflag:s30] =	ssyncset.done $0x0  }
0xae: {  	[sflag:s30] =	ssyncadd.s32 $0xFFFFFF80  }
0xaf: {  	v27 =	vld [tilespmem:$0x180]  }
0xb0: {  	v28 =	vld [tilespmem:$0x580]  }
0xb1: {  	v29 =	vld [tilespmem:$0x190]  }
0xb2: {  	v30 =	vld [tilespmem:$0x590]  }
0xb3: {  	v31 =	vld [tilespmem:$0x1A0]  }
0xb4: {  	v32 =	vld [tilespmem:$0x5A0]  }
0xb5: {  	v33 =	vld [tilespmem:$0x1B0]  }
0xb6: {  	v34 =	vld [tilespmem:$0x5B0]  }
0xb7: {  	v35 =	vld [tilespmem:$0x1C0]  }
0xb8: {  	v36 =	vld [tilespmem:$0x5C0]  }
0xb9: {  	v37 =	vld [tilespmem:$0x1D0]  }
0xba: {  	v38 =	vld [tilespmem:$0x5D0];
	v1 =	vsub.f32 v27, v28  }
0xbb: {  	v39 =	vld [tilespmem:$0x1E0]  }
0xbc: {  	v40 =	vld [tilespmem:$0x5E0];
	v1 =	vmul.f32 $1.442695020e+00, v1  }
0xbd: {  	v41 =	vld [tilespmem:$0x1F0];
	v3 =	vsub.f32 v29, v30  }
0xbe: {  	v44 =	vld [tilespmem:$0x5F0];
	v5 =	vsub.f32 v31, v32;
	(erf) = vpow2.f32 v1  }
0xbf: {  	v43 =	vsub.f32 v33, v34;
	v3 =	vmul.f32 $1.442695020e+00, v3  }
0xc0: {  	v45 =	vsub.f32 v35, v36;
	v42 =	vmul.f32 $1.442695020e+00, v5  }
0xc1: {  	v47 =	vsub.f32 v37, v38;
	v46 =	vmul.f32 $1.442695020e+00, v43;
	(erf) = vpow2.f32 v3  }
0xc2: {  	v49 =	vsub.f32 v39, v40;
	v3 =	vmul.f32 $1.442695020e+00, v45;
	(erf) = vpow2.f32 v42  }
0xc3: {  	v50 =	vsub.f32 v41, v44;
	v48 =	vmul.f32 $1.442695020e+00, v47;
	(erf) = vpow2.f32 v46  }
0xc4: {  	v51 =	vmul.f32 $1.442695020e+00, v49;
	(erf) = vpow2.f32 v3  }
0xc5: {  	vm8 =	vlt.f32 v27, $0.0e+00;
	v3 =	vmul.f32 $1.442695020e+00, v50;
	(erf) = vpow2.f32 v48  }
0xc6: {  	vm9 =	vgt.f32 v27, $0.0e+00;
	vm10 =	vlt.f32 v29, $0.0e+00;
	(erf) = vpow2.f32 v51  }
0xc7: {  	vm11 =	vgt.f32 v29, $0.0e+00;
	vm13 =	vlt.f32 v31, $0.0e+00;
	v52 =	vpop (erf);
	(erf) = vpow2.f32 v3  }
0xc8: {  	vm14 =	vgt.f32 v31, $0.0e+00;
	vm4 =	vlt.f32 v33, $0.0e+00;
	vm5 =	vgt.f32 v33, $0.0e+00  }
0xc9: {  	vm6 =	vlt.f32 v35, $0.0e+00;
	vm7 =	vgt.f32 v35, $0.0e+00;
	vm0 =	vmor vm9, vm8  }
0xca: {  	vm12 =	vmor vm11, vm10;
	vm15 =	vmor vm14, vm13;
	v53 =	vpop (erf);
	v0 =	vnsel vm0, $0x0, v52  }
0xcb: {  	vm1 =	vmor vm7, vm6;
	vm8 =	vlt.f32 v37, $0.0e+00;
	v54 =	vpop (erf);
	v1 =	vnsel vm12, $0x0, v53;
	[tilespmem:$0x780] =	vst v0  }
0xcc: {  	vm9 =	vgt.f32 v37, $0.0e+00;
	vm0 =	vmor vm5, vm4;
	v2 =	vnsel vm15, $0x0, v54;
	v55 =	vpop (erf);
	[tilespmem:$0x790] =	vst v1  }
0xcd: {  	vm11 =	vlt.f32 v39, $0.0e+00;
	vm13 =	vlt.f32 v41, $0.0e+00;
	v56 =	vpop (erf);
	v57 =	vnsel vm0, $0x0, v55;
	[tilespmem:$0x7A0] =	vst v2  }
0xce: {  	vm10 =	vmor vm9, vm8;
	vm12 =	vgt.f32 v39, $0.0e+00;
	v58 =	vpop (erf);
	v0 =	vnsel vm1, $0x0, v56;
	[tilespmem:$0x7B0] =	vst v57  }
0xcf: {  	vm14 =	vgt.f32 v41, $0.0e+00;
	vm0 =	vmor vm12, vm11;
	v59 =	vnsel vm10, $0x0, v58;
	v60 =	vpop (erf);
	[tilespmem:$0x7C0] =	vst v0  }
0xd0: {  	vm15 =	vmor vm14, vm13;
	v61 =	vnsel vm0, $0x0, v60;
	[tilespmem:$0x7D0] =	vst v59;
	v62 =	vpop (erf)  }
0xd1: {  	[tilespmem:$0x7E0] =	vst v61;
	v63 =	vnsel vm15, $0x0, v62  }
0xd2: {  	[tilespmem:$0x7F0] =	vst v63  }
0xd3: {  	[hbm4b:s11+s2] =	stream.linear.scatter [tilespmem:s31], [sflag:$0x6], $0x80, $0x38;
	[tilespmem:$0x800] =	vst v63  }
0xd4: {  	_ =	swait.ge [sflag:s0], $0x80  }
0xd5: {  	[sflag:s0] =	ssyncset.done $0x0  }
0xd6: {  	[sflag:s0] =	ssyncadd.s32 $0xFFFFFF80  }
0xd7: {  	_ =	swait.ge [sflag:s0], $0x80  }
0xd8: {  	[sflag:s0] =	ssyncset.done $0x0  }
0xd9: {  	[sflag:s0] =	ssyncadd.s32 $0xFFFFFF80  }
0xda: {  	p0 =	sne.s32 s12, $0x1;
	_ =	swait.ge [sflag:s0], $0x80  }
.Ltmp0:
0xdb: {  	[sflag:s0] =	ssyncset.done $0x0;
	(pc) =	sbr.rel @p0 .LBB2_1-.Ltmp0, $4  }
0xdc: {  	[sflag:s0] =	ssyncadd.s32 $0xFFFFFF80  }
0xdd: {  	_ =	swait.ge [sflag:s0], $0x80  }
0xde: {  	[sflag:s0] =	ssyncset.done $0x0  }
0xdf: {  	s12 =	sadd.s32 $0xFFFFFFFF, s12;
	[sflag:s0] =	ssyncadd.s32 $0xFFFFFF80  }
0xe0: {  	_ =	sfence.sel $0x180000  }
0xe1: {  	[bflag:$0x0] =	sbarrier.arrive $0xFFFF  }
0xe2: {  	_ =	strace $0x9000004A  }
0xe3: {  	s0 =	stileid.u32;
	[bflag:$0x2] =	sbarrier.arrive $0xFFFF  }
0xe4: {  	p0 =	sne.s32 s0, $0x0;
	s0 =	rddreg [dreg:$0x3]  }
0xe5: {  	s0 =	sadd.s32 @!p0 $0x100000, s0  }
0xe6: {  	[sflag:s0] =	ssyncadd.tile.s32 @!p0 $0x1;
	_ =	shalt  }
.Lfunc_end2:
_tile_overlayer_lowered:
.L_overlay_start_2:
0xe7: {  	(tag) =	ssettag $0x2  }
0xe8: {  	s0 =	rddreg [dreg:$0x0];
	s2 =	stileid.u32  }
0xe9: {  	s1 =	rddreg [dreg:$0x1];
	p0 =	sne.s32 s2, $0x0  }
0xea: {  	s3 =	rddreg [dreg:$0x2];
	[bflag:$0x3] =	sbarrier.arrive $0xFFFF;
	s2 =	simm.s32 @!p0 $0x1C07  }
0xeb: {  	[timem:s3], [sflag:s2] =	dma.local @!p0 [hbm:s0], s1  }
0xec: {  	s0 =	simm.s32 @!p0 $0x7  }
0xed: {  	_ =	swait.ge @!p0 [sflag:s0], s1  }
0xee: {  	s1 =	ssub.s32 @!p0 $0x0, s1;
	[sflag:s0] =	ssyncset.done @!p0 $0x0  }
0xef: {  	[sflag:s0] =	ssyncadd.s32 @!p0 s1  }
0xf0: {  	[bflag:$0x3] =	sbarrier.arrive $0xFFFF  }
0xf1: {  	_ =	shalt  }

</sc_bundles>
